<compile_context>
chip_gen: v7x
topology: tpu7x:2x2x1
jax: 0.10.2.dev20260603
libtpu: 0.0.44.dev20260713+nightly
codegen_flags: <defaults>
</compile_context>

<pallas_src>
import dataclasses
import functools

import jax
import jax.numpy as jnp
from jax import lax
from jax.experimental import pallas as pl
from jax.experimental.pallas import tpu as pltpu
from jax.experimental.pallas import tpu_sc as plsc

N = 10000
E = 320000
D = 128

NC = 2
NS = 16
L = 16
NW = NC * NS

K = 80
CH = 128
EPT = CH * K
E_PAD = NW * EPT
N_PAD = 10240
RPT = N_PAD // NS
HB = 2 * N_PAD
RED = HB // NS

_mesh = plsc.VectorSubcoreMesh(core_axis_name="c", subcore_axis_name="s")

_sc_params = pltpu.CompilerParams()
if "needs_layout_passes" in pltpu.CompilerParams.__dataclass_fields__:
    _sc_params = dataclasses.replace(_sc_params, needs_layout_passes=False)


@functools.partial(
    pl.kernel,
    mesh=_mesh,
    compiler_params=_sc_params,
    out_type=jax.ShapeDtypeStruct((NC, HB), jnp.int32),
    scratch_types=[
        pltpu.VMEM((EPT,), jnp.int32),
        pltpu.VMEM((EPT,), jnp.int32),
        pltpu.VMEM((HB,), jnp.int32),
        pltpu.VMEM((NS, RED), jnp.int32),
        pltpu.VMEM((RED,), jnp.int32),
        pltpu.VMEM_SHARED((NS, HB), jnp.int32),
    ],
)
def _sc_hist(src_hbm, dst_hbm, deg_hbm, sidx, didx, hist, red, outb, stage):
    cid = lax.axis_index("c")
    sid = lax.axis_index("s")
    wid = cid * NS + sid

    zero = jnp.zeros((L,), jnp.int32)

    @pl.loop(0, HB, step=L)
    def _(i):
        hist[pl.ds(i, L)] = zero

    pltpu.sync_copy(src_hbm.at[pl.ds(wid * EPT, EPT)], sidx)
    pltpu.sync_copy(dst_hbm.at[pl.ds(wid * EPT, EPT)], didx)

    ones = jnp.ones((L,), jnp.int32)

    @pl.loop(0, EPT, step=L)
    def _(i):
        s = sidx[pl.ds(i, L)]
        d = didx[pl.ds(i, L)]
        plsc.addupdate_scatter(hist, [s], ones)
        plsc.addupdate_scatter(hist, [d + N_PAD], ones)

    pltpu.sync_copy(hist, stage.at[sid])
    plsc.subcore_barrier()
    for r in range(NS):
        pltpu.sync_copy(stage.at[r, pl.ds(sid * RED, RED)], red.at[r])

    @pl.loop(0, RED, step=L)
    def _(j):
        acc = red[0, pl.ds(j, L)]
        for r in range(1, NS):
            acc = acc + red[r, pl.ds(j, L)]
        outb[pl.ds(j, L)] = acc

    pltpu.sync_copy(outb, deg_hbm.at[cid, pl.ds(sid * RED, RED)])


_NBUF = 2
_PD = 1
_NSPLIT = 5
_H = K // _NSPLIT


@functools.partial(
    pl.kernel,
    mesh=_mesh,
    out_type=jax.ShapeDtypeStruct((NC, N_PAD, D), jnp.float32),
    scratch_types=[
        pltpu.VMEM((EPT,), jnp.int32),
        pltpu.VMEM((CH, K), jnp.int32),
    ]
    + [pltpu.VMEM((K, D), jnp.float32)] * _NBUF
    + [pltpu.VMEM_SHARED((N_PAD, D), jnp.float32)]
    + [pltpu.SemaphoreType.DMA] * (_NBUF * _NSPLIT),
)
def _sc_scatter(hp_hbm, src_hbm, dst3_hbm, out_hbm, sidx, didx, *rest):
    gbufs = list(rest[:_NBUF])
    acc = rest[_NBUF]
    gsems = list(rest[_NBUF + 1:])
    cid = lax.axis_index("c")
    sid = lax.axis_index("s")
    wid = cid * NS + sid

    zero = jnp.zeros((L,), jnp.float32)

    @pl.loop(0, K * D, step=L)
    def _(i):
        r = i // D
        c = i - r * D
        gbufs[0][r, pl.ds(c, L)] = zero

    for z in range(RPT // K):
        pltpu.sync_copy(gbufs[0], acc.at[pl.ds(sid * RPT + z * K, K)])
    plsc.subcore_barrier()

    pltpu.sync_copy(src_hbm.at[pl.ds(wid * EPT, EPT)], sidx)
    pltpu.sync_copy(dst3_hbm.at[wid], didx)

    def _gather(ch, b, h):
        return pltpu.make_async_copy(
            hp_hbm.at[sidx.at[pl.ds(ch * K + h * _H, _H)]],
            gbufs[b].at[pl.ds(h * _H, _H)], gsems[b * _NSPLIT + h])

    for b in range(_PD):
        for h in range(_NSPLIT):
            _gather(b, b, h).start()

    @pl.loop(0, CH, step=_NBUF)
    def _(ch0):
        for b in range(_NBUF):
            ch = ch0 + b
            for h in range(_NSPLIT):
                _gather(ch, b, h).wait()
            nxt = ch + _PD

            @pl.when(nxt < CH)
            def _():
                for h in range(_NSPLIT):
                    _gather(nxt, (b + _PD) % _NBUF, h).start()

            pltpu.sync_copy(gbufs[b], acc.at[didx.at[ch]], add=True)

    plsc.subcore_barrier()
    pltpu.sync_copy(acc.at[pl.ds(sid * RPT, RPT)],
                    out_hbm.at[cid, pl.ds(sid * RPT, RPT)])


_BR1 = 1024


def _hp_body(x_ref, w_ref, dg_ref, hp_ref):
    deg = (dg_ref[0, :] + dg_ref[1, :]).astype(jnp.float32)
    norm = lax.rsqrt(jnp.maximum(deg, 1.0))
    h = jnp.dot(x_ref[...], w_ref[...], preferred_element_type=jnp.float32)
    hp_ref[...] = h * norm[:, None]


_hp_call = pl.pallas_call(
    _hp_body,
    grid=(N_PAD // _BR1,),
    in_specs=[
        pl.BlockSpec((_BR1, D), lambda i: (i, 0)),
        pl.BlockSpec((D, D), lambda i: (0, 0)),
        pl.BlockSpec((NC, _BR1), lambda i: (0, i)),
    ],
    out_specs=pl.BlockSpec((_BR1, D), lambda i: (i, 0)),
    out_shape=jax.ShapeDtypeStruct((N_PAD, D), jnp.float32),
)


_BR2 = 1024


def _out_body(p_ref, dg_ref, x_ref, b_ref, o_ref):
    i = pl.program_id(0)
    dg = dg_ref[:, pl.ds(i * _BR2, _BR2)]
    deg = (dg[0, :] + dg[1, :]).astype(jnp.float32)
    norm = lax.rsqrt(jnp.maximum(deg, 1.0))
    p = p_ref[0] + p_ref[1]
    o_ref[...] = p * norm[:, None] + x_ref[...] + b_ref[...]


_out_call = pl.pallas_call(
    _out_body,
    grid=(N_PAD // _BR2,),
    in_specs=[
        pl.BlockSpec((NC, _BR2, D), lambda i: (0, i, 0)),
        pl.BlockSpec((NC, N_PAD), lambda i: (0, 0)),
        pl.BlockSpec((_BR2, D), lambda i: (i, 0)),
        pl.BlockSpec((1, D), lambda i: (0, 0)),
    ],
    out_specs=pl.BlockSpec((_BR2, D), lambda i: (i, 0)),
    out_shape=jax.ShapeDtypeStruct((N_PAD, D), jnp.float32),
)


def kernel(x, edge_index, W, b):
    src = edge_index[0].astype(jnp.int32)
    dst = edge_index[1].astype(jnp.int32)
    pad = jnp.full((E_PAD - E,), N, dtype=jnp.int32)
    srcp = jnp.concatenate([src, pad])
    dstp = jnp.concatenate([dst, pad])
    dst3 = dstp.reshape(NW, CH, K)

    deg = _sc_hist(srcp, dstp)
    degr = deg.reshape(NC, 2, N_PAD)
    deg_out = degr[:, 0, :]
    deg_in = degr[:, 1, :]

    x_pad = jnp.pad(x, ((0, N_PAD - N), (0, 0)))
    hp = _hp_call(x_pad, W, deg_out)

    part = _sc_scatter(hp, srcp, dst3)

    out = _out_call(part, deg_in, x_pad, b.reshape(1, D))
    return out[:N]

# --- scband reference (transcript-rebuilt; emitter-appended) ---
"""Pipeline reference for scband-unit-gcn-27616639713348 (READ-ONLY COPY).

The authoritative reference and input builder live on the scoring server;
editing this copy changes nothing except your own understanding.
"""

import jax, jax.numpy as jnp
import numpy as np

N = 10000
E = 320000
D_IN = 128
D_OUT = 128

def setup_inputs(seed: int = 0) -> dict:
    key = jax.random.key(seed)
    k1, k2, k3 = jax.random.split(key, 3)
    x = jax.random.normal(k1, (N, D_IN), dtype=jnp.float32)
    edge_index = jax.random.randint(k2, (2, E), 0, N, dtype=jnp.int32)
    # GCNConv learned parameters: weight [in, out], bias [out]
    W = jax.random.normal(k3, (D_IN, D_OUT), dtype=jnp.float32) * (1.0 / np.sqrt(D_IN))
    b = jnp.zeros((D_OUT,), dtype=jnp.float32)
    return {"x": x, "edge_index": edge_index, "W": W, "b": b}

def reference(x, edge_index, W, b):
    src = edge_index[0]
    dst = edge_index[1]
    # symmetric GCN normalization: 1/sqrt(deg_out(src)) * 1/sqrt(deg_in(dst))
    deg_out = jnp.bincount(src, length=N).astype(jnp.float32)
    deg_in = jnp.bincount(dst, length=N).astype(jnp.float32)
    deg_out = jnp.clip(deg_out, 1.0, None)
    deg_in = jnp.clip(deg_in, 1.0, None)
    norm_src = jax.lax.rsqrt(deg_out)
    norm_dst = jax.lax.rsqrt(deg_in)
    coef = norm_src[src] * norm_dst[dst]  # [E]
    # linear transform then gather-message-scatter
    h = x @ W  # [N, D_OUT]
    msg = h[src] * coef[:, None]  # gather + scale, [E, D_OUT]
    agg = jax.ops.segment_sum(msg, dst, num_segments=N)  # scatter-add, [N, D_OUT]
    # bias + residual (in_channels == out_channels -> identity residual)
    out = agg + b + x
    return out

if __name__ == "__main__":
    import jax
    _d = setup_inputs()
    print(jax.jit(kernel)(*tuple(_d.values())))

</pallas_src>

<mosaic_0001>
#map = affine_map<(d0, d1) -> (0, 0)>
#map1 = affine_map<(d0, d1) -> (0)>
#map2 = affine_map<(d0, d1) -> (0, 0, 0)>
module attributes {stable_mosaic.version = 14 : i64} {
  func.func @_sc_scatter(%arg0: i32, %arg1: i32, %arg2: memref<10240x128xf32, #tpu.memory_space<hbm>>, %arg3: memref<327680xi32, #tpu.memory_space<hbm>>, %arg4: memref<32x128x80xi32, #tpu.memory_space<hbm>>, %arg5: memref<2x10240x128xf32, #tpu.memory_space<hbm>>, %arg6: memref<10240xi32, #tpu.memory_space<vmem>>, %arg7: memref<128x80xi32, #tpu.memory_space<vmem>>, %arg8: memref<80x128xf32, #tpu.memory_space<vmem>>, %arg9: memref<80x128xf32, #tpu.memory_space<vmem>>, %arg10: memref<10240x128xf32, #tpu.memory_space<vmem_shared>>, %arg11: memref<!tpu.dma_semaphore, #tpu.memory_space<semaphore_mem>>, %arg12: memref<!tpu.dma_semaphore, #tpu.memory_space<semaphore_mem>>, %arg13: memref<!tpu.dma_semaphore, #tpu.memory_space<semaphore_mem>>, %arg14: memref<!tpu.dma_semaphore, #tpu.memory_space<semaphore_mem>>, %arg15: memref<!tpu.dma_semaphore, #tpu.memory_space<semaphore_mem>>, %arg16: memref<!tpu.dma_semaphore, #tpu.memory_space<semaphore_mem>>, %arg17: memref<!tpu.dma_semaphore, #tpu.memory_space<semaphore_mem>>, %arg18: memref<!tpu.dma_semaphore, #tpu.memory_space<semaphore_mem>>, %arg19: memref<!tpu.dma_semaphore, #tpu.memory_space<semaphore_mem>>, %arg20: memref<!tpu.dma_semaphore, #tpu.memory_space<semaphore_mem>>) attributes {dimension_semantics = [#tpu.dimension_semantics<core_parallel>, #tpu.dimension_semantics<subcore_parallel>], iteration_bounds = array<i64: 2, 16>, scalar_prefetch = 0 : i64, scratch_operands = 15 : i64, tpu.core_type = #tpu.core_type<sc_vector_subcore>, window_params = [{transform_indices = #map}, {transform_indices = #map1}, {transform_indices = #map2}, {transform_indices = #map2}]} {
    %mul3A = arith.constant 16 : i32
    %mul3A_0 = arith.muli %arg0, %mul3A : i32
    %add3A = arith.addi %mul3A_0, %arg1 : i32
    %broadcast_in_dim3A = arith.constant 0.000000e+00 : f32
    %broadcast_in_dim3A_1 = vector.broadcast %broadcast_in_dim3A : f32 to vector<16xf32>
    %scan3A = arith.constant 0 : i32
    %scan3A_2 = arith.constant 640 : i32
    %scan3A_3 = arith.addi %scan3A, %scan3A_2 : i32
    %scan3A_4 = arith.constant 1 : i32
    scf.for %scan3A_89 = %scan3A to %scan3A_3 step %scan3A_4  : i32 {
      %mul3A_90 = arith.constant 16 : i32
      %mul3A_91 = arith.muli %scan3A_89, %mul3A_90 : i32
      %add3A_92 = arith.constant 0 : i32
      %add3A_93 = arith.addi %add3A_92, %mul3A_91 : i32
      %jit3A = arith.constant 128 : i32
      %div3A = arith.divsi %add3A_93, %jit3A : i32
      %sign3A = arith.constant 0 : i32
      %sign3A_94 = arith.cmpi sgt, %add3A_93, %sign3A : i32
      %sign3A_95 = arith.extui %sign3A_94 : i1 to i32
      %sign3A_96 = arith.constant 0 : i32
      %sign3A_97 = arith.cmpi slt, %add3A_93, %sign3A_96 : i32
      %sign3A_98 = arith.extui %sign3A_97 : i1 to i32
      %sign3A_99 = arith.subi %sign3A_95, %sign3A_98 : i32
      %sign3A_100 = arith.constant 0 : i32
      %sign3A_101 = arith.cmpi sgt, %jit3A, %sign3A_100 : i32
      %sign3A_102 = arith.extui %sign3A_101 : i1 to i32
      %sign3A_103 = arith.constant 0 : i32
      %sign3A_104 = arith.cmpi slt, %jit3A, %sign3A_103 : i32
      %sign3A_105 = arith.extui %sign3A_104 : i1 to i32
      %sign3A_106 = arith.subi %sign3A_102, %sign3A_105 : i32
      %ne3A = arith.cmpi ne, %sign3A_99, %sign3A_106 : i32
      %rem3A = arith.remsi %add3A_93, %jit3A : i32
      %ne3A_107 = arith.constant 0 : i32
      %ne3A_108 = arith.cmpi ne, %rem3A, %ne3A_107 : i32
      %and3A = arith.andi %ne3A, %ne3A_108 : i1
      %sub3A = arith.constant 1 : i32
      %sub3A_109 = arith.subi %div3A, %sub3A : i32
      %select_n3A = arith.select %and3A, %sub3A_109, %div3A : i32
      %mul3A_110 = arith.constant 128 : i32
      %mul3A_111 = arith.muli %select_n3A, %mul3A_110 : i32
      %sub3A_112 = arith.subi %add3A_93, %mul3A_111 : i32
      %swap3A = arith.index_cast %select_n3A : i32 to index
      %swap3A_113 = arith.index_cast %sub3A_112 : i32 to index
      %swap3A_114 = tpu.vector_load %arg8[%swap3A, %swap3A_113] {strides = array<i32>} : memref<80x128xf32, #tpu.memory_space<vmem>>, vector<1x16xf32>,
      %swap3A_115 = vector.shape_cast %swap3A_114 : vector<1x16xf32> to vector<16xf32>
      %swap3A_116 = vector.shape_cast %broadcast_in_dim3A_1 : vector<16xf32> to vector<1x16xf32>
      tpu.vector_store %arg8[%swap3A, %swap3A_113], %swap3A_116 {strides = array<i32>} : memref<80x128xf32, #tpu.memory_space<vmem>>, vector<1x16xf32>,
    }
    %scan3A_5 = arith.constant 640 : i32
    %mul3A_6 = arith.constant 640 : i32
    %mul3A_7 = arith.muli %arg1, %mul3A_6 : i32
    %add3A_8 = arith.constant 0 : i32
    %add3A_9 = arith.addi %mul3A_7, %add3A_8 : i32
    "tpu.region"() ({
      %run_scoped3A = tpu.sem_alloc : memref<!tpu.dma_semaphore, #tpu.memory_space<semaphore_mem>>
      %dma_start3A_89 = arith.constant 0 : i32
      %dma_start3A_90 = tpu.memref_slice %arg10[%add3A_9, %dma_start3A_89] : memref<10240x128xf32, #tpu.memory_space<vmem_shared>> -> memref<80x128xf32, #tpu.memory_space<vmem_shared>>
      %dma_start3A_91 = arith.constant 0 : i32
      %dma_start3A_92 = tpu.memref_slice %arg10[%add3A_9, %dma_start3A_91] : memref<10240x128xf32, #tpu.memory_space<vmem_shared>> -> memref<80x128xf32, #tpu.memory_space<vmem_shared>>
      tpu.enqueue_dma source(%arg8 : memref<80x128xf32, #tpu.memory_space<vmem>>) target(%dma_start3A_92 : memref<80x128xf32, #tpu.memory_space<vmem_shared>>) target_semaphore(%run_scoped3A : memref<!tpu.dma_semaphore, #tpu.memory_space<semaphore_mem>>)
      %dma_wait3A = arith.constant 0 : i32
      %dma_wait3A_93 = tpu.memref_slice %arg10[%add3A_9, %dma_wait3A] : memref<10240x128xf32, #tpu.memory_space<vmem_shared>> -> memref<80x128xf32, #tpu.memory_space<vmem_shared>>
      %dma_wait3A_94 = arith.constant 0 : i32
      %dma_wait3A_95 = tpu.memref_slice %arg10[%add3A_9, %dma_wait3A_94] : memref<10240x128xf32, #tpu.memory_space<vmem_shared>> -> memref<80x128xf32, #tpu.memory_space<vmem_shared>>
      tpu.wait_dma2 semaphore(%run_scoped3A : memref<!tpu.dma_semaphore, #tpu.memory_space<semaphore_mem>>) src(%arg8 : memref<80x128xf32, #tpu.memory_space<vmem>>) dst(%dma_wait3A_95 : memref<80x128xf32, #tpu.memory_space<vmem_shared>>)
      tpu.yield
    }) : () -> ()
    %mul3A_10 = arith.constant 640 : i32
    %mul3A_11 = arith.muli %arg1, %mul3A_10 : i32
    %add3A_12 = arith.constant 80 : i32
    %add3A_13 = arith.addi %mul3A_11, %add3A_12 : i32
    "tpu.region"() ({
      %run_scoped3A = tpu.sem_alloc : memref<!tpu.dma_semaphore, #tpu.memory_space<semaphore_mem>>
      %dma_start3A_89 = arith.constant 0 : i32
      %dma_start3A_90 = tpu.memref_slice %arg10[%add3A_13, %dma_start3A_89] : memref<10240x128xf32, #tpu.memory_space<vmem_shared>> -> memref<80x128xf32, #tpu.memory_space<vmem_shared>>
      %dma_start3A_91 = arith.constant 0 : i32
      %dma_start3A_92 = tpu.memref_slice %arg10[%add3A_13, %dma_start3A_91] : memref<10240x128xf32, #tpu.memory_space<vmem_shared>> -> memref<80x128xf32, #tpu.memory_space<vmem_shared>>
      tpu.enqueue_dma source(%arg8 : memref<80x128xf32, #tpu.memory_space<vmem>>) target(%dma_start3A_92 : memref<80x128xf32, #tpu.memory_space<vmem_shared>>) target_semaphore(%run_scoped3A : memref<!tpu.dma_semaphore, #tpu.memory_space<semaphore_mem>>)
      %dma_wait3A = arith.constant 0 : i32
      %dma_wait3A_93 = tpu.memref_slice %arg10[%add3A_13, %dma_wait3A] : memref<10240x128xf32, #tpu.memory_space<vmem_shared>> -> memref<80x128xf32, #tpu.memory_space<vmem_shared>>
      %dma_wait3A_94 = arith.constant 0 : i32
      %dma_wait3A_95 = tpu.memref_slice %arg10[%add3A_13, %dma_wait3A_94] : memref<10240x128xf32, #tpu.memory_space<vmem_shared>> -> memref<80x128xf32, #tpu.memory_space<vmem_shared>>
      tpu.wait_dma2 semaphore(%run_scoped3A : memref<!tpu.dma_semaphore, #tpu.memory_space<semaphore_mem>>) src(%arg8 : memref<80x128xf32, #tpu.memory_space<vmem>>) dst(%dma_wait3A_95 : memref<80x128xf32, #tpu.memory_space<vmem_shared>>)
      tpu.yield
    }) : () -> ()
    %mul3A_14 = arith.constant 640 : i32
    %mul3A_15 = arith.muli %arg1, %mul3A_14 : i32
    %add3A_16 = arith.constant 160 : i32
    %add3A_17 = arith.addi %mul3A_15, %add3A_16 : i32
    "tpu.region"() ({
      %run_scoped3A = tpu.sem_alloc : memref<!tpu.dma_semaphore, #tpu.memory_space<semaphore_mem>>
      %dma_start3A_89 = arith.constant 0 : i32
      %dma_start3A_90 = tpu.memref_slice %arg10[%add3A_17, %dma_start3A_89] : memref<10240x128xf32, #tpu.memory_space<vmem_shared>> -> memref<80x128xf32, #tpu.memory_space<vmem_shared>>
      %dma_start3A_91 = arith.constant 0 : i32
      %dma_start3A_92 = tpu.memref_slice %arg10[%add3A_17, %dma_start3A_91] : memref<10240x128xf32, #tpu.memory_space<vmem_shared>> -> memref<80x128xf32, #tpu.memory_space<vmem_shared>>
      tpu.enqueue_dma source(%arg8 : memref<80x128xf32, #tpu.memory_space<vmem>>) target(%dma_start3A_92 : memref<80x128xf32, #tpu.memory_space<vmem_shared>>) target_semaphore(%run_scoped3A : memref<!tpu.dma_semaphore, #tpu.memory_space<semaphore_mem>>)
      %dma_wait3A = arith.constant 0 : i32
      %dma_wait3A_93 = tpu.memref_slice %arg10[%add3A_17, %dma_wait3A] : memref<10240x128xf32, #tpu.memory_space<vmem_shared>> -> memref<80x128xf32, #tpu.memory_space<vmem_shared>>
      %dma_wait3A_94 = arith.constant 0 : i32
      %dma_wait3A_95 = tpu.memref_slice %arg10[%add3A_17, %dma_wait3A_94] : memref<10240x128xf32, #tpu.memory_space<vmem_shared>> -> memref<80x128xf32, #tpu.memory_space<vmem_shared>>
      tpu.wait_dma2 semaphore(%run_scoped3A : memref<!tpu.dma_semaphore, #tpu.memory_space<semaphore_mem>>) src(%arg8 : memref<80x128xf32, #tpu.memory_space<vmem>>) dst(%dma_wait3A_95 : memref<80x128xf32, #tpu.memory_space<vmem_shared>>)
      tpu.yield
    }) : () -> ()
    %mul3A_18 = arith.constant 640 : i32
    %mul3A_19 = arith.muli %arg1, %mul3A_18 : i32
    %add3A_20 = arith.constant 240 : i32
    %add3A_21 = arith.addi %mul3A_19, %add3A_20 : i32
    "tpu.region"() ({
      %run_scoped3A = tpu.sem_alloc : memref<!tpu.dma_semaphore, #tpu.memory_space<semaphore_mem>>
      %dma_start3A_89 = arith.constant 0 : i32
      %dma_start3A_90 = tpu.memref_slice %arg10[%add3A_21, %dma_start3A_89] : memref<10240x128xf32, #tpu.memory_space<vmem_shared>> -> memref<80x128xf32, #tpu.memory_space<vmem_shared>>
      %dma_start3A_91 = arith.constant 0 : i32
      %dma_start3A_92 = tpu.memref_slice %arg10[%add3A_21, %dma_start3A_91] : memref<10240x128xf32, #tpu.memory_space<vmem_shared>> -> memref<80x128xf32, #tpu.memory_space<vmem_shared>>
      tpu.enqueue_dma source(%arg8 : memref<80x128xf32, #tpu.memory_space<vmem>>) target(%dma_start3A_92 : memref<80x128xf32, #tpu.memory_space<vmem_shared>>) target_semaphore(%run_scoped3A : memref<!tpu.dma_semaphore, #tpu.memory_space<semaphore_mem>>)
      %dma_wait3A = arith.constant 0 : i32
      %dma_wait3A_93 = tpu.memref_slice %arg10[%add3A_21, %dma_wait3A] : memref<10240x128xf32, #tpu.memory_space<vmem_shared>> -> memref<80x128xf32, #tpu.memory_space<vmem_shared>>
      %dma_wait3A_94 = arith.constant 0 : i32
      %dma_wait3A_95 = tpu.memref_slice %arg10[%add3A_21, %dma_wait3A_94] : memref<10240x128xf32, #tpu.memory_space<vmem_shared>> -> memref<80x128xf32, #tpu.memory_space<vmem_shared>>
      tpu.wait_dma2 semaphore(%run_scoped3A : memref<!tpu.dma_semaphore, #tpu.memory_space<semaphore_mem>>) src(%arg8 : memref<80x128xf32, #tpu.memory_space<vmem>>) dst(%dma_wait3A_95 : memref<80x128xf32, #tpu.memory_space<vmem_shared>>)
      tpu.yield
    }) : () -> ()
    %mul3A_22 = arith.constant 640 : i32
    %mul3A_23 = arith.muli %arg1, %mul3A_22 : i32
    %add3A_24 = arith.constant 320 : i32
    %add3A_25 = arith.addi %mul3A_23, %add3A_24 : i32
    "tpu.region"() ({
      %run_scoped3A = tpu.sem_alloc : memref<!tpu.dma_semaphore, #tpu.memory_space<semaphore_mem>>
      %dma_start3A_89 = arith.constant 0 : i32
      %dma_start3A_90 = tpu.memref_slice %arg10[%add3A_25, %dma_start3A_89] : memref<10240x128xf32, #tpu.memory_space<vmem_shared>> -> memref<80x128xf32, #tpu.memory_space<vmem_shared>>
      %dma_start3A_91 = arith.constant 0 : i32
      %dma_start3A_92 = tpu.memref_slice %arg10[%add3A_25, %dma_start3A_91] : memref<10240x128xf32, #tpu.memory_space<vmem_shared>> -> memref<80x128xf32, #tpu.memory_space<vmem_shared>>
      tpu.enqueue_dma source(%arg8 : memref<80x128xf32, #tpu.memory_space<vmem>>) target(%dma_start3A_92 : memref<80x128xf32, #tpu.memory_space<vmem_shared>>) target_semaphore(%run_scoped3A : memref<!tpu.dma_semaphore, #tpu.memory_space<semaphore_mem>>)
      %dma_wait3A = arith.constant 0 : i32
      %dma_wait3A_93 = tpu.memref_slice %arg10[%add3A_25, %dma_wait3A] : memref<10240x128xf32, #tpu.memory_space<vmem_shared>> -> memref<80x128xf32, #tpu.memory_space<vmem_shared>>
      %dma_wait3A_94 = arith.constant 0 : i32
      %dma_wait3A_95 = tpu.memref_slice %arg10[%add3A_25, %dma_wait3A_94] : memref<10240x128xf32, #tpu.memory_space<vmem_shared>> -> memref<80x128xf32, #tpu.memory_space<vmem_shared>>
      tpu.wait_dma2 semaphore(%run_scoped3A : memref<!tpu.dma_semaphore, #tpu.memory_space<semaphore_mem>>) src(%arg8 : memref<80x128xf32, #tpu.memory_space<vmem>>) dst(%dma_wait3A_95 : memref<80x128xf32, #tpu.memory_space<vmem_shared>>)
      tpu.yield
    }) : () -> ()
    %mul3A_26 = arith.constant 640 : i32
    %mul3A_27 = arith.muli %arg1, %mul3A_26 : i32
    %add3A_28 = arith.constant 400 : i32
    %add3A_29 = arith.addi %mul3A_27, %add3A_28 : i32
    "tpu.region"() ({
      %run_scoped3A = tpu.sem_alloc : memref<!tpu.dma_semaphore, #tpu.memory_space<semaphore_mem>>
      %dma_start3A_89 = arith.constant 0 : i32
      %dma_start3A_90 = tpu.memref_slice %arg10[%add3A_29, %dma_start3A_89] : memref<10240x128xf32, #tpu.memory_space<vmem_shared>> -> memref<80x128xf32, #tpu.memory_space<vmem_shared>>
      %dma_start3A_91 = arith.constant 0 : i32
      %dma_start3A_92 = tpu.memref_slice %arg10[%add3A_29, %dma_start3A_91] : memref<10240x128xf32, #tpu.memory_space<vmem_shared>> -> memref<80x128xf32, #tpu.memory_space<vmem_shared>>
      tpu.enqueue_dma source(%arg8 : memref<80x128xf32, #tpu.memory_space<vmem>>) target(%dma_start3A_92 : memref<80x128xf32, #tpu.memory_space<vmem_shared>>) target_semaphore(%run_scoped3A : memref<!tpu.dma_semaphore, #tpu.memory_space<semaphore_mem>>)
      %dma_wait3A = arith.constant 0 : i32
      %dma_wait3A_93 = tpu.memref_slice %arg10[%add3A_29, %dma_wait3A] : memref<10240x128xf32, #tpu.memory_space<vmem_shared>> -> memref<80x128xf32, #tpu.memory_space<vmem_shared>>
      %dma_wait3A_94 = arith.constant 0 : i32
      %dma_wait3A_95 = tpu.memref_slice %arg10[%add3A_29, %dma_wait3A_94] : memref<10240x128xf32, #tpu.memory_space<vmem_shared>> -> memref<80x128xf32, #tpu.memory_space<vmem_shared>>
      tpu.wait_dma2 semaphore(%run_scoped3A : memref<!tpu.dma_semaphore, #tpu.memory_space<semaphore_mem>>) src(%arg8 : memref<80x128xf32, #tpu.memory_space<vmem>>) dst(%dma_wait3A_95 : memref<80x128xf32, #tpu.memory_space<vmem_shared>>)
      tpu.yield
    }) : () -> ()
    %mul3A_30 = arith.constant 640 : i32
    %mul3A_31 = arith.muli %arg1, %mul3A_30 : i32
    %add3A_32 = arith.constant 480 : i32
    %add3A_33 = arith.addi %mul3A_31, %add3A_32 : i32
    "tpu.region"() ({
      %run_scoped3A = tpu.sem_alloc : memref<!tpu.dma_semaphore, #tpu.memory_space<semaphore_mem>>
      %dma_start3A_89 = arith.constant 0 : i32
      %dma_start3A_90 = tpu.memref_slice %arg10[%add3A_33, %dma_start3A_89] : memref<10240x128xf32, #tpu.memory_space<vmem_shared>> -> memref<80x128xf32, #tpu.memory_space<vmem_shared>>
      %dma_start3A_91 = arith.constant 0 : i32
      %dma_start3A_92 = tpu.memref_slice %arg10[%add3A_33, %dma_start3A_91] : memref<10240x128xf32, #tpu.memory_space<vmem_shared>> -> memref<80x128xf32, #tpu.memory_space<vmem_shared>>
      tpu.enqueue_dma source(%arg8 : memref<80x128xf32, #tpu.memory_space<vmem>>) target(%dma_start3A_92 : memref<80x128xf32, #tpu.memory_space<vmem_shared>>) target_semaphore(%run_scoped3A : memref<!tpu.dma_semaphore, #tpu.memory_space<semaphore_mem>>)
      %dma_wait3A = arith.constant 0 : i32
      %dma_wait3A_93 = tpu.memref_slice %arg10[%add3A_33, %dma_wait3A] : memref<10240x128xf32, #tpu.memory_space<vmem_shared>> -> memref<80x128xf32, #tpu.memory_space<vmem_shared>>
      %dma_wait3A_94 = arith.constant 0 : i32
      %dma_wait3A_95 = tpu.memref_slice %arg10[%add3A_33, %dma_wait3A_94] : memref<10240x128xf32, #tpu.memory_space<vmem_shared>> -> memref<80x128xf32, #tpu.memory_space<vmem_shared>>
      tpu.wait_dma2 semaphore(%run_scoped3A : memref<!tpu.dma_semaphore, #tpu.memory_space<semaphore_mem>>) src(%arg8 : memref<80x128xf32, #tpu.memory_space<vmem>>) dst(%dma_wait3A_95 : memref<80x128xf32, #tpu.memory_space<vmem_shared>>)
      tpu.yield
    }) : () -> ()
    %mul3A_34 = arith.constant 640 : i32
    %mul3A_35 = arith.muli %arg1, %mul3A_34 : i32
    %add3A_36 = arith.constant 560 : i32
    %add3A_37 = arith.addi %mul3A_35, %add3A_36 : i32
    "tpu.region"() ({
      %run_scoped3A = tpu.sem_alloc : memref<!tpu.dma_semaphore, #tpu.memory_space<semaphore_mem>>
      %dma_start3A_89 = arith.constant 0 : i32
      %dma_start3A_90 = tpu.memref_slice %arg10[%add3A_37, %dma_start3A_89] : memref<10240x128xf32, #tpu.memory_space<vmem_shared>> -> memref<80x128xf32, #tpu.memory_space<vmem_shared>>
      %dma_start3A_91 = arith.constant 0 : i32
      %dma_start3A_92 = tpu.memref_slice %arg10[%add3A_37, %dma_start3A_91] : memref<10240x128xf32, #tpu.memory_space<vmem_shared>> -> memref<80x128xf32, #tpu.memory_space<vmem_shared>>
      tpu.enqueue_dma source(%arg8 : memref<80x128xf32, #tpu.memory_space<vmem>>) target(%dma_start3A_92 : memref<80x128xf32, #tpu.memory_space<vmem_shared>>) target_semaphore(%run_scoped3A : memref<!tpu.dma_semaphore, #tpu.memory_space<semaphore_mem>>)
      %dma_wait3A = arith.constant 0 : i32
      %dma_wait3A_93 = tpu.memref_slice %arg10[%add3A_37, %dma_wait3A] : memref<10240x128xf32, #tpu.memory_space<vmem_shared>> -> memref<80x128xf32, #tpu.memory_space<vmem_shared>>
      %dma_wait3A_94 = arith.constant 0 : i32
      %dma_wait3A_95 = tpu.memref_slice %arg10[%add3A_37, %dma_wait3A_94] : memref<10240x128xf32, #tpu.memory_space<vmem_shared>> -> memref<80x128xf32, #tpu.memory_space<vmem_shared>>
      tpu.wait_dma2 semaphore(%run_scoped3A : memref<!tpu.dma_semaphore, #tpu.memory_space<semaphore_mem>>) src(%arg8 : memref<80x128xf32, #tpu.memory_space<vmem>>) dst(%dma_wait3A_95 : memref<80x128xf32, #tpu.memory_space<vmem_shared>>)
      tpu.yield
    }) : () -> ()
    %barrier3A = arith.constant 0 : index
    tpu.barrier barrier_id(%barrier3A)
    %mul3A_38 = arith.constant 10240 : i32
    %mul3A_39 = arith.muli %add3A, %mul3A_38 : i32
    "tpu.region"() ({
      %run_scoped3A = tpu.sem_alloc : memref<!tpu.dma_semaphore, #tpu.memory_space<semaphore_mem>>
      %dma_start3A_89 = tpu.memref_slice %arg3[%mul3A_39] : memref<327680xi32, #tpu.memory_space<hbm>> -> memref<10240xi32, #tpu.memory_space<hbm>>
      %dma_start3A_90 = tpu.memref_slice %arg3[%mul3A_39] : memref<327680xi32, #tpu.memory_space<hbm>> -> memref<10240xi32, #tpu.memory_space<hbm>>
      tpu.enqueue_dma source(%dma_start3A_90 : memref<10240xi32, #tpu.memory_space<hbm>>) target(%arg6 : memref<10240xi32, #tpu.memory_space<vmem>>) target_semaphore(%run_scoped3A : memref<!tpu.dma_semaphore, #tpu.memory_space<semaphore_mem>>)
      %dma_wait3A = tpu.memref_slice %arg3[%mul3A_39] : memref<327680xi32, #tpu.memory_space<hbm>> -> memref<10240xi32, #tpu.memory_space<hbm>>
      %dma_wait3A_91 = tpu.memref_slice %arg3[%mul3A_39] : memref<327680xi32, #tpu.memory_space<hbm>> -> memref<10240xi32, #tpu.memory_space<hbm>>
      tpu.wait_dma2 semaphore(%run_scoped3A : memref<!tpu.dma_semaphore, #tpu.memory_space<semaphore_mem>>) src(%dma_wait3A_91 : memref<10240xi32, #tpu.memory_space<hbm>>) dst(%arg6 : memref<10240xi32, #tpu.memory_space<vmem>>)
      tpu.yield
    }) : () -> ()
    "tpu.region"() ({
      %run_scoped3A = tpu.sem_alloc : memref<!tpu.dma_semaphore, #tpu.memory_space<semaphore_mem>>
      %dma_start3A_89 = arith.constant 0 : i32
      %dma_start3A_90 = arith.constant 0 : i32
      %dma_start3A_91 = tpu.memref_slice %arg4[%add3A, %dma_start3A_89, %dma_start3A_90] : memref<32x128x80xi32, #tpu.memory_space<hbm>> -> memref<1x128x80xi32, #tpu.memory_space<hbm>>
      %dma_start3A_92 = tpu.memref_squeeze %dma_start3A_91 : memref<1x128x80xi32, #tpu.memory_space<hbm>> -> memref<128x80xi32, #tpu.memory_space<hbm>>
      %dma_start3A_93 = arith.constant 0 : i32
      %dma_start3A_94 = arith.constant 0 : i32
      %dma_start3A_95 = tpu.memref_slice %arg4[%add3A, %dma_start3A_93, %dma_start3A_94] : memref<32x128x80xi32, #tpu.memory_space<hbm>> -> memref<1x128x80xi32, #tpu.memory_space<hbm>>
      %dma_start3A_96 = tpu.memref_squeeze %dma_start3A_95 : memref<1x128x80xi32, #tpu.memory_space<hbm>> -> memref<128x80xi32, #tpu.memory_space<hbm>>
      tpu.enqueue_dma source(%dma_start3A_96 : memref<128x80xi32, #tpu.memory_space<hbm>>) target(%arg7 : memref<128x80xi32, #tpu.memory_space<vmem>>) target_semaphore(%run_scoped3A : memref<!tpu.dma_semaphore, #tpu.memory_space<semaphore_mem>>)
      %dma_wait3A = arith.constant 0 : i32
      %dma_wait3A_97 = arith.constant 0 : i32
      %dma_wait3A_98 = tpu.memref_slice %arg4[%add3A, %dma_wait3A, %dma_wait3A_97] : memref<32x128x80xi32, #tpu.memory_space<hbm>> -> memref<1x128x80xi32, #tpu.memory_space<hbm>>
      %dma_wait3A_99 = tpu.memref_squeeze %dma_wait3A_98 : memref<1x128x80xi32, #tpu.memory_space<hbm>> -> memref<128x80xi32, #tpu.memory_space<hbm>>
      %dma_wait3A_100 = arith.constant 0 : i32
      %dma_wait3A_101 = arith.constant 0 : i32
      %dma_wait3A_102 = tpu.memref_slice %arg4[%add3A, %dma_wait3A_100, %dma_wait3A_101] : memref<32x128x80xi32, #tpu.memory_space<hbm>> -> memref<1x128x80xi32, #tpu.memory_space<hbm>>
      %dma_wait3A_103 = tpu.memref_squeeze %dma_wait3A_102 : memref<1x128x80xi32, #tpu.memory_space<hbm>> -> memref<128x80xi32, #tpu.memory_space<hbm>>
      tpu.wait_dma2 semaphore(%run_scoped3A : memref<!tpu.dma_semaphore, #tpu.memory_space<semaphore_mem>>) src(%dma_wait3A_103 : memref<128x80xi32, #tpu.memory_space<hbm>>) dst(%arg7 : memref<128x80xi32, #tpu.memory_space<vmem>>)
      tpu.yield
    }) : () -> ()
    %dma_start3A = arith.constant 0 : i32
    %dma_start3A_40 = arith.constant 0 : i32
    %dma_start3A_41 = tpu.memref_slice %arg8[%dma_start3A, %dma_start3A_40] : memref<80x128xf32, #tpu.memory_space<vmem>> -> memref<16x128xf32, #tpu.memory_space<vmem>>
    %dma_start3A_42 = arith.constant 0 : i32
    %dma_start3A_43 = tpu.memref_slice %arg6[%dma_start3A_42] : memref<10240xi32, #tpu.memory_space<vmem>> -> memref<16xi32, #tpu.memory_space<vmem>>
    %dma_start3A_44 = arith.constant 0 : i32
    %dma_start3A_45 = arith.constant 0 : i32
    %dma_start3A_46 = tpu.memref_slice %arg2[%dma_start3A_44, %dma_start3A_45] : memref<10240x128xf32, #tpu.memory_space<hbm>> -> memref<10240x128xf32, #tpu.memory_space<hbm>>
    tpu.enqueue_indirect_dma source(%dma_start3A_46 : memref<10240x128xf32, #tpu.memory_space<hbm>>) target(%dma_start3A_41 : memref<16x128xf32, #tpu.memory_space<vmem>>) offsets(%dma_start3A_43 : memref<16xi32, #tpu.memory_space<vmem>>) semaphore(%arg11 : memref<!tpu.dma_semaphore, #tpu.memory_space<semaphore_mem>>)
    %dma_start3A_47 = arith.constant 16 : i32
    %dma_start3A_48 = arith.constant 0 : i32
    %dma_start3A_49 = tpu.memref_slice %arg8[%dma_start3A_47, %dma_start3A_48] : memref<80x128xf32, #tpu.memory_space<vmem>> -> memref<16x128xf32, #tpu.memory_space<vmem>>
    %dma_start3A_50 = arith.constant 16 : i32
    %dma_start3A_51 = tpu.memref_slice %arg6[%dma_start3A_50] : memref<10240xi32, #tpu.memory_space<vmem>> -> memref<16xi32, #tpu.memory_space<vmem>>
    %dma_start3A_52 = arith.constant 0 : i32
    %dma_start3A_53 = arith.constant 0 : i32
    %dma_start3A_54 = tpu.memref_slice %arg2[%dma_start3A_52, %dma_start3A_53] : memref<10240x128xf32, #tpu.memory_space<hbm>> -> memref<10240x128xf32, #tpu.memory_space<hbm>>
    tpu.enqueue_indirect_dma source(%dma_start3A_54 : memref<10240x128xf32, #tpu.memory_space<hbm>>) target(%dma_start3A_49 : memref<16x128xf32, #tpu.memory_space<vmem>>) offsets(%dma_start3A_51 : memref<16xi32, #tpu.memory_space<vmem>>) semaphore(%arg12 : memref<!tpu.dma_semaphore, #tpu.memory_space<semaphore_mem>>)
    %dma_start3A_55 = arith.constant 32 : i32
    %dma_start3A_56 = arith.constant 0 : i32
    %dma_start3A_57 = tpu.memref_slice %arg8[%dma_start3A_55, %dma_start3A_56] : memref<80x128xf32, #tpu.memory_space<vmem>> -> memref<16x128xf32, #tpu.memory_space<vmem>>
    %dma_start3A_58 = arith.constant 32 : i32
    %dma_start3A_59 = tpu.memref_slice %arg6[%dma_start3A_58] : memref<10240xi32, #tpu.memory_space<vmem>> -> memref<16xi32, #tpu.memory_space<vmem>>
    %dma_start3A_60 = arith.constant 0 : i32
    %dma_start3A_61 = arith.constant 0 : i32
    %dma_start3A_62 = tpu.memref_slice %arg2[%dma_start3A_60, %dma_start3A_61] : memref<10240x128xf32, #tpu.memory_space<hbm>> -> memref<10240x128xf32, #tpu.memory_space<hbm>>
    tpu.enqueue_indirect_dma source(%dma_start3A_62 : memref<10240x128xf32, #tpu.memory_space<hbm>>) target(%dma_start3A_57 : memref<16x128xf32, #tpu.memory_space<vmem>>) offsets(%dma_start3A_59 : memref<16xi32, #tpu.memory_space<vmem>>) semaphore(%arg13 : memref<!tpu.dma_semaphore, #tpu.memory_space<semaphore_mem>>)
    %dma_start3A_63 = arith.constant 48 : i32
    %dma_start3A_64 = arith.constant 0 : i32
    %dma_start3A_65 = tpu.memref_slice %arg8[%dma_start3A_63, %dma_start3A_64] : memref<80x128xf32, #tpu.memory_space<vmem>> -> memref<16x128xf32, #tpu.memory_space<vmem>>
    %dma_start3A_66 = arith.constant 48 : i32
    %dma_start3A_67 = tpu.memref_slice %arg6[%dma_start3A_66] : memref<10240xi32, #tpu.memory_space<vmem>> -> memref<16xi32, #tpu.memory_space<vmem>>
    %dma_start3A_68 = arith.constant 0 : i32
    %dma_start3A_69 = arith.constant 0 : i32
    %dma_start3A_70 = tpu.memref_slice %arg2[%dma_start3A_68, %dma_start3A_69] : memref<10240x128xf32, #tpu.memory_space<hbm>> -> memref<10240x128xf32, #tpu.memory_space<hbm>>
    tpu.enqueue_indirect_dma source(%dma_start3A_70 : memref<10240x128xf32, #tpu.memory_space<hbm>>) target(%dma_start3A_65 : memref<16x128xf32, #tpu.memory_space<vmem>>) offsets(%dma_start3A_67 : memref<16xi32, #tpu.memory_space<vmem>>) semaphore(%arg14 : memref<!tpu.dma_semaphore, #tpu.memory_space<semaphore_mem>>)
    %dma_start3A_71 = arith.constant 64 : i32
    %dma_start3A_72 = arith.constant 0 : i32
    %dma_start3A_73 = tpu.memref_slice %arg8[%dma_start3A_71, %dma_start3A_72] : memref<80x128xf32, #tpu.memory_space<vmem>> -> memref<16x128xf32, #tpu.memory_space<vmem>>
    %dma_start3A_74 = arith.constant 64 : i32
    %dma_start3A_75 = tpu.memref_slice %arg6[%dma_start3A_74] : memref<10240xi32, #tpu.memory_space<vmem>> -> memref<16xi32, #tpu.memory_space<vmem>>
    %dma_start3A_76 = arith.constant 0 : i32
    %dma_start3A_77 = arith.constant 0 : i32
    %dma_start3A_78 = tpu.memref_slice %arg2[%dma_start3A_76, %dma_start3A_77] : memref<10240x128xf32, #tpu.memory_space<hbm>> -> memref<10240x128xf32, #tpu.memory_space<hbm>>
    tpu.enqueue_indirect_dma source(%dma_start3A_78 : memref<10240x128xf32, #tpu.memory_space<hbm>>) target(%dma_start3A_73 : memref<16x128xf32, #tpu.memory_space<vmem>>) offsets(%dma_start3A_75 : memref<16xi32, #tpu.memory_space<vmem>>) semaphore(%arg15 : memref<!tpu.dma_semaphore, #tpu.memory_space<semaphore_mem>>)
    %scan3A_79 = arith.constant 0 : i32
    %scan3A_80 = arith.constant 64 : i32
    %scan3A_81 = arith.addi %scan3A_79, %scan3A_80 : i32
    %scan3A_82 = arith.constant 1 : i32
    scf.for %scan3A_89 = %scan3A_79 to %scan3A_81 step %scan3A_82  : i32 {
      %mul3A_90 = arith.constant 2 : i32
      %mul3A_91 = arith.muli %scan3A_89, %mul3A_90 : i32
      %add3A_92 = arith.constant 0 : i32
      %add3A_93 = arith.addi %add3A_92, %mul3A_91 : i32
      %add3A_94 = arith.constant 0 : i32
      %add3A_95 = arith.addi %add3A_93, %add3A_94 : i32
      %mul3A_96 = arith.constant 80 : i32
      %mul3A_97 = arith.muli %add3A_95, %mul3A_96 : i32
      %add3A_98 = arith.constant 0 : i32
      %add3A_99 = arith.addi %mul3A_97, %add3A_98 : i32
      %dma_wait3A = arith.constant 0 : i32
      %dma_wait3A_100 = arith.constant 0 : i32
      %dma_wait3A_101 = tpu.memref_slice %arg8[%dma_wait3A, %dma_wait3A_100] : memref<80x128xf32, #tpu.memory_space<vmem>> -> memref<16x128xf32, #tpu.memory_space<vmem>>
      %dma_wait3A_102 = tpu.memref_slice %arg6[%add3A_99] : memref<10240xi32, #tpu.memory_space<vmem>> -> memref<16xi32, #tpu.memory_space<vmem>>
      %dma_wait3A_103 = arith.constant 0 : i32
      %dma_wait3A_104 = arith.constant 0 : i32
      %dma_wait3A_105 = tpu.memref_slice %arg2[%dma_wait3A_103, %dma_wait3A_104] : memref<10240x128xf32, #tpu.memory_space<hbm>> -> memref<10240x128xf32, #tpu.memory_space<hbm>>
      tpu.wait_indirect_dma semaphore(%arg11 : memref<!tpu.dma_semaphore, #tpu.memory_space<semaphore_mem>>) src(%dma_wait3A_105 : memref<10240x128xf32, #tpu.memory_space<hbm>>) dst(%dma_wait3A_101 : memref<16x128xf32, #tpu.memory_space<vmem>>)
      %mul3A_106 = arith.constant 80 : i32
      %mul3A_107 = arith.muli %add3A_95, %mul3A_106 : i32
      %add3A_108 = arith.constant 16 : i32
      %add3A_109 = arith.addi %mul3A_107, %add3A_108 : i32
      %dma_wait3A_110 = arith.constant 16 : i32
      %dma_wait3A_111 = arith.constant 0 : i32
      %dma_wait3A_112 = tpu.memref_slice %arg8[%dma_wait3A_110, %dma_wait3A_111] : memref<80x128xf32, #tpu.memory_space<vmem>> -> memref<16x128xf32, #tpu.memory_space<vmem>>
      %dma_wait3A_113 = tpu.memref_slice %arg6[%add3A_109] : memref<10240xi32, #tpu.memory_space<vmem>> -> memref<16xi32, #tpu.memory_space<vmem>>
      %dma_wait3A_114 = arith.constant 0 : i32
      %dma_wait3A_115 = arith.constant 0 : i32
      %dma_wait3A_116 = tpu.memref_slice %arg2[%dma_wait3A_114, %dma_wait3A_115] : memref<10240x128xf32, #tpu.memory_space<hbm>> -> memref<10240x128xf32, #tpu.memory_space<hbm>>
      tpu.wait_indirect_dma semaphore(%arg12 : memref<!tpu.dma_semaphore, #tpu.memory_space<semaphore_mem>>) src(%dma_wait3A_116 : memref<10240x128xf32, #tpu.memory_space<hbm>>) dst(%dma_wait3A_112 : memref<16x128xf32, #tpu.memory_space<vmem>>)
      %mul3A_117 = arith.constant 80 : i32
      %mul3A_118 = arith.muli %add3A_95, %mul3A_117 : i32
      %add3A_119 = arith.constant 32 : i32
      %add3A_120 = arith.addi %mul3A_118, %add3A_119 : i32
      %dma_wait3A_121 = arith.constant 32 : i32
      %dma_wait3A_122 = arith.constant 0 : i32
      %dma_wait3A_123 = tpu.memref_slice %arg8[%dma_wait3A_121, %dma_wait3A_122] : memref<80x128xf32, #tpu.memory_space<vmem>> -> memref<16x128xf32, #tpu.memory_space<vmem>>
      %dma_wait3A_124 = tpu.memref_slice %arg6[%add3A_120] : memref<10240xi32, #tpu.memory_space<vmem>> -> memref<16xi32, #tpu.memory_space<vmem>>
      %dma_wait3A_125 = arith.constant 0 : i32
      %dma_wait3A_126 = arith.constant 0 : i32
      %dma_wait3A_127 = tpu.memref_slice %arg2[%dma_wait3A_125, %dma_wait3A_126] : memref<10240x128xf32, #tpu.memory_space<hbm>> -> memref<10240x128xf32, #tpu.memory_space<hbm>>
      tpu.wait_indirect_dma semaphore(%arg13 : memref<!tpu.dma_semaphore, #tpu.memory_space<semaphore_mem>>) src(%dma_wait3A_127 : memref<10240x128xf32, #tpu.memory_space<hbm>>) dst(%dma_wait3A_123 : memref<16x128xf32, #tpu.memory_space<vmem>>)
      %mul3A_128 = arith.constant 80 : i32
      %mul3A_129 = arith.muli %add3A_95, %mul3A_128 : i32
      %add3A_130 = arith.constant 48 : i32
      %add3A_131 = arith.addi %mul3A_129, %add3A_130 : i32
      %dma_wait3A_132 = arith.constant 48 : i32
      %dma_wait3A_133 = arith.constant 0 : i32
      %dma_wait3A_134 = tpu.memref_slice %arg8[%dma_wait3A_132, %dma_wait3A_133] : memref<80x128xf32, #tpu.memory_space<vmem>> -> memref<16x128xf32, #tpu.memory_space<vmem>>
      %dma_wait3A_135 = tpu.memref_slice %arg6[%add3A_131] : memref<10240xi32, #tpu.memory_space<vmem>> -> memref<16xi32, #tpu.memory_space<vmem>>
      %dma_wait3A_136 = arith.constant 0 : i32
      %dma_wait3A_137 = arith.constant 0 : i32
      %dma_wait3A_138 = tpu.memref_slice %arg2[%dma_wait3A_136, %dma_wait3A_137] : memref<10240x128xf32, #tpu.memory_space<hbm>> -> memref<10240x128xf32, #tpu.memory_space<hbm>>
      tpu.wait_indirect_dma semaphore(%arg14 : memref<!tpu.dma_semaphore, #tpu.memory_space<semaphore_mem>>) src(%dma_wait3A_138 : memref<10240x128xf32, #tpu.memory_space<hbm>>) dst(%dma_wait3A_134 : memref<16x128xf32, #tpu.memory_space<vmem>>)
      %mul3A_139 = arith.constant 80 : i32
      %mul3A_140 = arith.muli %add3A_95, %mul3A_139 : i32
      %add3A_141 = arith.constant 64 : i32
      %add3A_142 = arith.addi %mul3A_140, %add3A_141 : i32
      %dma_wait3A_143 = arith.constant 64 : i32
      %dma_wait3A_144 = arith.constant 0 : i32
      %dma_wait3A_145 = tpu.memref_slice %arg8[%dma_wait3A_143, %dma_wait3A_144] : memref<80x128xf32, #tpu.memory_space<vmem>> -> memref<16x128xf32, #tpu.memory_space<vmem>>
      %dma_wait3A_146 = tpu.memref_slice %arg6[%add3A_142] : memref<10240xi32, #tpu.memory_space<vmem>> -> memref<16xi32, #tpu.memory_space<vmem>>
      %dma_wait3A_147 = arith.constant 0 : i32
      %dma_wait3A_148 = arith.constant 0 : i32
      %dma_wait3A_149 = tpu.memref_slice %arg2[%dma_wait3A_147, %dma_wait3A_148] : memref<10240x128xf32, #tpu.memory_space<hbm>> -> memref<10240x128xf32, #tpu.memory_space<hbm>>
      tpu.wait_indirect_dma semaphore(%arg15 : memref<!tpu.dma_semaphore, #tpu.memory_space<semaphore_mem>>) src(%dma_wait3A_149 : memref<10240x128xf32, #tpu.memory_space<hbm>>) dst(%dma_wait3A_145 : memref<16x128xf32, #tpu.memory_space<vmem>>)
      %add3A_150 = arith.constant 1 : i32
      %add3A_151 = arith.addi %add3A_95, %add3A_150 : i32
      %lt3A = arith.constant 128 : i32
      %lt3A_152 = arith.cmpi slt, %add3A_151, %lt3A : i32
      %convert_element_type3A = arith.extui %lt3A_152 : i1 to i32
      %cond3A = arith.constant 0 : i32
      %cond3A_153 = arith.cmpi ne, %convert_element_type3A, %cond3A : i32
      scf.if %cond3A_153 {
        %mul3A_218 = arith.constant 80 : i32
        %mul3A_219 = arith.muli %add3A_151, %mul3A_218 : i32
        %add3A_220 = arith.constant 0 : i32
        %add3A_221 = arith.addi %mul3A_219, %add3A_220 : i32
        %dma_start3A_222 = arith.constant 0 : i32
        %dma_start3A_223 = arith.constant 0 : i32
        %dma_start3A_224 = tpu.memref_slice %arg9[%dma_start3A_222, %dma_start3A_223] : memref<80x128xf32, #tpu.memory_space<vmem>> -> memref<16x128xf32, #tpu.memory_space<vmem>>
        %dma_start3A_225 = tpu.memref_slice %arg6[%add3A_221] : memref<10240xi32, #tpu.memory_space<vmem>> -> memref<16xi32, #tpu.memory_space<vmem>>
        %dma_start3A_226 = arith.constant 0 : i32
        %dma_start3A_227 = arith.constant 0 : i32
        %dma_start3A_228 = tpu.memref_slice %arg2[%dma_start3A_226, %dma_start3A_227] : memref<10240x128xf32, #tpu.memory_space<hbm>> -> memref<10240x128xf32, #tpu.memory_space<hbm>>
        tpu.enqueue_indirect_dma source(%dma_start3A_228 : memref<10240x128xf32, #tpu.memory_space<hbm>>) target(%dma_start3A_224 : memref<16x128xf32, #tpu.memory_space<vmem>>) offsets(%dma_start3A_225 : memref<16xi32, #tpu.memory_space<vmem>>) semaphore(%arg16 : memref<!tpu.dma_semaphore, #tpu.memory_space<semaphore_mem>>)
        %mul3A_229 = arith.constant 80 : i32
        %mul3A_230 = arith.muli %add3A_151, %mul3A_229 : i32
        %add3A_231 = arith.constant 16 : i32
        %add3A_232 = arith.addi %mul3A_230, %add3A_231 : i32
        %dma_start3A_233 = arith.constant 16 : i32
        %dma_start3A_234 = arith.constant 0 : i32
        %dma_start3A_235 = tpu.memref_slice %arg9[%dma_start3A_233, %dma_start3A_234] : memref<80x128xf32, #tpu.memory_space<vmem>> -> memref<16x128xf32, #tpu.memory_space<vmem>>
        %dma_start3A_236 = tpu.memref_slice %arg6[%add3A_232] : memref<10240xi32, #tpu.memory_space<vmem>> -> memref<16xi32, #tpu.memory_space<vmem>>
        %dma_start3A_237 = arith.constant 0 : i32
        %dma_start3A_238 = arith.constant 0 : i32
        %dma_start3A_239 = tpu.memref_slice %arg2[%dma_start3A_237, %dma_start3A_238] : memref<10240x128xf32, #tpu.memory_space<hbm>> -> memref<10240x128xf32, #tpu.memory_space<hbm>>
        tpu.enqueue_indirect_dma source(%dma_start3A_239 : memref<10240x128xf32, #tpu.memory_space<hbm>>) target(%dma_start3A_235 : memref<16x128xf32, #tpu.memory_space<vmem>>) offsets(%dma_start3A_236 : memref<16xi32, #tpu.memory_space<vmem>>) semaphore(%arg17 : memref<!tpu.dma_semaphore, #tpu.memory_space<semaphore_mem>>)
        %mul3A_240 = arith.constant 80 : i32
        %mul3A_241 = arith.muli %add3A_151, %mul3A_240 : i32
        %add3A_242 = arith.constant 32 : i32
        %add3A_243 = arith.addi %mul3A_241, %add3A_242 : i32
        %dma_start3A_244 = arith.constant 32 : i32
        %dma_start3A_245 = arith.constant 0 : i32
        %dma_start3A_246 = tpu.memref_slice %arg9[%dma_start3A_244, %dma_start3A_245] : memref<80x128xf32, #tpu.memory_space<vmem>> -> memref<16x128xf32, #tpu.memory_space<vmem>>
        %dma_start3A_247 = tpu.memref_slice %arg6[%add3A_243] : memref<10240xi32, #tpu.memory_space<vmem>> -> memref<16xi32, #tpu.memory_space<vmem>>
        %dma_start3A_248 = arith.constant 0 : i32
        %dma_start3A_249 = arith.constant 0 : i32
        %dma_start3A_250 = tpu.memref_slice %arg2[%dma_start3A_248, %dma_start3A_249] : memref<10240x128xf32, #tpu.memory_space<hbm>> -> memref<10240x128xf32, #tpu.memory_space<hbm>>
        tpu.enqueue_indirect_dma source(%dma_start3A_250 : memref<10240x128xf32, #tpu.memory_space<hbm>>) target(%dma_start3A_246 : memref<16x128xf32, #tpu.memory_space<vmem>>) offsets(%dma_start3A_247 : memref<16xi32, #tpu.memory_space<vmem>>) semaphore(%arg18 : memref<!tpu.dma_semaphore, #tpu.memory_space<semaphore_mem>>)
        %mul3A_251 = arith.constant 80 : i32
        %mul3A_252 = arith.muli %add3A_151, %mul3A_251 : i32
        %add3A_253 = arith.constant 48 : i32
        %add3A_254 = arith.addi %mul3A_252, %add3A_253 : i32
        %dma_start3A_255 = arith.constant 48 : i32
        %dma_start3A_256 = arith.constant 0 : i32
        %dma_start3A_257 = tpu.memref_slice %arg9[%dma_start3A_255, %dma_start3A_256] : memref<80x128xf32, #tpu.memory_space<vmem>> -> memref<16x128xf32, #tpu.memory_space<vmem>>
        %dma_start3A_258 = tpu.memref_slice %arg6[%add3A_254] : memref<10240xi32, #tpu.memory_space<vmem>> -> memref<16xi32, #tpu.memory_space<vmem>>
        %dma_start3A_259 = arith.constant 0 : i32
        %dma_start3A_260 = arith.constant 0 : i32
        %dma_start3A_261 = tpu.memref_slice %arg2[%dma_start3A_259, %dma_start3A_260] : memref<10240x128xf32, #tpu.memory_space<hbm>> -> memref<10240x128xf32, #tpu.memory_space<hbm>>
        tpu.enqueue_indirect_dma source(%dma_start3A_261 : memref<10240x128xf32, #tpu.memory_space<hbm>>) target(%dma_start3A_257 : memref<16x128xf32, #tpu.memory_space<vmem>>) offsets(%dma_start3A_258 : memref<16xi32, #tpu.memory_space<vmem>>) semaphore(%arg19 : memref<!tpu.dma_semaphore, #tpu.memory_space<semaphore_mem>>)
        %mul3A_262 = arith.constant 80 : i32
        %mul3A_263 = arith.muli %add3A_151, %mul3A_262 : i32
        %add3A_264 = arith.constant 64 : i32
        %add3A_265 = arith.addi %mul3A_263, %add3A_264 : i32
        %dma_start3A_266 = arith.constant 64 : i32
        %dma_start3A_267 = arith.constant 0 : i32
        %dma_start3A_268 = tpu.memref_slice %arg9[%dma_start3A_266, %dma_start3A_267] : memref<80x128xf32, #tpu.memory_space<vmem>> -> memref<16x128xf32, #tpu.memory_space<vmem>>
        %dma_start3A_269 = tpu.memref_slice %arg6[%add3A_265] : memref<10240xi32, #tpu.memory_space<vmem>> -> memref<16xi32, #tpu.memory_space<vmem>>
        %dma_start3A_270 = arith.constant 0 : i32
        %dma_start3A_271 = arith.constant 0 : i32
        %dma_start3A_272 = tpu.memref_slice %arg2[%dma_start3A_270, %dma_start3A_271] : memref<10240x128xf32, #tpu.memory_space<hbm>> -> memref<10240x128xf32, #tpu.memory_space<hbm>>
        tpu.enqueue_indirect_dma source(%dma_start3A_272 : memref<10240x128xf32, #tpu.memory_space<hbm>>) target(%dma_start3A_268 : memref<16x128xf32, #tpu.memory_space<vmem>>) offsets(%dma_start3A_269 : memref<16xi32, #tpu.memory_space<vmem>>) semaphore(%arg20 : memref<!tpu.dma_semaphore, #tpu.memory_space<semaphore_mem>>)
      } else {
      }
      "tpu.region"() ({
        %run_scoped3A = tpu.sem_alloc : memref<!tpu.dma_semaphore, #tpu.memory_space<semaphore_mem>>
        %dma_start3A_218 = arith.constant 0 : i32
        %dma_start3A_219 = tpu.memref_slice %arg7[%add3A_95, %dma_start3A_218] : memref<128x80xi32, #tpu.memory_space<vmem>> -> memref<1x80xi32, #tpu.memory_space<vmem>>
        %dma_start3A_220 = tpu.memref_squeeze %dma_start3A_219 : memref<1x80xi32, #tpu.memory_space<vmem>> -> memref<80xi32, #tpu.memory_space<vmem>>
        %dma_start3A_221 = arith.constant 0 : i32
        %dma_start3A_222 = arith.constant 0 : i32
        %dma_start3A_223 = tpu.memref_slice %arg10[%dma_start3A_221, %dma_start3A_222] : memref<10240x128xf32, #tpu.memory_space<vmem_shared>> -> memref<10240x128xf32, #tpu.memory_space<vmem_shared>>
        tpu.enqueue_indirect_dma source(%arg8 : memref<80x128xf32, #tpu.memory_space<vmem>>) target(%dma_start3A_223 : memref<10240x128xf32, #tpu.memory_space<vmem_shared>>) offsets(%dma_start3A_220 : memref<80xi32, #tpu.memory_space<vmem>>) semaphore(%run_scoped3A : memref<!tpu.dma_semaphore, #tpu.memory_space<semaphore_mem>>) {add = true}
        %dma_wait3A_224 = arith.constant 0 : i32
        %dma_wait3A_225 = tpu.memref_slice %arg7[%add3A_95, %dma_wait3A_224] : memref<128x80xi32, #tpu.memory_space<vmem>> -> memref<1x80xi32, #tpu.memory_space<vmem>>
        %dma_wait3A_226 = tpu.memref_squeeze %dma_wait3A_225 : memref<1x80xi32, #tpu.memory_space<vmem>> -> memref<80xi32, #tpu.memory_space<vmem>>
        %dma_wait3A_227 = arith.constant 0 : i32
        %dma_wait3A_228 = arith.constant 0 : i32
        %dma_wait3A_229 = tpu.memref_slice %arg10[%dma_wait3A_227, %dma_wait3A_228] : memref<10240x128xf32, #tpu.memory_space<vmem_shared>> -> memref<10240x128xf32, #tpu.memory_space<vmem_shared>>
        tpu.wait_indirect_dma semaphore(%run_scoped3A : memref<!tpu.dma_semaphore, #tpu.memory_space<semaphore_mem>>) src(%arg8 : memref<80x128xf32, #tpu.memory_space<vmem>>) dst(%dma_wait3A_229 : memref<10240x128xf32, #tpu.memory_space<vmem_shared>>)
        tpu.yield
      }) : () -> ()
      %add3A_154 = arith.constant 1 : i32
      %add3A_155 = arith.addi %add3A_93, %add3A_154 : i32
      %mul3A_156 = arith.constant 80 : i32
      %mul3A_157 = arith.muli %add3A_155, %mul3A_156 : i32
      %add3A_158 = arith.constant 0 : i32
      %add3A_159 = arith.addi %mul3A_157, %add3A_158 : i32
      %dma_wait3A_160 = arith.constant 0 : i32
      %dma_wait3A_161 = arith.constant 0 : i32
      %dma_wait3A_162 = tpu.memref_slice %arg9[%dma_wait3A_160, %dma_wait3A_161] : memref<80x128xf32, #tpu.memory_space<vmem>> -> memref<16x128xf32, #tpu.memory_space<vmem>>
      %dma_wait3A_163 = tpu.memref_slice %arg6[%add3A_159] : memref<10240xi32, #tpu.memory_space<vmem>> -> memref<16xi32, #tpu.memory_space<vmem>>
      %dma_wait3A_164 = arith.constant 0 : i32
      %dma_wait3A_165 = arith.constant 0 : i32
      %dma_wait3A_166 = tpu.memref_slice %arg2[%dma_wait3A_164, %dma_wait3A_165] : memref<10240x128xf32, #tpu.memory_space<hbm>> -> memref<10240x128xf32, #tpu.memory_space<hbm>>
      tpu.wait_indirect_dma semaphore(%arg16 : memref<!tpu.dma_semaphore, #tpu.memory_space<semaphore_mem>>) src(%dma_wait3A_166 : memref<10240x128xf32, #tpu.memory_space<hbm>>) dst(%dma_wait3A_162 : memref<16x128xf32, #tpu.memory_space<vmem>>)
      %mul3A_167 = arith.constant 80 : i32
      %mul3A_168 = arith.muli %add3A_155, %mul3A_167 : i32
      %add3A_169 = arith.constant 16 : i32
      %add3A_170 = arith.addi %mul3A_168, %add3A_169 : i32
      %dma_wait3A_171 = arith.constant 16 : i32
      %dma_wait3A_172 = arith.constant 0 : i32
      %dma_wait3A_173 = tpu.memref_slice %arg9[%dma_wait3A_171, %dma_wait3A_172] : memref<80x128xf32, #tpu.memory_space<vmem>> -> memref<16x128xf32, #tpu.memory_space<vmem>>
      %dma_wait3A_174 = tpu.memref_slice %arg6[%add3A_170] : memref<10240xi32, #tpu.memory_space<vmem>> -> memref<16xi32, #tpu.memory_space<vmem>>
      %dma_wait3A_175 = arith.constant 0 : i32
      %dma_wait3A_176 = arith.constant 0 : i32
      %dma_wait3A_177 = tpu.memref_slice %arg2[%dma_wait3A_175, %dma_wait3A_176] : memref<10240x128xf32, #tpu.memory_space<hbm>> -> memref<10240x128xf32, #tpu.memory_space<hbm>>
      tpu.wait_indirect_dma semaphore(%arg17 : memref<!tpu.dma_semaphore, #tpu.memory_space<semaphore_mem>>) src(%dma_wait3A_177 : memref<10240x128xf32, #tpu.memory_space<hbm>>) dst(%dma_wait3A_173 : memref<16x128xf32, #tpu.memory_space<vmem>>)
      %mul3A_178 = arith.constant 80 : i32
      %mul3A_179 = arith.muli %add3A_155, %mul3A_178 : i32
      %add3A_180 = arith.constant 32 : i32
      %add3A_181 = arith.addi %mul3A_179, %add3A_180 : i32
      %dma_wait3A_182 = arith.constant 32 : i32
      %dma_wait3A_183 = arith.constant 0 : i32
      %dma_wait3A_184 = tpu.memref_slice %arg9[%dma_wait3A_182, %dma_wait3A_183] : memref<80x128xf32, #tpu.memory_space<vmem>> -> memref<16x128xf32, #tpu.memory_space<vmem>>
      %dma_wait3A_185 = tpu.memref_slice %arg6[%add3A_181] : memref<10240xi32, #tpu.memory_space<vmem>> -> memref<16xi32, #tpu.memory_space<vmem>>
      %dma_wait3A_186 = arith.constant 0 : i32
      %dma_wait3A_187 = arith.constant 0 : i32
      %dma_wait3A_188 = tpu.memref_slice %arg2[%dma_wait3A_186, %dma_wait3A_187] : memref<10240x128xf32, #tpu.memory_space<hbm>> -> memref<10240x128xf32, #tpu.memory_space<hbm>>
      tpu.wait_indirect_dma semaphore(%arg18 : memref<!tpu.dma_semaphore, #tpu.memory_space<semaphore_mem>>) src(%dma_wait3A_188 : memref<10240x128xf32, #tpu.memory_space<hbm>>) dst(%dma_wait3A_184 : memref<16x128xf32, #tpu.memory_space<vmem>>)
      %mul3A_189 = arith.constant 80 : i32
      %mul3A_190 = arith.muli %add3A_155, %mul3A_189 : i32
      %add3A_191 = arith.constant 48 : i32
      %add3A_192 = arith.addi %mul3A_190, %add3A_191 : i32
      %dma_wait3A_193 = arith.constant 48 : i32
      %dma_wait3A_194 = arith.constant 0 : i32
      %dma_wait3A_195 = tpu.memref_slice %arg9[%dma_wait3A_193, %dma_wait3A_194] : memref<80x128xf32, #tpu.memory_space<vmem>> -> memref<16x128xf32, #tpu.memory_space<vmem>>
      %dma_wait3A_196 = tpu.memref_slice %arg6[%add3A_192] : memref<10240xi32, #tpu.memory_space<vmem>> -> memref<16xi32, #tpu.memory_space<vmem>>
      %dma_wait3A_197 = arith.constant 0 : i32
      %dma_wait3A_198 = arith.constant 0 : i32
      %dma_wait3A_199 = tpu.memref_slice %arg2[%dma_wait3A_197, %dma_wait3A_198] : memref<10240x128xf32, #tpu.memory_space<hbm>> -> memref<10240x128xf32, #tpu.memory_space<hbm>>
      tpu.wait_indirect_dma semaphore(%arg19 : memref<!tpu.dma_semaphore, #tpu.memory_space<semaphore_mem>>) src(%dma_wait3A_199 : memref<10240x128xf32, #tpu.memory_space<hbm>>) dst(%dma_wait3A_195 : memref<16x128xf32, #tpu.memory_space<vmem>>)
      %mul3A_200 = arith.constant 80 : i32
      %mul3A_201 = arith.muli %add3A_155, %mul3A_200 : i32
      %add3A_202 = arith.constant 64 : i32
      %add3A_203 = arith.addi %mul3A_201, %add3A_202 : i32
      %dma_wait3A_204 = arith.constant 64 : i32
      %dma_wait3A_205 = arith.constant 0 : i32
      %dma_wait3A_206 = tpu.memref_slice %arg9[%dma_wait3A_204, %dma_wait3A_205] : memref<80x128xf32, #tpu.memory_space<vmem>> -> memref<16x128xf32, #tpu.memory_space<vmem>>
      %dma_wait3A_207 = tpu.memref_slice %arg6[%add3A_203] : memref<10240xi32, #tpu.memory_space<vmem>> -> memref<16xi32, #tpu.memory_space<vmem>>
      %dma_wait3A_208 = arith.constant 0 : i32
      %dma_wait3A_209 = arith.constant 0 : i32
      %dma_wait3A_210 = tpu.memref_slice %arg2[%dma_wait3A_208, %dma_wait3A_209] : memref<10240x128xf32, #tpu.memory_space<hbm>> -> memref<10240x128xf32, #tpu.memory_space<hbm>>
      tpu.wait_indirect_dma semaphore(%arg20 : memref<!tpu.dma_semaphore, #tpu.memory_space<semaphore_mem>>) src(%dma_wait3A_210 : memref<10240x128xf32, #tpu.memory_space<hbm>>) dst(%dma_wait3A_206 : memref<16x128xf32, #tpu.memory_space<vmem>>)
      %add3A_211 = arith.constant 1 : i32
      %add3A_212 = arith.addi %add3A_155, %add3A_211 : i32
      %lt3A_213 = arith.constant 128 : i32
      %lt3A_214 = arith.cmpi slt, %add3A_212, %lt3A_213 : i32
      %convert_element_type3A_215 = arith.extui %lt3A_214 : i1 to i32
      %cond3A_216 = arith.constant 0 : i32
      %cond3A_217 = arith.cmpi ne, %convert_element_type3A_215, %cond3A_216 : i32
      scf.if %cond3A_217 {
        %mul3A_218 = arith.constant 80 : i32
        %mul3A_219 = arith.muli %add3A_212, %mul3A_218 : i32
        %add3A_220 = arith.constant 0 : i32
        %add3A_221 = arith.addi %mul3A_219, %add3A_220 : i32
        %dma_start3A_222 = arith.constant 0 : i32
        %dma_start3A_223 = arith.constant 0 : i32
        %dma_start3A_224 = tpu.memref_slice %arg8[%dma_start3A_222, %dma_start3A_223] : memref<80x128xf32, #tpu.memory_space<vmem>> -> memref<16x128xf32, #tpu.memory_space<vmem>>
        %dma_start3A_225 = tpu.memref_slice %arg6[%add3A_221] : memref<10240xi32, #tpu.memory_space<vmem>> -> memref<16xi32, #tpu.memory_space<vmem>>
        %dma_start3A_226 = arith.constant 0 : i32
        %dma_start3A_227 = arith.constant 0 : i32
        %dma_start3A_228 = tpu.memref_slice %arg2[%dma_start3A_226, %dma_start3A_227] : memref<10240x128xf32, #tpu.memory_space<hbm>> -> memref<10240x128xf32, #tpu.memory_space<hbm>>
        tpu.enqueue_indirect_dma source(%dma_start3A_228 : memref<10240x128xf32, #tpu.memory_space<hbm>>) target(%dma_start3A_224 : memref<16x128xf32, #tpu.memory_space<vmem>>) offsets(%dma_start3A_225 : memref<16xi32, #tpu.memory_space<vmem>>) semaphore(%arg11 : memref<!tpu.dma_semaphore, #tpu.memory_space<semaphore_mem>>)
        %mul3A_229 = arith.constant 80 : i32
        %mul3A_230 = arith.muli %add3A_212, %mul3A_229 : i32
        %add3A_231 = arith.constant 16 : i32
        %add3A_232 = arith.addi %mul3A_230, %add3A_231 : i32
        %dma_start3A_233 = arith.constant 16 : i32
        %dma_start3A_234 = arith.constant 0 : i32
        %dma_start3A_235 = tpu.memref_slice %arg8[%dma_start3A_233, %dma_start3A_234] : memref<80x128xf32, #tpu.memory_space<vmem>> -> memref<16x128xf32, #tpu.memory_space<vmem>>
        %dma_start3A_236 = tpu.memref_slice %arg6[%add3A_232] : memref<10240xi32, #tpu.memory_space<vmem>> -> memref<16xi32, #tpu.memory_space<vmem>>
        %dma_start3A_237 = arith.constant 0 : i32
        %dma_start3A_238 = arith.constant 0 : i32
        %dma_start3A_239 = tpu.memref_slice %arg2[%dma_start3A_237, %dma_start3A_238] : memref<10240x128xf32, #tpu.memory_space<hbm>> -> memref<10240x128xf32, #tpu.memory_space<hbm>>
        tpu.enqueue_indirect_dma source(%dma_start3A_239 : memref<10240x128xf32, #tpu.memory_space<hbm>>) target(%dma_start3A_235 : memref<16x128xf32, #tpu.memory_space<vmem>>) offsets(%dma_start3A_236 : memref<16xi32, #tpu.memory_space<vmem>>) semaphore(%arg12 : memref<!tpu.dma_semaphore, #tpu.memory_space<semaphore_mem>>)
        %mul3A_240 = arith.constant 80 : i32
        %mul3A_241 = arith.muli %add3A_212, %mul3A_240 : i32
        %add3A_242 = arith.constant 32 : i32
        %add3A_243 = arith.addi %mul3A_241, %add3A_242 : i32
        %dma_start3A_244 = arith.constant 32 : i32
        %dma_start3A_245 = arith.constant 0 : i32
        %dma_start3A_246 = tpu.memref_slice %arg8[%dma_start3A_244, %dma_start3A_245] : memref<80x128xf32, #tpu.memory_space<vmem>> -> memref<16x128xf32, #tpu.memory_space<vmem>>
        %dma_start3A_247 = tpu.memref_slice %arg6[%add3A_243] : memref<10240xi32, #tpu.memory_space<vmem>> -> memref<16xi32, #tpu.memory_space<vmem>>
        %dma_start3A_248 = arith.constant 0 : i32
        %dma_start3A_249 = arith.constant 0 : i32
        %dma_start3A_250 = tpu.memref_slice %arg2[%dma_start3A_248, %dma_start3A_249] : memref<10240x128xf32, #tpu.memory_space<hbm>> -> memref<10240x128xf32, #tpu.memory_space<hbm>>
        tpu.enqueue_indirect_dma source(%dma_start3A_250 : memref<10240x128xf32, #tpu.memory_space<hbm>>) target(%dma_start3A_246 : memref<16x128xf32, #tpu.memory_space<vmem>>) offsets(%dma_start3A_247 : memref<16xi32, #tpu.memory_space<vmem>>) semaphore(%arg13 : memref<!tpu.dma_semaphore, #tpu.memory_space<semaphore_mem>>)
        %mul3A_251 = arith.constant 80 : i32
        %mul3A_252 = arith.muli %add3A_212, %mul3A_251 : i32
        %add3A_253 = arith.constant 48 : i32
        %add3A_254 = arith.addi %mul3A_252, %add3A_253 : i32
        %dma_start3A_255 = arith.constant 48 : i32
        %dma_start3A_256 = arith.constant 0 : i32
        %dma_start3A_257 = tpu.memref_slice %arg8[%dma_start3A_255, %dma_start3A_256] : memref<80x128xf32, #tpu.memory_space<vmem>> -> memref<16x128xf32, #tpu.memory_space<vmem>>
        %dma_start3A_258 = tpu.memref_slice %arg6[%add3A_254] : memref<10240xi32, #tpu.memory_space<vmem>> -> memref<16xi32, #tpu.memory_space<vmem>>
        %dma_start3A_259 = arith.constant 0 : i32
        %dma_start3A_260 = arith.constant 0 : i32
        %dma_start3A_261 = tpu.memref_slice %arg2[%dma_start3A_259, %dma_start3A_260] : memref<10240x128xf32, #tpu.memory_space<hbm>> -> memref<10240x128xf32, #tpu.memory_space<hbm>>
        tpu.enqueue_indirect_dma source(%dma_start3A_261 : memref<10240x128xf32, #tpu.memory_space<hbm>>) target(%dma_start3A_257 : memref<16x128xf32, #tpu.memory_space<vmem>>) offsets(%dma_start3A_258 : memref<16xi32, #tpu.memory_space<vmem>>) semaphore(%arg14 : memref<!tpu.dma_semaphore, #tpu.memory_space<semaphore_mem>>)
        %mul3A_262 = arith.constant 80 : i32
        %mul3A_263 = arith.muli %add3A_212, %mul3A_262 : i32
        %add3A_264 = arith.constant 64 : i32
        %add3A_265 = arith.addi %mul3A_263, %add3A_264 : i32
        %dma_start3A_266 = arith.constant 64 : i32
        %dma_start3A_267 = arith.constant 0 : i32
        %dma_start3A_268 = tpu.memref_slice %arg8[%dma_start3A_266, %dma_start3A_267] : memref<80x128xf32, #tpu.memory_space<vmem>> -> memref<16x128xf32, #tpu.memory_space<vmem>>
        %dma_start3A_269 = tpu.memref_slice %arg6[%add3A_265] : memref<10240xi32, #tpu.memory_space<vmem>> -> memref<16xi32, #tpu.memory_space<vmem>>
        %dma_start3A_270 = arith.constant 0 : i32
        %dma_start3A_271 = arith.constant 0 : i32
        %dma_start3A_272 = tpu.memref_slice %arg2[%dma_start3A_270, %dma_start3A_271] : memref<10240x128xf32, #tpu.memory_space<hbm>> -> memref<10240x128xf32, #tpu.memory_space<hbm>>
        tpu.enqueue_indirect_dma source(%dma_start3A_272 : memref<10240x128xf32, #tpu.memory_space<hbm>>) target(%dma_start3A_268 : memref<16x128xf32, #tpu.memory_space<vmem>>) offsets(%dma_start3A_269 : memref<16xi32, #tpu.memory_space<vmem>>) semaphore(%arg15 : memref<!tpu.dma_semaphore, #tpu.memory_space<semaphore_mem>>)
      } else {
      }
      "tpu.region"() ({
        %run_scoped3A = tpu.sem_alloc : memref<!tpu.dma_semaphore, #tpu.memory_space<semaphore_mem>>
        %dma_start3A_218 = arith.constant 0 : i32
        %dma_start3A_219 = tpu.memref_slice %arg7[%add3A_155, %dma_start3A_218] : memref<128x80xi32, #tpu.memory_space<vmem>> -> memref<1x80xi32, #tpu.memory_space<vmem>>
        %dma_start3A_220 = tpu.memref_squeeze %dma_start3A_219 : memref<1x80xi32, #tpu.memory_space<vmem>> -> memref<80xi32, #tpu.memory_space<vmem>>
        %dma_start3A_221 = arith.constant 0 : i32
        %dma_start3A_222 = arith.constant 0 : i32
        %dma_start3A_223 = tpu.memref_slice %arg10[%dma_start3A_221, %dma_start3A_222] : memref<10240x128xf32, #tpu.memory_space<vmem_shared>> -> memref<10240x128xf32, #tpu.memory_space<vmem_shared>>
        tpu.enqueue_indirect_dma source(%arg9 : memref<80x128xf32, #tpu.memory_space<vmem>>) target(%dma_start3A_223 : memref<10240x128xf32, #tpu.memory_space<vmem_shared>>) offsets(%dma_start3A_220 : memref<80xi32, #tpu.memory_space<vmem>>) semaphore(%run_scoped3A : memref<!tpu.dma_semaphore, #tpu.memory_space<semaphore_mem>>) {add = true}
        %dma_wait3A_224 = arith.constant 0 : i32
        %dma_wait3A_225 = tpu.memref_slice %arg7[%add3A_155, %dma_wait3A_224] : memref<128x80xi32, #tpu.memory_space<vmem>> -> memref<1x80xi32, #tpu.memory_space<vmem>>
        %dma_wait3A_226 = tpu.memref_squeeze %dma_wait3A_225 : memref<1x80xi32, #tpu.memory_space<vmem>> -> memref<80xi32, #tpu.memory_space<vmem>>
        %dma_wait3A_227 = arith.constant 0 : i32
        %dma_wait3A_228 = arith.constant 0 : i32
        %dma_wait3A_229 = tpu.memref_slice %arg10[%dma_wait3A_227, %dma_wait3A_228] : memref<10240x128xf32, #tpu.memory_space<vmem_shared>> -> memref<10240x128xf32, #tpu.memory_space<vmem_shared>>
        tpu.wait_indirect_dma semaphore(%run_scoped3A : memref<!tpu.dma_semaphore, #tpu.memory_space<semaphore_mem>>) src(%arg9 : memref<80x128xf32, #tpu.memory_space<vmem>>) dst(%dma_wait3A_229 : memref<10240x128xf32, #tpu.memory_space<vmem_shared>>)
        tpu.yield
      }) : () -> ()
    }
    %scan3A_83 = arith.constant 64 : i32
    %barrier3A_84 = arith.constant 0 : index
    tpu.barrier barrier_id(%barrier3A_84)
    %mul3A_85 = arith.constant 640 : i32
    %mul3A_86 = arith.muli %arg1, %mul3A_85 : i32
    %mul3A_87 = arith.constant 640 : i32
    %mul3A_88 = arith.muli %arg1, %mul3A_87 : i32
    "tpu.region"() ({
      %run_scoped3A = tpu.sem_alloc : memref<!tpu.dma_semaphore, #tpu.memory_space<semaphore_mem>>
      %dma_start3A_89 = arith.constant 0 : i32
      %dma_start3A_90 = tpu.memref_slice %arg5[%arg0, %mul3A_88, %dma_start3A_89] : memref<2x10240x128xf32, #tpu.memory_space<hbm>> -> memref<1x640x128xf32, #tpu.memory_space<hbm>>
      %dma_start3A_91 = tpu.memref_squeeze %dma_start3A_90 : memref<1x640x128xf32, #tpu.memory_space<hbm>> -> memref<640x128xf32, #tpu.memory_space<hbm>>
      %dma_start3A_92 = arith.constant 0 : i32
      %dma_start3A_93 = tpu.memref_slice %arg10[%mul3A_86, %dma_start3A_92] : memref<10240x128xf32, #tpu.memory_space<vmem_shared>> -> memref<640x128xf32, #tpu.memory_space<vmem_shared>>
      tpu.enqueue_dma source(%dma_start3A_93 : memref<640x128xf32, #tpu.memory_space<vmem_shared>>) target(%dma_start3A_91 : memref<640x128xf32, #tpu.memory_space<hbm>>) target_semaphore(%run_scoped3A : memref<!tpu.dma_semaphore, #tpu.memory_space<semaphore_mem>>)
      %dma_wait3A = arith.constant 0 : i32
      %dma_wait3A_94 = tpu.memref_slice %arg5[%arg0, %mul3A_88, %dma_wait3A] : memref<2x10240x128xf32, #tpu.memory_space<hbm>> -> memref<1x640x128xf32, #tpu.memory_space<hbm>>
      %dma_wait3A_95 = tpu.memref_squeeze %dma_wait3A_94 : memref<1x640x128xf32, #tpu.memory_space<hbm>> -> memref<640x128xf32, #tpu.memory_space<hbm>>
      %dma_wait3A_96 = arith.constant 0 : i32
      %dma_wait3A_97 = tpu.memref_slice %arg10[%mul3A_86, %dma_wait3A_96] : memref<10240x128xf32, #tpu.memory_space<vmem_shared>> -> memref<640x128xf32, #tpu.memory_space<vmem_shared>>
      tpu.wait_dma2 semaphore(%run_scoped3A : memref<!tpu.dma_semaphore, #tpu.memory_space<semaphore_mem>>) src(%dma_wait3A_97 : memref<640x128xf32, #tpu.memory_space<vmem_shared>>) dst(%dma_wait3A_95 : memref<640x128xf32, #tpu.memory_space<hbm>>)
      tpu.yield
    }) : () -> ()
    return
  }
}

#map = affine_map<(d0, d1) -> (0)>
#map1 = affine_map<(d0, d1) -> (0, 0)>
module attributes {stable_mosaic.version = 14 : i64} {
  func.func @_sc_hist(%arg0: i32, %arg1: i32, %arg2: memref<327680xi32, #tpu.memory_space<hbm>>, %arg3: memref<327680xi32, #tpu.memory_space<hbm>>, %arg4: memref<2x20480xi32, #tpu.memory_space<hbm>>, %arg5: memref<10240xi32, #tpu.memory_space<vmem>>, %arg6: memref<10240xi32, #tpu.memory_space<vmem>>, %arg7: memref<20480xi32, #tpu.memory_space<vmem>>, %arg8: memref<16x1280xi32, #tpu.memory_space<vmem>>, %arg9: memref<1280xi32, #tpu.memory_space<vmem>>, %arg10: memref<16x20480xi32, #tpu.memory_space<vmem_shared>>) attributes {dimension_semantics = [#tpu.dimension_semantics<core_parallel>, #tpu.dimension_semantics<subcore_parallel>], iteration_bounds = array<i64: 2, 16>, scalar_prefetch = 0 : i64, scratch_operands = 6 : i64, tpu.core_type = #tpu.core_type<sc_vector_subcore>, window_params = [{transform_indices = #map}, {transform_indices = #map}, {transform_indices = #map1}]} {
    %mul3A = arith.constant 16 : i32
    %mul3A_0 = arith.muli %arg0, %mul3A : i32
    %add3A = arith.addi %mul3A_0, %arg1 : i32
    %broadcast_in_dim3A = arith.constant 0 : i32
    %broadcast_in_dim3A_1 = vector.broadcast %broadcast_in_dim3A : i32 to vector<16xi32>
    %scan3A = arith.constant 0 : i32
    %scan3A_2 = arith.constant 1280 : i32
    %scan3A_3 = arith.addi %scan3A, %scan3A_2 : i32
    %scan3A_4 = arith.constant 1 : i32
    scf.for %scan3A_87 = %scan3A to %scan3A_3 step %scan3A_4  : i32 {
      %mul3A_88 = arith.constant 16 : i32
      %mul3A_89 = arith.muli %scan3A_87, %mul3A_88 : i32
      %add3A_90 = arith.constant 0 : i32
      %add3A_91 = arith.addi %add3A_90, %mul3A_89 : i32
      %swap3A = arith.index_cast %add3A_91 : i32 to index
      %swap3A_92 = tpu.vector_load %arg7[%swap3A] {strides = array<i32>} : memref<20480xi32, #tpu.memory_space<vmem>>, vector<16xi32>,
      tpu.vector_store %arg7[%swap3A], %broadcast_in_dim3A_1 {strides = array<i32>} : memref<20480xi32, #tpu.memory_space<vmem>>, vector<16xi32>,
    }
    %scan3A_5 = arith.constant 1280 : i32
    %mul3A_6 = arith.constant 10240 : i32
    %mul3A_7 = arith.muli %add3A, %mul3A_6 : i32
    "tpu.region"() ({
      %run_scoped3A_87 = tpu.sem_alloc : memref<!tpu.dma_semaphore, #tpu.memory_space<semaphore_mem>>
      %dma_start3A = tpu.memref_slice %arg2[%mul3A_7] : memref<327680xi32, #tpu.memory_space<hbm>> -> memref<10240xi32, #tpu.memory_space<hbm>>
      %dma_start3A_88 = tpu.memref_slice %arg2[%mul3A_7] : memref<327680xi32, #tpu.memory_space<hbm>> -> memref<10240xi32, #tpu.memory_space<hbm>>
      tpu.enqueue_dma source(%dma_start3A_88 : memref<10240xi32, #tpu.memory_space<hbm>>) target(%arg5 : memref<10240xi32, #tpu.memory_space<vmem>>) target_semaphore(%run_scoped3A_87 : memref<!tpu.dma_semaphore, #tpu.memory_space<semaphore_mem>>)
      %dma_wait3A = tpu.memref_slice %arg2[%mul3A_7] : memref<327680xi32, #tpu.memory_space<hbm>> -> memref<10240xi32, #tpu.memory_space<hbm>>
      %dma_wait3A_89 = tpu.memref_slice %arg2[%mul3A_7] : memref<327680xi32, #tpu.memory_space<hbm>> -> memref<10240xi32, #tpu.memory_space<hbm>>
      tpu.wait_dma2 semaphore(%run_scoped3A_87 : memref<!tpu.dma_semaphore, #tpu.memory_space<semaphore_mem>>) src(%dma_wait3A_89 : memref<10240xi32, #tpu.memory_space<hbm>>) dst(%arg5 : memref<10240xi32, #tpu.memory_space<vmem>>)
      tpu.yield
    }) : () -> ()
    %mul3A_8 = arith.constant 10240 : i32
    %mul3A_9 = arith.muli %add3A, %mul3A_8 : i32
    "tpu.region"() ({
      %run_scoped3A_87 = tpu.sem_alloc : memref<!tpu.dma_semaphore, #tpu.memory_space<semaphore_mem>>
      %dma_start3A = tpu.memref_slice %arg3[%mul3A_9] : memref<327680xi32, #tpu.memory_space<hbm>> -> memref<10240xi32, #tpu.memory_space<hbm>>
      %dma_start3A_88 = tpu.memref_slice %arg3[%mul3A_9] : memref<327680xi32, #tpu.memory_space<hbm>> -> memref<10240xi32, #tpu.memory_space<hbm>>
      tpu.enqueue_dma source(%dma_start3A_88 : memref<10240xi32, #tpu.memory_space<hbm>>) target(%arg6 : memref<10240xi32, #tpu.memory_space<vmem>>) target_semaphore(%run_scoped3A_87 : memref<!tpu.dma_semaphore, #tpu.memory_space<semaphore_mem>>)
      %dma_wait3A = tpu.memref_slice %arg3[%mul3A_9] : memref<327680xi32, #tpu.memory_space<hbm>> -> memref<10240xi32, #tpu.memory_space<hbm>>
      %dma_wait3A_89 = tpu.memref_slice %arg3[%mul3A_9] : memref<327680xi32, #tpu.memory_space<hbm>> -> memref<10240xi32, #tpu.memory_space<hbm>>
      tpu.wait_dma2 semaphore(%run_scoped3A_87 : memref<!tpu.dma_semaphore, #tpu.memory_space<semaphore_mem>>) src(%dma_wait3A_89 : memref<10240xi32, #tpu.memory_space<hbm>>) dst(%arg6 : memref<10240xi32, #tpu.memory_space<vmem>>)
      tpu.yield
    }) : () -> ()
    %broadcast_in_dim3A_10 = arith.constant 1 : i32
    %broadcast_in_dim3A_11 = vector.broadcast %broadcast_in_dim3A_10 : i32 to vector<16xi32>
    %scan3A_12 = arith.constant 0 : i32
    %scan3A_13 = arith.constant 640 : i32
    %scan3A_14 = arith.addi %scan3A_12, %scan3A_13 : i32
    %scan3A_15 = arith.constant 1 : i32
    scf.for %scan3A_87 = %scan3A_12 to %scan3A_14 step %scan3A_15  : i32 {
      %mul3A_88 = arith.constant 16 : i32
      %mul3A_89 = arith.muli %scan3A_87, %mul3A_88 : i32
      %add3A_90 = arith.constant 0 : i32
      %add3A_91 = arith.addi %add3A_90, %mul3A_89 : i32
      %get3A = arith.index_cast %add3A_91 : i32 to index
      %get3A_92 = tpu.vector_load %arg5[%get3A] {strides = array<i32>} : memref<10240xi32, #tpu.memory_space<vmem>>, vector<16xi32>,
      %get3A_93 = arith.index_cast %add3A_91 : i32 to index
      %get3A_94 = tpu.vector_load %arg6[%get3A_93] {strides = array<i32>} : memref<10240xi32, #tpu.memory_space<vmem>>, vector<16xi32>,
      tpu.vector_store_idx %arg7[%get3A_92], %broadcast_in_dim3A_11 {add = true} : memref<20480xi32, #tpu.memory_space<vmem>>[vector<16xi32>], vector<16xi32>,
      %add3A_95 = arith.constant 10240 : i32
      %add3A_96 = vector.broadcast %add3A_95 : i32 to vector<16xi32>
      %add3A_97 = arith.addi %get3A_94, %add3A_96 : vector<16xi32>
      tpu.vector_store_idx %arg7[%add3A_97], %broadcast_in_dim3A_11 {add = true} : memref<20480xi32, #tpu.memory_space<vmem>>[vector<16xi32>], vector<16xi32>,
    }
    %scan3A_16 = arith.constant 640 : i32
    "tpu.region"() ({
      %run_scoped3A_87 = tpu.sem_alloc : memref<!tpu.dma_semaphore, #tpu.memory_space<semaphore_mem>>
      %dma_start3A = arith.constant 0 : i32
      %dma_start3A_88 = tpu.memref_slice %arg10[%arg1, %dma_start3A] : memref<16x20480xi32, #tpu.memory_space<vmem_shared>> -> memref<1x20480xi32, #tpu.memory_space<vmem_shared>>
      %dma_start3A_89 = tpu.memref_squeeze %dma_start3A_88 : memref<1x20480xi32, #tpu.memory_space<vmem_shared>> -> memref<20480xi32, #tpu.memory_space<vmem_shared>>
      %dma_start3A_90 = arith.constant 0 : i32
      %dma_start3A_91 = tpu.memref_slice %arg10[%arg1, %dma_start3A_90] : memref<16x20480xi32, #tpu.memory_space<vmem_shared>> -> memref<1x20480xi32, #tpu.memory_space<vmem_shared>>
      %dma_start3A_92 = tpu.memref_squeeze %dma_start3A_91 : memref<1x20480xi32, #tpu.memory_space<vmem_shared>> -> memref<20480xi32, #tpu.memory_space<vmem_shared>>
      tpu.enqueue_dma source(%arg7 : memref<20480xi32, #tpu.memory_space<vmem>>) target(%dma_start3A_92 : memref<20480xi32, #tpu.memory_space<vmem_shared>>) target_semaphore(%run_scoped3A_87 : memref<!tpu.dma_semaphore, #tpu.memory_space<semaphore_mem>>)
      %dma_wait3A = arith.constant 0 : i32
      %dma_wait3A_93 = tpu.memref_slice %arg10[%arg1, %dma_wait3A] : memref<16x20480xi32, #tpu.memory_space<vmem_shared>> -> memref<1x20480xi32, #tpu.memory_space<vmem_shared>>
      %dma_wait3A_94 = tpu.memref_squeeze %dma_wait3A_93 : memref<1x20480xi32, #tpu.memory_space<vmem_shared>> -> memref<20480xi32, #tpu.memory_space<vmem_shared>>
      %dma_wait3A_95 = arith.constant 0 : i32
      %dma_wait3A_96 = tpu.memref_slice %arg10[%arg1, %dma_wait3A_95] : memref<16x20480xi32, #tpu.memory_space<vmem_shared>> -> memref<1x20480xi32, #tpu.memory_space<vmem_shared>>
      %dma_wait3A_97 = tpu.memref_squeeze %dma_wait3A_96 : memref<1x20480xi32, #tpu.memory_space<vmem_shared>> -> memref<20480xi32, #tpu.memory_space<vmem_shared>>
      tpu.wait_dma2 semaphore(%run_scoped3A_87 : memref<!tpu.dma_semaphore, #tpu.memory_space<semaphore_mem>>) src(%arg7 : memref<20480xi32, #tpu.memory_space<vmem>>) dst(%dma_wait3A_97 : memref<20480xi32, #tpu.memory_space<vmem_shared>>)
      tpu.yield
    }) : () -> ()
    %barrier3A = arith.constant 0 : index
    tpu.barrier barrier_id(%barrier3A)
    %mul3A_17 = arith.constant 1280 : i32
    %mul3A_18 = arith.muli %arg1, %mul3A_17 : i32
    %run_scoped3A = arith.constant 0 : i32
    %run_scoped3A_19 = arith.constant 0 : i32
    "tpu.region"() ({
      %run_scoped3A_87 = tpu.sem_alloc : memref<!tpu.dma_semaphore, #tpu.memory_space<semaphore_mem>>
      %dma_start3A = arith.constant 0 : i32
      %dma_start3A_88 = tpu.memref_slice %arg8[%run_scoped3A_19, %dma_start3A] : memref<16x1280xi32, #tpu.memory_space<vmem>> -> memref<1x1280xi32, #tpu.memory_space<vmem>>
      %dma_start3A_89 = tpu.memref_squeeze %dma_start3A_88 : memref<1x1280xi32, #tpu.memory_space<vmem>> -> memref<1280xi32, #tpu.memory_space<vmem>>
      %dma_start3A_90 = tpu.memref_slice %arg10[%run_scoped3A, %mul3A_18] : memref<16x20480xi32, #tpu.memory_space<vmem_shared>> -> memref<1x1280xi32, #tpu.memory_space<vmem_shared>>
      %dma_start3A_91 = tpu.memref_squeeze %dma_start3A_90 : memref<1x1280xi32, #tpu.memory_space<vmem_shared>> -> memref<1280xi32, #tpu.memory_space<vmem_shared>>
      %dma_start3A_92 = arith.constant 0 : i32
      %dma_start3A_93 = tpu.memref_slice %arg8[%run_scoped3A_19, %dma_start3A_92] : memref<16x1280xi32, #tpu.memory_space<vmem>> -> memref<1x1280xi32, #tpu.memory_space<vmem>>
      %dma_start3A_94 = tpu.memref_squeeze %dma_start3A_93 : memref<1x1280xi32, #tpu.memory_space<vmem>> -> memref<1280xi32, #tpu.memory_space<vmem>>
      %dma_start3A_95 = tpu.memref_slice %arg10[%run_scoped3A, %mul3A_18] : memref<16x20480xi32, #tpu.memory_space<vmem_shared>> -> memref<1x1280xi32, #tpu.memory_space<vmem_shared>>
      %dma_start3A_96 = tpu.memref_squeeze %dma_start3A_95 : memref<1x1280xi32, #tpu.memory_space<vmem_shared>> -> memref<1280xi32, #tpu.memory_space<vmem_shared>>
      tpu.enqueue_dma source(%dma_start3A_96 : memref<1280xi32, #tpu.memory_space<vmem_shared>>) target(%dma_start3A_94 : memref<1280xi32, #tpu.memory_space<vmem>>) target_semaphore(%run_scoped3A_87 : memref<!tpu.dma_semaphore, #tpu.memory_space<semaphore_mem>>)
      %dma_wait3A = arith.constant 0 : i32
      %dma_wait3A_97 = tpu.memref_slice %arg8[%run_scoped3A_19, %dma_wait3A] : memref<16x1280xi32, #tpu.memory_space<vmem>> -> memref<1x1280xi32, #tpu.memory_space<vmem>>
      %dma_wait3A_98 = tpu.memref_squeeze %dma_wait3A_97 : memref<1x1280xi32, #tpu.memory_space<vmem>> -> memref<1280xi32, #tpu.memory_space<vmem>>
      %dma_wait3A_99 = tpu.memref_slice %arg10[%run_scoped3A, %mul3A_18] : memref<16x20480xi32, #tpu.memory_space<vmem_shared>> -> memref<1x1280xi32, #tpu.memory_space<vmem_shared>>
      %dma_wait3A_100 = tpu.memref_squeeze %dma_wait3A_99 : memref<1x1280xi32, #tpu.memory_space<vmem_shared>> -> memref<1280xi32, #tpu.memory_space<vmem_shared>>
      %dma_wait3A_101 = arith.constant 0 : i32
      %dma_wait3A_102 = tpu.memref_slice %arg8[%run_scoped3A_19, %dma_wait3A_101] : memref<16x1280xi32, #tpu.memory_space<vmem>> -> memref<1x1280xi32, #tpu.memory_space<vmem>>
      %dma_wait3A_103 = tpu.memref_squeeze %dma_wait3A_102 : memref<1x1280xi32, #tpu.memory_space<vmem>> -> memref<1280xi32, #tpu.memory_space<vmem>>
      %dma_wait3A_104 = tpu.memref_slice %arg10[%run_scoped3A, %mul3A_18] : memref<16x20480xi32, #tpu.memory_space<vmem_shared>> -> memref<1x1280xi32, #tpu.memory_space<vmem_shared>>
      %dma_wait3A_105 = tpu.memref_squeeze %dma_wait3A_104 : memref<1x1280xi32, #tpu.memory_space<vmem_shared>> -> memref<1280xi32, #tpu.memory_space<vmem_shared>>
      tpu.wait_dma2 semaphore(%run_scoped3A_87 : memref<!tpu.dma_semaphore, #tpu.memory_space<semaphore_mem>>) src(%dma_wait3A_105 : memref<1280xi32, #tpu.memory_space<vmem_shared>>) dst(%dma_wait3A_103 : memref<1280xi32, #tpu.memory_space<vmem>>)
      tpu.yield
    }) : () -> ()
    %mul3A_20 = arith.constant 1280 : i32
    %mul3A_21 = arith.muli %arg1, %mul3A_20 : i32
    %run_scoped3A_22 = arith.constant 1 : i32
    %run_scoped3A_23 = arith.constant 1 : i32
    "tpu.region"() ({
      %run_scoped3A_87 = tpu.sem_alloc : memref<!tpu.dma_semaphore, #tpu.memory_space<semaphore_mem>>
      %dma_start3A = arith.constant 0 : i32
      %dma_start3A_88 = tpu.memref_slice %arg8[%run_scoped3A_23, %dma_start3A] : memref<16x1280xi32, #tpu.memory_space<vmem>> -> memref<1x1280xi32, #tpu.memory_space<vmem>>
      %dma_start3A_89 = tpu.memref_squeeze %dma_start3A_88 : memref<1x1280xi32, #tpu.memory_space<vmem>> -> memref<1280xi32, #tpu.memory_space<vmem>>
      %dma_start3A_90 = tpu.memref_slice %arg10[%run_scoped3A_22, %mul3A_21] : memref<16x20480xi32, #tpu.memory_space<vmem_shared>> -> memref<1x1280xi32, #tpu.memory_space<vmem_shared>>
      %dma_start3A_91 = tpu.memref_squeeze %dma_start3A_90 : memref<1x1280xi32, #tpu.memory_space<vmem_shared>> -> memref<1280xi32, #tpu.memory_space<vmem_shared>>
      %dma_start3A_92 = arith.constant 0 : i32
      %dma_start3A_93 = tpu.memref_slice %arg8[%run_scoped3A_23, %dma_start3A_92] : memref<16x1280xi32, #tpu.memory_space<vmem>> -> memref<1x1280xi32, #tpu.memory_space<vmem>>
      %dma_start3A_94 = tpu.memref_squeeze %dma_start3A_93 : memref<1x1280xi32, #tpu.memory_space<vmem>> -> memref<1280xi32, #tpu.memory_space<vmem>>
      %dma_start3A_95 = tpu.memref_slice %arg10[%run_scoped3A_22, %mul3A_21] : memref<16x20480xi32, #tpu.memory_space<vmem_shared>> -> memref<1x1280xi32, #tpu.memory_space<vmem_shared>>
      %dma_start3A_96 = tpu.memref_squeeze %dma_start3A_95 : memref<1x1280xi32, #tpu.memory_space<vmem_shared>> -> memref<1280xi32, #tpu.memory_space<vmem_shared>>
      tpu.enqueue_dma source(%dma_start3A_96 : memref<1280xi32, #tpu.memory_space<vmem_shared>>) target(%dma_start3A_94 : memref<1280xi32, #tpu.memory_space<vmem>>) target_semaphore(%run_scoped3A_87 : memref<!tpu.dma_semaphore, #tpu.memory_space<semaphore_mem>>)
      %dma_wait3A = arith.constant 0 : i32
      %dma_wait3A_97 = tpu.memref_slice %arg8[%run_scoped3A_23, %dma_wait3A] : memref<16x1280xi32, #tpu.memory_space<vmem>> -> memref<1x1280xi32, #tpu.memory_space<vmem>>
      %dma_wait3A_98 = tpu.memref_squeeze %dma_wait3A_97 : memref<1x1280xi32, #tpu.memory_space<vmem>> -> memref<1280xi32, #tpu.memory_space<vmem>>
      %dma_wait3A_99 = tpu.memref_slice %arg10[%run_scoped3A_22, %mul3A_21] : memref<16x20480xi32, #tpu.memory_space<vmem_shared>> -> memref<1x1280xi32, #tpu.memory_space<vmem_shared>>
      %dma_wait3A_100 = tpu.memref_squeeze %dma_wait3A_99 : memref<1x1280xi32, #tpu.memory_space<vmem_shared>> -> memref<1280xi32, #tpu.memory_space<vmem_shared>>
      %dma_wait3A_101 = arith.constant 0 : i32
      %dma_wait3A_102 = tpu.memref_slice %arg8[%run_scoped3A_23, %dma_wait3A_101] : memref<16x1280xi32, #tpu.memory_space<vmem>> -> memref<1x1280xi32, #tpu.memory_space<vmem>>
      %dma_wait3A_103 = tpu.memref_squeeze %dma_wait3A_102 : memref<1x1280xi32, #tpu.memory_space<vmem>> -> memref<1280xi32, #tpu.memory_space<vmem>>
      %dma_wait3A_104 = tpu.memref_slice %arg10[%run_scoped3A_22, %mul3A_21] : memref<16x20480xi32, #tpu.memory_space<vmem_shared>> -> memref<1x1280xi32, #tpu.memory_space<vmem_shared>>
      %dma_wait3A_105 = tpu.memref_squeeze %dma_wait3A_104 : memref<1x1280xi32, #tpu.memory_space<vmem_shared>> -> memref<1280xi32, #tpu.memory_space<vmem_shared>>
      tpu.wait_dma2 semaphore(%run_scoped3A_87 : memref<!tpu.dma_semaphore, #tpu.memory_space<semaphore_mem>>) src(%dma_wait3A_105 : memref<1280xi32, #tpu.memory_space<vmem_shared>>) dst(%dma_wait3A_103 : memref<1280xi32, #tpu.memory_space<vmem>>)
      tpu.yield
    }) : () -> ()
    %mul3A_24 = arith.constant 1280 : i32
    %mul3A_25 = arith.muli %arg1, %mul3A_24 : i32
    %run_scoped3A_26 = arith.constant 2 : i32
    %run_scoped3A_27 = arith.constant 2 : i32
    "tpu.region"() ({
      %run_scoped3A_87 = tpu.sem_alloc : memref<!tpu.dma_semaphore, #tpu.memory_space<semaphore_mem>>
      %dma_start3A = arith.constant 0 : i32
      %dma_start3A_88 = tpu.memref_slice %arg8[%run_scoped3A_27, %dma_start3A] : memref<16x1280xi32, #tpu.memory_space<vmem>> -> memref<1x1280xi32, #tpu.memory_space<vmem>>
      %dma_start3A_89 = tpu.memref_squeeze %dma_start3A_88 : memref<1x1280xi32, #tpu.memory_space<vmem>> -> memref<1280xi32, #tpu.memory_space<vmem>>
      %dma_start3A_90 = tpu.memref_slice %arg10[%run_scoped3A_26, %mul3A_25] : memref<16x20480xi32, #tpu.memory_space<vmem_shared>> -> memref<1x1280xi32, #tpu.memory_space<vmem_shared>>
      %dma_start3A_91 = tpu.memref_squeeze %dma_start3A_90 : memref<1x1280xi32, #tpu.memory_space<vmem_shared>> -> memref<1280xi32, #tpu.memory_space<vmem_shared>>
      %dma_start3A_92 = arith.constant 0 : i32
      %dma_start3A_93 = tpu.memref_slice %arg8[%run_scoped3A_27, %dma_start3A_92] : memref<16x1280xi32, #tpu.memory_space<vmem>> -> memref<1x1280xi32, #tpu.memory_space<vmem>>
      %dma_start3A_94 = tpu.memref_squeeze %dma_start3A_93 : memref<1x1280xi32, #tpu.memory_space<vmem>> -> memref<1280xi32, #tpu.memory_space<vmem>>
      %dma_start3A_95 = tpu.memref_slice %arg10[%run_scoped3A_26, %mul3A_25] : memref<16x20480xi32, #tpu.memory_space<vmem_shared>> -> memref<1x1280xi32, #tpu.memory_space<vmem_shared>>
      %dma_start3A_96 = tpu.memref_squeeze %dma_start3A_95 : memref<1x1280xi32, #tpu.memory_space<vmem_shared>> -> memref<1280xi32, #tpu.memory_space<vmem_shared>>
      tpu.enqueue_dma source(%dma_start3A_96 : memref<1280xi32, #tpu.memory_space<vmem_shared>>) target(%dma_start3A_94 : memref<1280xi32, #tpu.memory_space<vmem>>) target_semaphore(%run_scoped3A_87 : memref<!tpu.dma_semaphore, #tpu.memory_space<semaphore_mem>>)
      %dma_wait3A = arith.constant 0 : i32
      %dma_wait3A_97 = tpu.memref_slice %arg8[%run_scoped3A_27, %dma_wait3A] : memref<16x1280xi32, #tpu.memory_space<vmem>> -> memref<1x1280xi32, #tpu.memory_space<vmem>>
      %dma_wait3A_98 = tpu.memref_squeeze %dma_wait3A_97 : memref<1x1280xi32, #tpu.memory_space<vmem>> -> memref<1280xi32, #tpu.memory_space<vmem>>
      %dma_wait3A_99 = tpu.memref_slice %arg10[%run_scoped3A_26, %mul3A_25] : memref<16x20480xi32, #tpu.memory_space<vmem_shared>> -> memref<1x1280xi32, #tpu.memory_space<vmem_shared>>
      %dma_wait3A_100 = tpu.memref_squeeze %dma_wait3A_99 : memref<1x1280xi32, #tpu.memory_space<vmem_shared>> -> memref<1280xi32, #tpu.memory_space<vmem_shared>>
      %dma_wait3A_101 = arith.constant 0 : i32
      %dma_wait3A_102 = tpu.memref_slice %arg8[%run_scoped3A_27, %dma_wait3A_101] : memref<16x1280xi32, #tpu.memory_space<vmem>> -> memref<1x1280xi32, #tpu.memory_space<vmem>>
      %dma_wait3A_103 = tpu.memref_squeeze %dma_wait3A_102 : memref<1x1280xi32, #tpu.memory_space<vmem>> -> memref<1280xi32, #tpu.memory_space<vmem>>
      %dma_wait3A_104 = tpu.memref_slice %arg10[%run_scoped3A_26, %mul3A_25] : memref<16x20480xi32, #tpu.memory_space<vmem_shared>> -> memref<1x1280xi32, #tpu.memory_space<vmem_shared>>
      %dma_wait3A_105 = tpu.memref_squeeze %dma_wait3A_104 : memref<1x1280xi32, #tpu.memory_space<vmem_shared>> -> memref<1280xi32, #tpu.memory_space<vmem_shared>>
      tpu.wait_dma2 semaphore(%run_scoped3A_87 : memref<!tpu.dma_semaphore, #tpu.memory_space<semaphore_mem>>) src(%dma_wait3A_105 : memref<1280xi32, #tpu.memory_space<vmem_shared>>) dst(%dma_wait3A_103 : memref<1280xi32, #tpu.memory_space<vmem>>)
      tpu.yield
    }) : () -> ()
    %mul3A_28 = arith.constant 1280 : i32
    %mul3A_29 = arith.muli %arg1, %mul3A_28 : i32
    %run_scoped3A_30 = arith.constant 3 : i32
    %run_scoped3A_31 = arith.constant 3 : i32
    "tpu.region"() ({
      %run_scoped3A_87 = tpu.sem_alloc : memref<!tpu.dma_semaphore, #tpu.memory_space<semaphore_mem>>
      %dma_start3A = arith.constant 0 : i32
      %dma_start3A_88 = tpu.memref_slice %arg8[%run_scoped3A_31, %dma_start3A] : memref<16x1280xi32, #tpu.memory_space<vmem>> -> memref<1x1280xi32, #tpu.memory_space<vmem>>
      %dma_start3A_89 = tpu.memref_squeeze %dma_start3A_88 : memref<1x1280xi32, #tpu.memory_space<vmem>> -> memref<1280xi32, #tpu.memory_space<vmem>>
      %dma_start3A_90 = tpu.memref_slice %arg10[%run_scoped3A_30, %mul3A_29] : memref<16x20480xi32, #tpu.memory_space<vmem_shared>> -> memref<1x1280xi32, #tpu.memory_space<vmem_shared>>
      %dma_start3A_91 = tpu.memref_squeeze %dma_start3A_90 : memref<1x1280xi32, #tpu.memory_space<vmem_shared>> -> memref<1280xi32, #tpu.memory_space<vmem_shared>>
      %dma_start3A_92 = arith.constant 0 : i32
      %dma_start3A_93 = tpu.memref_slice %arg8[%run_scoped3A_31, %dma_start3A_92] : memref<16x1280xi32, #tpu.memory_space<vmem>> -> memref<1x1280xi32, #tpu.memory_space<vmem>>
      %dma_start3A_94 = tpu.memref_squeeze %dma_start3A_93 : memref<1x1280xi32, #tpu.memory_space<vmem>> -> memref<1280xi32, #tpu.memory_space<vmem>>
      %dma_start3A_95 = tpu.memref_slice %arg10[%run_scoped3A_30, %mul3A_29] : memref<16x20480xi32, #tpu.memory_space<vmem_shared>> -> memref<1x1280xi32, #tpu.memory_space<vmem_shared>>
      %dma_start3A_96 = tpu.memref_squeeze %dma_start3A_95 : memref<1x1280xi32, #tpu.memory_space<vmem_shared>> -> memref<1280xi32, #tpu.memory_space<vmem_shared>>
      tpu.enqueue_dma source(%dma_start3A_96 : memref<1280xi32, #tpu.memory_space<vmem_shared>>) target(%dma_start3A_94 : memref<1280xi32, #tpu.memory_space<vmem>>) target_semaphore(%run_scoped3A_87 : memref<!tpu.dma_semaphore, #tpu.memory_space<semaphore_mem>>)
      %dma_wait3A = arith.constant 0 : i32
      %dma_wait3A_97 = tpu.memref_slice %arg8[%run_scoped3A_31, %dma_wait3A] : memref<16x1280xi32, #tpu.memory_space<vmem>> -> memref<1x1280xi32, #tpu.memory_space<vmem>>
      %dma_wait3A_98 = tpu.memref_squeeze %dma_wait3A_97 : memref<1x1280xi32, #tpu.memory_space<vmem>> -> memref<1280xi32, #tpu.memory_space<vmem>>
      %dma_wait3A_99 = tpu.memref_slice %arg10[%run_scoped3A_30, %mul3A_29] : memref<16x20480xi32, #tpu.memory_space<vmem_shared>> -> memref<1x1280xi32, #tpu.memory_space<vmem_shared>>
      %dma_wait3A_100 = tpu.memref_squeeze %dma_wait3A_99 : memref<1x1280xi32, #tpu.memory_space<vmem_shared>> -> memref<1280xi32, #tpu.memory_space<vmem_shared>>
      %dma_wait3A_101 = arith.constant 0 : i32
      %dma_wait3A_102 = tpu.memref_slice %arg8[%run_scoped3A_31, %dma_wait3A_101] : memref<16x1280xi32, #tpu.memory_space<vmem>> -> memref<1x1280xi32, #tpu.memory_space<vmem>>
      %dma_wait3A_103 = tpu.memref_squeeze %dma_wait3A_102 : memref<1x1280xi32, #tpu.memory_space<vmem>> -> memref<1280xi32, #tpu.memory_space<vmem>>
      %dma_wait3A_104 = tpu.memref_slice %arg10[%run_scoped3A_30, %mul3A_29] : memref<16x20480xi32, #tpu.memory_space<vmem_shared>> -> memref<1x1280xi32, #tpu.memory_space<vmem_shared>>
      %dma_wait3A_105 = tpu.memref_squeeze %dma_wait3A_104 : memref<1x1280xi32, #tpu.memory_space<vmem_shared>> -> memref<1280xi32, #tpu.memory_space<vmem_shared>>
      tpu.wait_dma2 semaphore(%run_scoped3A_87 : memref<!tpu.dma_semaphore, #tpu.memory_space<semaphore_mem>>) src(%dma_wait3A_105 : memref<1280xi32, #tpu.memory_space<vmem_shared>>) dst(%dma_wait3A_103 : memref<1280xi32, #tpu.memory_space<vmem>>)
      tpu.yield
    }) : () -> ()
    %mul3A_32 = arith.constant 1280 : i32
    %mul3A_33 = arith.muli %arg1, %mul3A_32 : i32
    %run_scoped3A_34 = arith.constant 4 : i32
    %run_scoped3A_35 = arith.constant 4 : i32
    "tpu.region"() ({
      %run_scoped3A_87 = tpu.sem_alloc : memref<!tpu.dma_semaphore, #tpu.memory_space<semaphore_mem>>
      %dma_start3A = arith.constant 0 : i32
      %dma_start3A_88 = tpu.memref_slice %arg8[%run_scoped3A_35, %dma_start3A] : memref<16x1280xi32, #tpu.memory_space<vmem>> -> memref<1x1280xi32, #tpu.memory_space<vmem>>
      %dma_start3A_89 = tpu.memref_squeeze %dma_start3A_88 : memref<1x1280xi32, #tpu.memory_space<vmem>> -> memref<1280xi32, #tpu.memory_space<vmem>>
      %dma_start3A_90 = tpu.memref_slice %arg10[%run_scoped3A_34, %mul3A_33] : memref<16x20480xi32, #tpu.memory_space<vmem_shared>> -> memref<1x1280xi32, #tpu.memory_space<vmem_shared>>
      %dma_start3A_91 = tpu.memref_squeeze %dma_start3A_90 : memref<1x1280xi32, #tpu.memory_space<vmem_shared>> -> memref<1280xi32, #tpu.memory_space<vmem_shared>>
      %dma_start3A_92 = arith.constant 0 : i32
      %dma_start3A_93 = tpu.memref_slice %arg8[%run_scoped3A_35, %dma_start3A_92] : memref<16x1280xi32, #tpu.memory_space<vmem>> -> memref<1x1280xi32, #tpu.memory_space<vmem>>
      %dma_start3A_94 = tpu.memref_squeeze %dma_start3A_93 : memref<1x1280xi32, #tpu.memory_space<vmem>> -> memref<1280xi32, #tpu.memory_space<vmem>>
      %dma_start3A_95 = tpu.memref_slice %arg10[%run_scoped3A_34, %mul3A_33] : memref<16x20480xi32, #tpu.memory_space<vmem_shared>> -> memref<1x1280xi32, #tpu.memory_space<vmem_shared>>
      %dma_start3A_96 = tpu.memref_squeeze %dma_start3A_95 : memref<1x1280xi32, #tpu.memory_space<vmem_shared>> -> memref<1280xi32, #tpu.memory_space<vmem_shared>>
      tpu.enqueue_dma source(%dma_start3A_96 : memref<1280xi32, #tpu.memory_space<vmem_shared>>) target(%dma_start3A_94 : memref<1280xi32, #tpu.memory_space<vmem>>) target_semaphore(%run_scoped3A_87 : memref<!tpu.dma_semaphore, #tpu.memory_space<semaphore_mem>>)
      %dma_wait3A = arith.constant 0 : i32
      %dma_wait3A_97 = tpu.memref_slice %arg8[%run_scoped3A_35, %dma_wait3A] : memref<16x1280xi32, #tpu.memory_space<vmem>> -> memref<1x1280xi32, #tpu.memory_space<vmem>>
      %dma_wait3A_98 = tpu.memref_squeeze %dma_wait3A_97 : memref<1x1280xi32, #tpu.memory_space<vmem>> -> memref<1280xi32, #tpu.memory_space<vmem>>
      %dma_wait3A_99 = tpu.memref_slice %arg10[%run_scoped3A_34, %mul3A_33] : memref<16x20480xi32, #tpu.memory_space<vmem_shared>> -> memref<1x1280xi32, #tpu.memory_space<vmem_shared>>
      %dma_wait3A_100 = tpu.memref_squeeze %dma_wait3A_99 : memref<1x1280xi32, #tpu.memory_space<vmem_shared>> -> memref<1280xi32, #tpu.memory_space<vmem_shared>>
      %dma_wait3A_101 = arith.constant 0 : i32
      %dma_wait3A_102 = tpu.memref_slice %arg8[%run_scoped3A_35, %dma_wait3A_101] : memref<16x1280xi32, #tpu.memory_space<vmem>> -> memref<1x1280xi32, #tpu.memory_space<vmem>>
      %dma_wait3A_103 = tpu.memref_squeeze %dma_wait3A_102 : memref<1x1280xi32, #tpu.memory_space<vmem>> -> memref<1280xi32, #tpu.memory_space<vmem>>
      %dma_wait3A_104 = tpu.memref_slice %arg10[%run_scoped3A_34, %mul3A_33] : memref<16x20480xi32, #tpu.memory_space<vmem_shared>> -> memref<1x1280xi32, #tpu.memory_space<vmem_shared>>
      %dma_wait3A_105 = tpu.memref_squeeze %dma_wait3A_104 : memref<1x1280xi32, #tpu.memory_space<vmem_shared>> -> memref<1280xi32, #tpu.memory_space<vmem_shared>>
      tpu.wait_dma2 semaphore(%run_scoped3A_87 : memref<!tpu.dma_semaphore, #tpu.memory_space<semaphore_mem>>) src(%dma_wait3A_105 : memref<1280xi32, #tpu.memory_space<vmem_shared>>) dst(%dma_wait3A_103 : memref<1280xi32, #tpu.memory_space<vmem>>)
      tpu.yield
    }) : () -> ()
    %mul3A_36 = arith.constant 1280 : i32
    %mul3A_37 = arith.muli %arg1, %mul3A_36 : i32
    %run_scoped3A_38 = arith.constant 5 : i32
    %run_scoped3A_39 = arith.constant 5 : i32
    "tpu.region"() ({
      %run_scoped3A_87 = tpu.sem_alloc : memref<!tpu.dma_semaphore, #tpu.memory_space<semaphore_mem>>
      %dma_start3A = arith.constant 0 : i32
      %dma_start3A_88 = tpu.memref_slice %arg8[%run_scoped3A_39, %dma_start3A] : memref<16x1280xi32, #tpu.memory_space<vmem>> -> memref<1x1280xi32, #tpu.memory_space<vmem>>
      %dma_start3A_89 = tpu.memref_squeeze %dma_start3A_88 : memref<1x1280xi32, #tpu.memory_space<vmem>> -> memref<1280xi32, #tpu.memory_space<vmem>>
      %dma_start3A_90 = tpu.memref_slice %arg10[%run_scoped3A_38, %mul3A_37] : memref<16x20480xi32, #tpu.memory_space<vmem_shared>> -> memref<1x1280xi32, #tpu.memory_space<vmem_shared>>
      %dma_start3A_91 = tpu.memref_squeeze %dma_start3A_90 : memref<1x1280xi32, #tpu.memory_space<vmem_shared>> -> memref<1280xi32, #tpu.memory_space<vmem_shared>>
      %dma_start3A_92 = arith.constant 0 : i32
      %dma_start3A_93 = tpu.memref_slice %arg8[%run_scoped3A_39, %dma_start3A_92] : memref<16x1280xi32, #tpu.memory_space<vmem>> -> memref<1x1280xi32, #tpu.memory_space<vmem>>
      %dma_start3A_94 = tpu.memref_squeeze %dma_start3A_93 : memref<1x1280xi32, #tpu.memory_space<vmem>> -> memref<1280xi32, #tpu.memory_space<vmem>>
      %dma_start3A_95 = tpu.memref_slice %arg10[%run_scoped3A_38, %mul3A_37] : memref<16x20480xi32, #tpu.memory_space<vmem_shared>> -> memref<1x1280xi32, #tpu.memory_space<vmem_shared>>
      %dma_start3A_96 = tpu.memref_squeeze %dma_start3A_95 : memref<1x1280xi32, #tpu.memory_space<vmem_shared>> -> memref<1280xi32, #tpu.memory_space<vmem_shared>>
      tpu.enqueue_dma source(%dma_start3A_96 : memref<1280xi32, #tpu.memory_space<vmem_shared>>) target(%dma_start3A_94 : memref<1280xi32, #tpu.memory_space<vmem>>) target_semaphore(%run_scoped3A_87 : memref<!tpu.dma_semaphore, #tpu.memory_space<semaphore_mem>>)
      %dma_wait3A = arith.constant 0 : i32
      %dma_wait3A_97 = tpu.memref_slice %arg8[%run_scoped3A_39, %dma_wait3A] : memref<16x1280xi32, #tpu.memory_space<vmem>> -> memref<1x1280xi32, #tpu.memory_space<vmem>>
      %dma_wait3A_98 = tpu.memref_squeeze %dma_wait3A_97 : memref<1x1280xi32, #tpu.memory_space<vmem>> -> memref<1280xi32, #tpu.memory_space<vmem>>
      %dma_wait3A_99 = tpu.memref_slice %arg10[%run_scoped3A_38, %mul3A_37] : memref<16x20480xi32, #tpu.memory_space<vmem_shared>> -> memref<1x1280xi32, #tpu.memory_space<vmem_shared>>
      %dma_wait3A_100 = tpu.memref_squeeze %dma_wait3A_99 : memref<1x1280xi32, #tpu.memory_space<vmem_shared>> -> memref<1280xi32, #tpu.memory_space<vmem_shared>>
      %dma_wait3A_101 = arith.constant 0 : i32
      %dma_wait3A_102 = tpu.memref_slice %arg8[%run_scoped3A_39, %dma_wait3A_101] : memref<16x1280xi32, #tpu.memory_space<vmem>> -> memref<1x1280xi32, #tpu.memory_space<vmem>>
      %dma_wait3A_103 = tpu.memref_squeeze %dma_wait3A_102 : memref<1x1280xi32, #tpu.memory_space<vmem>> -> memref<1280xi32, #tpu.memory_space<vmem>>
      %dma_wait3A_104 = tpu.memref_slice %arg10[%run_scoped3A_38, %mul3A_37] : memref<16x20480xi32, #tpu.memory_space<vmem_shared>> -> memref<1x1280xi32, #tpu.memory_space<vmem_shared>>
      %dma_wait3A_105 = tpu.memref_squeeze %dma_wait3A_104 : memref<1x1280xi32, #tpu.memory_space<vmem_shared>> -> memref<1280xi32, #tpu.memory_space<vmem_shared>>
      tpu.wait_dma2 semaphore(%run_scoped3A_87 : memref<!tpu.dma_semaphore, #tpu.memory_space<semaphore_mem>>) src(%dma_wait3A_105 : memref<1280xi32, #tpu.memory_space<vmem_shared>>) dst(%dma_wait3A_103 : memref<1280xi32, #tpu.memory_space<vmem>>)
      tpu.yield
    }) : () -> ()
    %mul3A_40 = arith.constant 1280 : i32
    %mul3A_41 = arith.muli %arg1, %mul3A_40 : i32
    %run_scoped3A_42 = arith.constant 6 : i32
    %run_scoped3A_43 = arith.constant 6 : i32
    "tpu.region"() ({
      %run_scoped3A_87 = tpu.sem_alloc : memref<!tpu.dma_semaphore, #tpu.memory_space<semaphore_mem>>
      %dma_start3A = arith.constant 0 : i32
      %dma_start3A_88 = tpu.memref_slice %arg8[%run_scoped3A_43, %dma_start3A] : memref<16x1280xi32, #tpu.memory_space<vmem>> -> memref<1x1280xi32, #tpu.memory_space<vmem>>
      %dma_start3A_89 = tpu.memref_squeeze %dma_start3A_88 : memref<1x1280xi32, #tpu.memory_space<vmem>> -> memref<1280xi32, #tpu.memory_space<vmem>>
      %dma_start3A_90 = tpu.memref_slice %arg10[%run_scoped3A_42, %mul3A_41] : memref<16x20480xi32, #tpu.memory_space<vmem_shared>> -> memref<1x1280xi32, #tpu.memory_space<vmem_shared>>
      %dma_start3A_91 = tpu.memref_squeeze %dma_start3A_90 : memref<1x1280xi32, #tpu.memory_space<vmem_shared>> -> memref<1280xi32, #tpu.memory_space<vmem_shared>>
      %dma_start3A_92 = arith.constant 0 : i32
      %dma_start3A_93 = tpu.memref_slice %arg8[%run_scoped3A_43, %dma_start3A_92] : memref<16x1280xi32, #tpu.memory_space<vmem>> -> memref<1x1280xi32, #tpu.memory_space<vmem>>
      %dma_start3A_94 = tpu.memref_squeeze %dma_start3A_93 : memref<1x1280xi32, #tpu.memory_space<vmem>> -> memref<1280xi32, #tpu.memory_space<vmem>>
      %dma_start3A_95 = tpu.memref_slice %arg10[%run_scoped3A_42, %mul3A_41] : memref<16x20480xi32, #tpu.memory_space<vmem_shared>> -> memref<1x1280xi32, #tpu.memory_space<vmem_shared>>
      %dma_start3A_96 = tpu.memref_squeeze %dma_start3A_95 : memref<1x1280xi32, #tpu.memory_space<vmem_shared>> -> memref<1280xi32, #tpu.memory_space<vmem_shared>>
      tpu.enqueue_dma source(%dma_start3A_96 : memref<1280xi32, #tpu.memory_space<vmem_shared>>) target(%dma_start3A_94 : memref<1280xi32, #tpu.memory_space<vmem>>) target_semaphore(%run_scoped3A_87 : memref<!tpu.dma_semaphore, #tpu.memory_space<semaphore_mem>>)
      %dma_wait3A = arith.constant 0 : i32
      %dma_wait3A_97 = tpu.memref_slice %arg8[%run_scoped3A_43, %dma_wait3A] : memref<16x1280xi32, #tpu.memory_space<vmem>> -> memref<1x1280xi32, #tpu.memory_space<vmem>>
      %dma_wait3A_98 = tpu.memref_squeeze %dma_wait3A_97 : memref<1x1280xi32, #tpu.memory_space<vmem>> -> memref<1280xi32, #tpu.memory_space<vmem>>
      %dma_wait3A_99 = tpu.memref_slice %arg10[%run_scoped3A_42, %mul3A_41] : memref<16x20480xi32, #tpu.memory_space<vmem_shared>> -> memref<1x1280xi32, #tpu.memory_space<vmem_shared>>
      %dma_wait3A_100 = tpu.memref_squeeze %dma_wait3A_99 : memref<1x1280xi32, #tpu.memory_space<vmem_shared>> -> memref<1280xi32, #tpu.memory_space<vmem_shared>>
      %dma_wait3A_101 = arith.constant 0 : i32
      %dma_wait3A_102 = tpu.memref_slice %arg8[%run_scoped3A_43, %dma_wait3A_101] : memref<16x1280xi32, #tpu.memory_space<vmem>> -> memref<1x1280xi32, #tpu.memory_space<vmem>>
      %dma_wait3A_103 = tpu.memref_squeeze %dma_wait3A_102 : memref<1x1280xi32, #tpu.memory_space<vmem>> -> memref<1280xi32, #tpu.memory_space<vmem>>
      %dma_wait3A_104 = tpu.memref_slice %arg10[%run_scoped3A_42, %mul3A_41] : memref<16x20480xi32, #tpu.memory_space<vmem_shared>> -> memref<1x1280xi32, #tpu.memory_space<vmem_shared>>
      %dma_wait3A_105 = tpu.memref_squeeze %dma_wait3A_104 : memref<1x1280xi32, #tpu.memory_space<vmem_shared>> -> memref<1280xi32, #tpu.memory_space<vmem_shared>>
      tpu.wait_dma2 semaphore(%run_scoped3A_87 : memref<!tpu.dma_semaphore, #tpu.memory_space<semaphore_mem>>) src(%dma_wait3A_105 : memref<1280xi32, #tpu.memory_space<vmem_shared>>) dst(%dma_wait3A_103 : memref<1280xi32, #tpu.memory_space<vmem>>)
      tpu.yield
    }) : () -> ()
    %mul3A_44 = arith.constant 1280 : i32
    %mul3A_45 = arith.muli %arg1, %mul3A_44 : i32
    %run_scoped3A_46 = arith.constant 7 : i32
    %run_scoped3A_47 = arith.constant 7 : i32
    "tpu.region"() ({
      %run_scoped3A_87 = tpu.sem_alloc : memref<!tpu.dma_semaphore, #tpu.memory_space<semaphore_mem>>
      %dma_start3A = arith.constant 0 : i32
      %dma_start3A_88 = tpu.memref_slice %arg8[%run_scoped3A_47, %dma_start3A] : memref<16x1280xi32, #tpu.memory_space<vmem>> -> memref<1x1280xi32, #tpu.memory_space<vmem>>
      %dma_start3A_89 = tpu.memref_squeeze %dma_start3A_88 : memref<1x1280xi32, #tpu.memory_space<vmem>> -> memref<1280xi32, #tpu.memory_space<vmem>>
      %dma_start3A_90 = tpu.memref_slice %arg10[%run_scoped3A_46, %mul3A_45] : memref<16x20480xi32, #tpu.memory_space<vmem_shared>> -> memref<1x1280xi32, #tpu.memory_space<vmem_shared>>
      %dma_start3A_91 = tpu.memref_squeeze %dma_start3A_90 : memref<1x1280xi32, #tpu.memory_space<vmem_shared>> -> memref<1280xi32, #tpu.memory_space<vmem_shared>>
      %dma_start3A_92 = arith.constant 0 : i32
      %dma_start3A_93 = tpu.memref_slice %arg8[%run_scoped3A_47, %dma_start3A_92] : memref<16x1280xi32, #tpu.memory_space<vmem>> -> memref<1x1280xi32, #tpu.memory_space<vmem>>
      %dma_start3A_94 = tpu.memref_squeeze %dma_start3A_93 : memref<1x1280xi32, #tpu.memory_space<vmem>> -> memref<1280xi32, #tpu.memory_space<vmem>>
      %dma_start3A_95 = tpu.memref_slice %arg10[%run_scoped3A_46, %mul3A_45] : memref<16x20480xi32, #tpu.memory_space<vmem_shared>> -> memref<1x1280xi32, #tpu.memory_space<vmem_shared>>
      %dma_start3A_96 = tpu.memref_squeeze %dma_start3A_95 : memref<1x1280xi32, #tpu.memory_space<vmem_shared>> -> memref<1280xi32, #tpu.memory_space<vmem_shared>>
      tpu.enqueue_dma source(%dma_start3A_96 : memref<1280xi32, #tpu.memory_space<vmem_shared>>) target(%dma_start3A_94 : memref<1280xi32, #tpu.memory_space<vmem>>) target_semaphore(%run_scoped3A_87 : memref<!tpu.dma_semaphore, #tpu.memory_space<semaphore_mem>>)
      %dma_wait3A = arith.constant 0 : i32
      %dma_wait3A_97 = tpu.memref_slice %arg8[%run_scoped3A_47, %dma_wait3A] : memref<16x1280xi32, #tpu.memory_space<vmem>> -> memref<1x1280xi32, #tpu.memory_space<vmem>>
      %dma_wait3A_98 = tpu.memref_squeeze %dma_wait3A_97 : memref<1x1280xi32, #tpu.memory_space<vmem>> -> memref<1280xi32, #tpu.memory_space<vmem>>
      %dma_wait3A_99 = tpu.memref_slice %arg10[%run_scoped3A_46, %mul3A_45] : memref<16x20480xi32, #tpu.memory_space<vmem_shared>> -> memref<1x1280xi32, #tpu.memory_space<vmem_shared>>
      %dma_wait3A_100 = tpu.memref_squeeze %dma_wait3A_99 : memref<1x1280xi32, #tpu.memory_space<vmem_shared>> -> memref<1280xi32, #tpu.memory_space<vmem_shared>>
      %dma_wait3A_101 = arith.constant 0 : i32
      %dma_wait3A_102 = tpu.memref_slice %arg8[%run_scoped3A_47, %dma_wait3A_101] : memref<16x1280xi32, #tpu.memory_space<vmem>> -> memref<1x1280xi32, #tpu.memory_space<vmem>>
      %dma_wait3A_103 = tpu.memref_squeeze %dma_wait3A_102 : memref<1x1280xi32, #tpu.memory_space<vmem>> -> memref<1280xi32, #tpu.memory_space<vmem>>
      %dma_wait3A_104 = tpu.memref_slice %arg10[%run_scoped3A_46, %mul3A_45] : memref<16x20480xi32, #tpu.memory_space<vmem_shared>> -> memref<1x1280xi32, #tpu.memory_space<vmem_shared>>
      %dma_wait3A_105 = tpu.memref_squeeze %dma_wait3A_104 : memref<1x1280xi32, #tpu.memory_space<vmem_shared>> -> memref<1280xi32, #tpu.memory_space<vmem_shared>>
      tpu.wait_dma2 semaphore(%run_scoped3A_87 : memref<!tpu.dma_semaphore, #tpu.memory_space<semaphore_mem>>) src(%dma_wait3A_105 : memref<1280xi32, #tpu.memory_space<vmem_shared>>) dst(%dma_wait3A_103 : memref<1280xi32, #tpu.memory_space<vmem>>)
      tpu.yield
    }) : () -> ()
    %mul3A_48 = arith.constant 1280 : i32
    %mul3A_49 = arith.muli %arg1, %mul3A_48 : i32
    %run_scoped3A_50 = arith.constant 8 : i32
    %run_scoped3A_51 = arith.constant 8 : i32
    "tpu.region"() ({
      %run_scoped3A_87 = tpu.sem_alloc : memref<!tpu.dma_semaphore, #tpu.memory_space<semaphore_mem>>
      %dma_start3A = arith.constant 0 : i32
      %dma_start3A_88 = tpu.memref_slice %arg8[%run_scoped3A_51, %dma_start3A] : memref<16x1280xi32, #tpu.memory_space<vmem>> -> memref<1x1280xi32, #tpu.memory_space<vmem>>
      %dma_start3A_89 = tpu.memref_squeeze %dma_start3A_88 : memref<1x1280xi32, #tpu.memory_space<vmem>> -> memref<1280xi32, #tpu.memory_space<vmem>>
      %dma_start3A_90 = tpu.memref_slice %arg10[%run_scoped3A_50, %mul3A_49] : memref<16x20480xi32, #tpu.memory_space<vmem_shared>> -> memref<1x1280xi32, #tpu.memory_space<vmem_shared>>
      %dma_start3A_91 = tpu.memref_squeeze %dma_start3A_90 : memref<1x1280xi32, #tpu.memory_space<vmem_shared>> -> memref<1280xi32, #tpu.memory_space<vmem_shared>>
      %dma_start3A_92 = arith.constant 0 : i32
      %dma_start3A_93 = tpu.memref_slice %arg8[%run_scoped3A_51, %dma_start3A_92] : memref<16x1280xi32, #tpu.memory_space<vmem>> -> memref<1x1280xi32, #tpu.memory_space<vmem>>
      %dma_start3A_94 = tpu.memref_squeeze %dma_start3A_93 : memref<1x1280xi32, #tpu.memory_space<vmem>> -> memref<1280xi32, #tpu.memory_space<vmem>>
      %dma_start3A_95 = tpu.memref_slice %arg10[%run_scoped3A_50, %mul3A_49] : memref<16x20480xi32, #tpu.memory_space<vmem_shared>> -> memref<1x1280xi32, #tpu.memory_space<vmem_shared>>
      %dma_start3A_96 = tpu.memref_squeeze %dma_start3A_95 : memref<1x1280xi32, #tpu.memory_space<vmem_shared>> -> memref<1280xi32, #tpu.memory_space<vmem_shared>>
      tpu.enqueue_dma source(%dma_start3A_96 : memref<1280xi32, #tpu.memory_space<vmem_shared>>) target(%dma_start3A_94 : memref<1280xi32, #tpu.memory_space<vmem>>) target_semaphore(%run_scoped3A_87 : memref<!tpu.dma_semaphore, #tpu.memory_space<semaphore_mem>>)
      %dma_wait3A = arith.constant 0 : i32
      %dma_wait3A_97 = tpu.memref_slice %arg8[%run_scoped3A_51, %dma_wait3A] : memref<16x1280xi32, #tpu.memory_space<vmem>> -> memref<1x1280xi32, #tpu.memory_space<vmem>>
      %dma_wait3A_98 = tpu.memref_squeeze %dma_wait3A_97 : memref<1x1280xi32, #tpu.memory_space<vmem>> -> memref<1280xi32, #tpu.memory_space<vmem>>
      %dma_wait3A_99 = tpu.memref_slice %arg10[%run_scoped3A_50, %mul3A_49] : memref<16x20480xi32, #tpu.memory_space<vmem_shared>> -> memref<1x1280xi32, #tpu.memory_space<vmem_shared>>
      %dma_wait3A_100 = tpu.memref_squeeze %dma_wait3A_99 : memref<1x1280xi32, #tpu.memory_space<vmem_shared>> -> memref<1280xi32, #tpu.memory_space<vmem_shared>>
      %dma_wait3A_101 = arith.constant 0 : i32
      %dma_wait3A_102 = tpu.memref_slice %arg8[%run_scoped3A_51, %dma_wait3A_101] : memref<16x1280xi32, #tpu.memory_space<vmem>> -> memref<1x1280xi32, #tpu.memory_space<vmem>>
      %dma_wait3A_103 = tpu.memref_squeeze %dma_wait3A_102 : memref<1x1280xi32, #tpu.memory_space<vmem>> -> memref<1280xi32, #tpu.memory_space<vmem>>
      %dma_wait3A_104 = tpu.memref_slice %arg10[%run_scoped3A_50, %mul3A_49] : memref<16x20480xi32, #tpu.memory_space<vmem_shared>> -> memref<1x1280xi32, #tpu.memory_space<vmem_shared>>
      %dma_wait3A_105 = tpu.memref_squeeze %dma_wait3A_104 : memref<1x1280xi32, #tpu.memory_space<vmem_shared>> -> memref<1280xi32, #tpu.memory_space<vmem_shared>>
      tpu.wait_dma2 semaphore(%run_scoped3A_87 : memref<!tpu.dma_semaphore, #tpu.memory_space<semaphore_mem>>) src(%dma_wait3A_105 : memref<1280xi32, #tpu.memory_space<vmem_shared>>) dst(%dma_wait3A_103 : memref<1280xi32, #tpu.memory_space<vmem>>)
      tpu.yield
    }) : () -> ()
    %mul3A_52 = arith.constant 1280 : i32
    %mul3A_53 = arith.muli %arg1, %mul3A_52 : i32
    %run_scoped3A_54 = arith.constant 9 : i32
    %run_scoped3A_55 = arith.constant 9 : i32
    "tpu.region"() ({
      %run_scoped3A_87 = tpu.sem_alloc : memref<!tpu.dma_semaphore, #tpu.memory_space<semaphore_mem>>
      %dma_start3A = arith.constant 0 : i32
      %dma_start3A_88 = tpu.memref_slice %arg8[%run_scoped3A_55, %dma_start3A] : memref<16x1280xi32, #tpu.memory_space<vmem>> -> memref<1x1280xi32, #tpu.memory_space<vmem>>
      %dma_start3A_89 = tpu.memref_squeeze %dma_start3A_88 : memref<1x1280xi32, #tpu.memory_space<vmem>> -> memref<1280xi32, #tpu.memory_space<vmem>>
      %dma_start3A_90 = tpu.memref_slice %arg10[%run_scoped3A_54, %mul3A_53] : memref<16x20480xi32, #tpu.memory_space<vmem_shared>> -> memref<1x1280xi32, #tpu.memory_space<vmem_shared>>
      %dma_start3A_91 = tpu.memref_squeeze %dma_start3A_90 : memref<1x1280xi32, #tpu.memory_space<vmem_shared>> -> memref<1280xi32, #tpu.memory_space<vmem_shared>>
      %dma_start3A_92 = arith.constant 0 : i32
      %dma_start3A_93 = tpu.memref_slice %arg8[%run_scoped3A_55, %dma_start3A_92] : memref<16x1280xi32, #tpu.memory_space<vmem>> -> memref<1x1280xi32, #tpu.memory_space<vmem>>
      %dma_start3A_94 = tpu.memref_squeeze %dma_start3A_93 : memref<1x1280xi32, #tpu.memory_space<vmem>> -> memref<1280xi32, #tpu.memory_space<vmem>>
      %dma_start3A_95 = tpu.memref_slice %arg10[%run_scoped3A_54, %mul3A_53] : memref<16x20480xi32, #tpu.memory_space<vmem_shared>> -> memref<1x1280xi32, #tpu.memory_space<vmem_shared>>
      %dma_start3A_96 = tpu.memref_squeeze %dma_start3A_95 : memref<1x1280xi32, #tpu.memory_space<vmem_shared>> -> memref<1280xi32, #tpu.memory_space<vmem_shared>>
      tpu.enqueue_dma source(%dma_start3A_96 : memref<1280xi32, #tpu.memory_space<vmem_shared>>) target(%dma_start3A_94 : memref<1280xi32, #tpu.memory_space<vmem>>) target_semaphore(%run_scoped3A_87 : memref<!tpu.dma_semaphore, #tpu.memory_space<semaphore_mem>>)
      %dma_wait3A = arith.constant 0 : i32
      %dma_wait3A_97 = tpu.memref_slice %arg8[%run_scoped3A_55, %dma_wait3A] : memref<16x1280xi32, #tpu.memory_space<vmem>> -> memref<1x1280xi32, #tpu.memory_space<vmem>>
      %dma_wait3A_98 = tpu.memref_squeeze %dma_wait3A_97 : memref<1x1280xi32, #tpu.memory_space<vmem>> -> memref<1280xi32, #tpu.memory_space<vmem>>
      %dma_wait3A_99 = tpu.memref_slice %arg10[%run_scoped3A_54, %mul3A_53] : memref<16x20480xi32, #tpu.memory_space<vmem_shared>> -> memref<1x1280xi32, #tpu.memory_space<vmem_shared>>
      %dma_wait3A_100 = tpu.memref_squeeze %dma_wait3A_99 : memref<1x1280xi32, #tpu.memory_space<vmem_shared>> -> memref<1280xi32, #tpu.memory_space<vmem_shared>>
      %dma_wait3A_101 = arith.constant 0 : i32
      %dma_wait3A_102 = tpu.memref_slice %arg8[%run_scoped3A_55, %dma_wait3A_101] : memref<16x1280xi32, #tpu.memory_space<vmem>> -> memref<1x1280xi32, #tpu.memory_space<vmem>>
      %dma_wait3A_103 = tpu.memref_squeeze %dma_wait3A_102 : memref<1x1280xi32, #tpu.memory_space<vmem>> -> memref<1280xi32, #tpu.memory_space<vmem>>
      %dma_wait3A_104 = tpu.memref_slice %arg10[%run_scoped3A_54, %mul3A_53] : memref<16x20480xi32, #tpu.memory_space<vmem_shared>> -> memref<1x1280xi32, #tpu.memory_space<vmem_shared>>
      %dma_wait3A_105 = tpu.memref_squeeze %dma_wait3A_104 : memref<1x1280xi32, #tpu.memory_space<vmem_shared>> -> memref<1280xi32, #tpu.memory_space<vmem_shared>>
      tpu.wait_dma2 semaphore(%run_scoped3A_87 : memref<!tpu.dma_semaphore, #tpu.memory_space<semaphore_mem>>) src(%dma_wait3A_105 : memref<1280xi32, #tpu.memory_space<vmem_shared>>) dst(%dma_wait3A_103 : memref<1280xi32, #tpu.memory_space<vmem>>)
      tpu.yield
    }) : () -> ()
    %mul3A_56 = arith.constant 1280 : i32
    %mul3A_57 = arith.muli %arg1, %mul3A_56 : i32
    %run_scoped3A_58 = arith.constant 10 : i32
    %run_scoped3A_59 = arith.constant 10 : i32
    "tpu.region"() ({
      %run_scoped3A_87 = tpu.sem_alloc : memref<!tpu.dma_semaphore, #tpu.memory_space<semaphore_mem>>
      %dma_start3A = arith.constant 0 : i32
      %dma_start3A_88 = tpu.memref_slice %arg8[%run_scoped3A_59, %dma_start3A] : memref<16x1280xi32, #tpu.memory_space<vmem>> -> memref<1x1280xi32, #tpu.memory_space<vmem>>
      %dma_start3A_89 = tpu.memref_squeeze %dma_start3A_88 : memref<1x1280xi32, #tpu.memory_space<vmem>> -> memref<1280xi32, #tpu.memory_space<vmem>>
      %dma_start3A_90 = tpu.memref_slice %arg10[%run_scoped3A_58, %mul3A_57] : memref<16x20480xi32, #tpu.memory_space<vmem_shared>> -> memref<1x1280xi32, #tpu.memory_space<vmem_shared>>
      %dma_start3A_91 = tpu.memref_squeeze %dma_start3A_90 : memref<1x1280xi32, #tpu.memory_space<vmem_shared>> -> memref<1280xi32, #tpu.memory_space<vmem_shared>>
      %dma_start3A_92 = arith.constant 0 : i32
      %dma_start3A_93 = tpu.memref_slice %arg8[%run_scoped3A_59, %dma_start3A_92] : memref<16x1280xi32, #tpu.memory_space<vmem>> -> memref<1x1280xi32, #tpu.memory_space<vmem>>
      %dma_start3A_94 = tpu.memref_squeeze %dma_start3A_93 : memref<1x1280xi32, #tpu.memory_space<vmem>> -> memref<1280xi32, #tpu.memory_space<vmem>>
      %dma_start3A_95 = tpu.memref_slice %arg10[%run_scoped3A_58, %mul3A_57] : memref<16x20480xi32, #tpu.memory_space<vmem_shared>> -> memref<1x1280xi32, #tpu.memory_space<vmem_shared>>
      %dma_start3A_96 = tpu.memref_squeeze %dma_start3A_95 : memref<1x1280xi32, #tpu.memory_space<vmem_shared>> -> memref<1280xi32, #tpu.memory_space<vmem_shared>>
      tpu.enqueue_dma source(%dma_start3A_96 : memref<1280xi32, #tpu.memory_space<vmem_shared>>) target(%dma_start3A_94 : memref<1280xi32, #tpu.memory_space<vmem>>) target_semaphore(%run_scoped3A_87 : memref<!tpu.dma_semaphore, #tpu.memory_space<semaphore_mem>>)
      %dma_wait3A = arith.constant 0 : i32
      %dma_wait3A_97 = tpu.memref_slice %arg8[%run_scoped3A_59, %dma_wait3A] : memref<16x1280xi32, #tpu.memory_space<vmem>> -> memref<1x1280xi32, #tpu.memory_space<vmem>>
      %dma_wait3A_98 = tpu.memref_squeeze %dma_wait3A_97 : memref<1x1280xi32, #tpu.memory_space<vmem>> -> memref<1280xi32, #tpu.memory_space<vmem>>
      %dma_wait3A_99 = tpu.memref_slice %arg10[%run_scoped3A_58, %mul3A_57] : memref<16x20480xi32, #tpu.memory_space<vmem_shared>> -> memref<1x1280xi32, #tpu.memory_space<vmem_shared>>
      %dma_wait3A_100 = tpu.memref_squeeze %dma_wait3A_99 : memref<1x1280xi32, #tpu.memory_space<vmem_shared>> -> memref<1280xi32, #tpu.memory_space<vmem_shared>>
      %dma_wait3A_101 = arith.constant 0 : i32
      %dma_wait3A_102 = tpu.memref_slice %arg8[%run_scoped3A_59, %dma_wait3A_101] : memref<16x1280xi32, #tpu.memory_space<vmem>> -> memref<1x1280xi32, #tpu.memory_space<vmem>>
      %dma_wait3A_103 = tpu.memref_squeeze %dma_wait3A_102 : memref<1x1280xi32, #tpu.memory_space<vmem>> -> memref<1280xi32, #tpu.memory_space<vmem>>
      %dma_wait3A_104 = tpu.memref_slice %arg10[%run_scoped3A_58, %mul3A_57] : memref<16x20480xi32, #tpu.memory_space<vmem_shared>> -> memref<1x1280xi32, #tpu.memory_space<vmem_shared>>
      %dma_wait3A_105 = tpu.memref_squeeze %dma_wait3A_104 : memref<1x1280xi32, #tpu.memory_space<vmem_shared>> -> memref<1280xi32, #tpu.memory_space<vmem_shared>>
      tpu.wait_dma2 semaphore(%run_scoped3A_87 : memref<!tpu.dma_semaphore, #tpu.memory_space<semaphore_mem>>) src(%dma_wait3A_105 : memref<1280xi32, #tpu.memory_space<vmem_shared>>) dst(%dma_wait3A_103 : memref<1280xi32, #tpu.memory_space<vmem>>)
      tpu.yield
    }) : () -> ()
    %mul3A_60 = arith.constant 1280 : i32
    %mul3A_61 = arith.muli %arg1, %mul3A_60 : i32
    %run_scoped3A_62 = arith.constant 11 : i32
    %run_scoped3A_63 = arith.constant 11 : i32
    "tpu.region"() ({
      %run_scoped3A_87 = tpu.sem_alloc : memref<!tpu.dma_semaphore, #tpu.memory_space<semaphore_mem>>
      %dma_start3A = arith.constant 0 : i32
      %dma_start3A_88 = tpu.memref_slice %arg8[%run_scoped3A_63, %dma_start3A] : memref<16x1280xi32, #tpu.memory_space<vmem>> -> memref<1x1280xi32, #tpu.memory_space<vmem>>
      %dma_start3A_89 = tpu.memref_squeeze %dma_start3A_88 : memref<1x1280xi32, #tpu.memory_space<vmem>> -> memref<1280xi32, #tpu.memory_space<vmem>>
      %dma_start3A_90 = tpu.memref_slice %arg10[%run_scoped3A_62, %mul3A_61] : memref<16x20480xi32, #tpu.memory_space<vmem_shared>> -> memref<1x1280xi32, #tpu.memory_space<vmem_shared>>
      %dma_start3A_91 = tpu.memref_squeeze %dma_start3A_90 : memref<1x1280xi32, #tpu.memory_space<vmem_shared>> -> memref<1280xi32, #tpu.memory_space<vmem_shared>>
      %dma_start3A_92 = arith.constant 0 : i32
      %dma_start3A_93 = tpu.memref_slice %arg8[%run_scoped3A_63, %dma_start3A_92] : memref<16x1280xi32, #tpu.memory_space<vmem>> -> memref<1x1280xi32, #tpu.memory_space<vmem>>
      %dma_start3A_94 = tpu.memref_squeeze %dma_start3A_93 : memref<1x1280xi32, #tpu.memory_space<vmem>> -> memref<1280xi32, #tpu.memory_space<vmem>>
      %dma_start3A_95 = tpu.memref_slice %arg10[%run_scoped3A_62, %mul3A_61] : memref<16x20480xi32, #tpu.memory_space<vmem_shared>> -> memref<1x1280xi32, #tpu.memory_space<vmem_shared>>
      %dma_start3A_96 = tpu.memref_squeeze %dma_start3A_95 : memref<1x1280xi32, #tpu.memory_space<vmem_shared>> -> memref<1280xi32, #tpu.memory_space<vmem_shared>>
      tpu.enqueue_dma source(%dma_start3A_96 : memref<1280xi32, #tpu.memory_space<vmem_shared>>) target(%dma_start3A_94 : memref<1280xi32, #tpu.memory_space<vmem>>) target_semaphore(%run_scoped3A_87 : memref<!tpu.dma_semaphore, #tpu.memory_space<semaphore_mem>>)
      %dma_wait3A = arith.constant 0 : i32
      %dma_wait3A_97 = tpu.memref_slice %arg8[%run_scoped3A_63, %dma_wait3A] : memref<16x1280xi32, #tpu.memory_space<vmem>> -> memref<1x1280xi32, #tpu.memory_space<vmem>>
      %dma_wait3A_98 = tpu.memref_squeeze %dma_wait3A_97 : memref<1x1280xi32, #tpu.memory_space<vmem>> -> memref<1280xi32, #tpu.memory_space<vmem>>
      %dma_wait3A_99 = tpu.memref_slice %arg10[%run_scoped3A_62, %mul3A_61] : memref<16x20480xi32, #tpu.memory_space<vmem_shared>> -> memref<1x1280xi32, #tpu.memory_space<vmem_shared>>
      %dma_wait3A_100 = tpu.memref_squeeze %dma_wait3A_99 : memref<1x1280xi32, #tpu.memory_space<vmem_shared>> -> memref<1280xi32, #tpu.memory_space<vmem_shared>>
      %dma_wait3A_101 = arith.constant 0 : i32
      %dma_wait3A_102 = tpu.memref_slice %arg8[%run_scoped3A_63, %dma_wait3A_101] : memref<16x1280xi32, #tpu.memory_space<vmem>> -> memref<1x1280xi32, #tpu.memory_space<vmem>>
      %dma_wait3A_103 = tpu.memref_squeeze %dma_wait3A_102 : memref<1x1280xi32, #tpu.memory_space<vmem>> -> memref<1280xi32, #tpu.memory_space<vmem>>
      %dma_wait3A_104 = tpu.memref_slice %arg10[%run_scoped3A_62, %mul3A_61] : memref<16x20480xi32, #tpu.memory_space<vmem_shared>> -> memref<1x1280xi32, #tpu.memory_space<vmem_shared>>
      %dma_wait3A_105 = tpu.memref_squeeze %dma_wait3A_104 : memref<1x1280xi32, #tpu.memory_space<vmem_shared>> -> memref<1280xi32, #tpu.memory_space<vmem_shared>>
      tpu.wait_dma2 semaphore(%run_scoped3A_87 : memref<!tpu.dma_semaphore, #tpu.memory_space<semaphore_mem>>) src(%dma_wait3A_105 : memref<1280xi32, #tpu.memory_space<vmem_shared>>) dst(%dma_wait3A_103 : memref<1280xi32, #tpu.memory_space<vmem>>)
      tpu.yield
    }) : () -> ()
    %mul3A_64 = arith.constant 1280 : i32
    %mul3A_65 = arith.muli %arg1, %mul3A_64 : i32
    %run_scoped3A_66 = arith.constant 12 : i32
    %run_scoped3A_67 = arith.constant 12 : i32
    "tpu.region"() ({
      %run_scoped3A_87 = tpu.sem_alloc : memref<!tpu.dma_semaphore, #tpu.memory_space<semaphore_mem>>
      %dma_start3A = arith.constant 0 : i32
      %dma_start3A_88 = tpu.memref_slice %arg8[%run_scoped3A_67, %dma_start3A] : memref<16x1280xi32, #tpu.memory_space<vmem>> -> memref<1x1280xi32, #tpu.memory_space<vmem>>
      %dma_start3A_89 = tpu.memref_squeeze %dma_start3A_88 : memref<1x1280xi32, #tpu.memory_space<vmem>> -> memref<1280xi32, #tpu.memory_space<vmem>>
      %dma_start3A_90 = tpu.memref_slice %arg10[%run_scoped3A_66, %mul3A_65] : memref<16x20480xi32, #tpu.memory_space<vmem_shared>> -> memref<1x1280xi32, #tpu.memory_space<vmem_shared>>
      %dma_start3A_91 = tpu.memref_squeeze %dma_start3A_90 : memref<1x1280xi32, #tpu.memory_space<vmem_shared>> -> memref<1280xi32, #tpu.memory_space<vmem_shared>>
      %dma_start3A_92 = arith.constant 0 : i32
      %dma_start3A_93 = tpu.memref_slice %arg8[%run_scoped3A_67, %dma_start3A_92] : memref<16x1280xi32, #tpu.memory_space<vmem>> -> memref<1x1280xi32, #tpu.memory_space<vmem>>
      %dma_start3A_94 = tpu.memref_squeeze %dma_start3A_93 : memref<1x1280xi32, #tpu.memory_space<vmem>> -> memref<1280xi32, #tpu.memory_space<vmem>>
      %dma_start3A_95 = tpu.memref_slice %arg10[%run_scoped3A_66, %mul3A_65] : memref<16x20480xi32, #tpu.memory_space<vmem_shared>> -> memref<1x1280xi32, #tpu.memory_space<vmem_shared>>
      %dma_start3A_96 = tpu.memref_squeeze %dma_start3A_95 : memref<1x1280xi32, #tpu.memory_space<vmem_shared>> -> memref<1280xi32, #tpu.memory_space<vmem_shared>>
      tpu.enqueue_dma source(%dma_start3A_96 : memref<1280xi32, #tpu.memory_space<vmem_shared>>) target(%dma_start3A_94 : memref<1280xi32, #tpu.memory_space<vmem>>) target_semaphore(%run_scoped3A_87 : memref<!tpu.dma_semaphore, #tpu.memory_space<semaphore_mem>>)
      %dma_wait3A = arith.constant 0 : i32
      %dma_wait3A_97 = tpu.memref_slice %arg8[%run_scoped3A_67, %dma_wait3A] : memref<16x1280xi32, #tpu.memory_space<vmem>> -> memref<1x1280xi32, #tpu.memory_space<vmem>>
      %dma_wait3A_98 = tpu.memref_squeeze %dma_wait3A_97 : memref<1x1280xi32, #tpu.memory_space<vmem>> -> memref<1280xi32, #tpu.memory_space<vmem>>
      %dma_wait3A_99 = tpu.memref_slice %arg10[%run_scoped3A_66, %mul3A_65] : memref<16x20480xi32, #tpu.memory_space<vmem_shared>> -> memref<1x1280xi32, #tpu.memory_space<vmem_shared>>
      %dma_wait3A_100 = tpu.memref_squeeze %dma_wait3A_99 : memref<1x1280xi32, #tpu.memory_space<vmem_shared>> -> memref<1280xi32, #tpu.memory_space<vmem_shared>>
      %dma_wait3A_101 = arith.constant 0 : i32
      %dma_wait3A_102 = tpu.memref_slice %arg8[%run_scoped3A_67, %dma_wait3A_101] : memref<16x1280xi32, #tpu.memory_space<vmem>> -> memref<1x1280xi32, #tpu.memory_space<vmem>>
      %dma_wait3A_103 = tpu.memref_squeeze %dma_wait3A_102 : memref<1x1280xi32, #tpu.memory_space<vmem>> -> memref<1280xi32, #tpu.memory_space<vmem>>
      %dma_wait3A_104 = tpu.memref_slice %arg10[%run_scoped3A_66, %mul3A_65] : memref<16x20480xi32, #tpu.memory_space<vmem_shared>> -> memref<1x1280xi32, #tpu.memory_space<vmem_shared>>
      %dma_wait3A_105 = tpu.memref_squeeze %dma_wait3A_104 : memref<1x1280xi32, #tpu.memory_space<vmem_shared>> -> memref<1280xi32, #tpu.memory_space<vmem_shared>>
      tpu.wait_dma2 semaphore(%run_scoped3A_87 : memref<!tpu.dma_semaphore, #tpu.memory_space<semaphore_mem>>) src(%dma_wait3A_105 : memref<1280xi32, #tpu.memory_space<vmem_shared>>) dst(%dma_wait3A_103 : memref<1280xi32, #tpu.memory_space<vmem>>)
      tpu.yield
    }) : () -> ()
    %mul3A_68 = arith.constant 1280 : i32
    %mul3A_69 = arith.muli %arg1, %mul3A_68 : i32
    %run_scoped3A_70 = arith.constant 13 : i32
    %run_scoped3A_71 = arith.constant 13 : i32
    "tpu.region"() ({
      %run_scoped3A_87 = tpu.sem_alloc : memref<!tpu.dma_semaphore, #tpu.memory_space<semaphore_mem>>
      %dma_start3A = arith.constant 0 : i32
      %dma_start3A_88 = tpu.memref_slice %arg8[%run_scoped3A_71, %dma_start3A] : memref<16x1280xi32, #tpu.memory_space<vmem>> -> memref<1x1280xi32, #tpu.memory_space<vmem>>
      %dma_start3A_89 = tpu.memref_squeeze %dma_start3A_88 : memref<1x1280xi32, #tpu.memory_space<vmem>> -> memref<1280xi32, #tpu.memory_space<vmem>>
      %dma_start3A_90 = tpu.memref_slice %arg10[%run_scoped3A_70, %mul3A_69] : memref<16x20480xi32, #tpu.memory_space<vmem_shared>> -> memref<1x1280xi32, #tpu.memory_space<vmem_shared>>
      %dma_start3A_91 = tpu.memref_squeeze %dma_start3A_90 : memref<1x1280xi32, #tpu.memory_space<vmem_shared>> -> memref<1280xi32, #tpu.memory_space<vmem_shared>>
      %dma_start3A_92 = arith.constant 0 : i32
      %dma_start3A_93 = tpu.memref_slice %arg8[%run_scoped3A_71, %dma_start3A_92] : memref<16x1280xi32, #tpu.memory_space<vmem>> -> memref<1x1280xi32, #tpu.memory_space<vmem>>
      %dma_start3A_94 = tpu.memref_squeeze %dma_start3A_93 : memref<1x1280xi32, #tpu.memory_space<vmem>> -> memref<1280xi32, #tpu.memory_space<vmem>>
      %dma_start3A_95 = tpu.memref_slice %arg10[%run_scoped3A_70, %mul3A_69] : memref<16x20480xi32, #tpu.memory_space<vmem_shared>> -> memref<1x1280xi32, #tpu.memory_space<vmem_shared>>
      %dma_start3A_96 = tpu.memref_squeeze %dma_start3A_95 : memref<1x1280xi32, #tpu.memory_space<vmem_shared>> -> memref<1280xi32, #tpu.memory_space<vmem_shared>>
      tpu.enqueue_dma source(%dma_start3A_96 : memref<1280xi32, #tpu.memory_space<vmem_shared>>) target(%dma_start3A_94 : memref<1280xi32, #tpu.memory_space<vmem>>) target_semaphore(%run_scoped3A_87 : memref<!tpu.dma_semaphore, #tpu.memory_space<semaphore_mem>>)
      %dma_wait3A = arith.constant 0 : i32
      %dma_wait3A_97 = tpu.memref_slice %arg8[%run_scoped3A_71, %dma_wait3A] : memref<16x1280xi32, #tpu.memory_space<vmem>> -> memref<1x1280xi32, #tpu.memory_space<vmem>>
      %dma_wait3A_98 = tpu.memref_squeeze %dma_wait3A_97 : memref<1x1280xi32, #tpu.memory_space<vmem>> -> memref<1280xi32, #tpu.memory_space<vmem>>
      %dma_wait3A_99 = tpu.memref_slice %arg10[%run_scoped3A_70, %mul3A_69] : memref<16x20480xi32, #tpu.memory_space<vmem_shared>> -> memref<1x1280xi32, #tpu.memory_space<vmem_shared>>
      %dma_wait3A_100 = tpu.memref_squeeze %dma_wait3A_99 : memref<1x1280xi32, #tpu.memory_space<vmem_shared>> -> memref<1280xi32, #tpu.memory_space<vmem_shared>>
      %dma_wait3A_101 = arith.constant 0 : i32
      %dma_wait3A_102 = tpu.memref_slice %arg8[%run_scoped3A_71, %dma_wait3A_101] : memref<16x1280xi32, #tpu.memory_space<vmem>> -> memref<1x1280xi32, #tpu.memory_space<vmem>>
      %dma_wait3A_103 = tpu.memref_squeeze %dma_wait3A_102 : memref<1x1280xi32, #tpu.memory_space<vmem>> -> memref<1280xi32, #tpu.memory_space<vmem>>
      %dma_wait3A_104 = tpu.memref_slice %arg10[%run_scoped3A_70, %mul3A_69] : memref<16x20480xi32, #tpu.memory_space<vmem_shared>> -> memref<1x1280xi32, #tpu.memory_space<vmem_shared>>
      %dma_wait3A_105 = tpu.memref_squeeze %dma_wait3A_104 : memref<1x1280xi32, #tpu.memory_space<vmem_shared>> -> memref<1280xi32, #tpu.memory_space<vmem_shared>>
      tpu.wait_dma2 semaphore(%run_scoped3A_87 : memref<!tpu.dma_semaphore, #tpu.memory_space<semaphore_mem>>) src(%dma_wait3A_105 : memref<1280xi32, #tpu.memory_space<vmem_shared>>) dst(%dma_wait3A_103 : memref<1280xi32, #tpu.memory_space<vmem>>)
      tpu.yield
    }) : () -> ()
    %mul3A_72 = arith.constant 1280 : i32
    %mul3A_73 = arith.muli %arg1, %mul3A_72 : i32
    %run_scoped3A_74 = arith.constant 14 : i32
    %run_scoped3A_75 = arith.constant 14 : i32
    "tpu.region"() ({
      %run_scoped3A_87 = tpu.sem_alloc : memref<!tpu.dma_semaphore, #tpu.memory_space<semaphore_mem>>
      %dma_start3A = arith.constant 0 : i32
      %dma_start3A_88 = tpu.memref_slice %arg8[%run_scoped3A_75, %dma_start3A] : memref<16x1280xi32, #tpu.memory_space<vmem>> -> memref<1x1280xi32, #tpu.memory_space<vmem>>
      %dma_start3A_89 = tpu.memref_squeeze %dma_start3A_88 : memref<1x1280xi32, #tpu.memory_space<vmem>> -> memref<1280xi32, #tpu.memory_space<vmem>>
      %dma_start3A_90 = tpu.memref_slice %arg10[%run_scoped3A_74, %mul3A_73] : memref<16x20480xi32, #tpu.memory_space<vmem_shared>> -> memref<1x1280xi32, #tpu.memory_space<vmem_shared>>
      %dma_start3A_91 = tpu.memref_squeeze %dma_start3A_90 : memref<1x1280xi32, #tpu.memory_space<vmem_shared>> -> memref<1280xi32, #tpu.memory_space<vmem_shared>>
      %dma_start3A_92 = arith.constant 0 : i32
      %dma_start3A_93 = tpu.memref_slice %arg8[%run_scoped3A_75, %dma_start3A_92] : memref<16x1280xi32, #tpu.memory_space<vmem>> -> memref<1x1280xi32, #tpu.memory_space<vmem>>
      %dma_start3A_94 = tpu.memref_squeeze %dma_start3A_93 : memref<1x1280xi32, #tpu.memory_space<vmem>> -> memref<1280xi32, #tpu.memory_space<vmem>>
      %dma_start3A_95 = tpu.memref_slice %arg10[%run_scoped3A_74, %mul3A_73] : memref<16x20480xi32, #tpu.memory_space<vmem_shared>> -> memref<1x1280xi32, #tpu.memory_space<vmem_shared>>
      %dma_start3A_96 = tpu.memref_squeeze %dma_start3A_95 : memref<1x1280xi32, #tpu.memory_space<vmem_shared>> -> memref<1280xi32, #tpu.memory_space<vmem_shared>>
      tpu.enqueue_dma source(%dma_start3A_96 : memref<1280xi32, #tpu.memory_space<vmem_shared>>) target(%dma_start3A_94 : memref<1280xi32, #tpu.memory_space<vmem>>) target_semaphore(%run_scoped3A_87 : memref<!tpu.dma_semaphore, #tpu.memory_space<semaphore_mem>>)
      %dma_wait3A = arith.constant 0 : i32
      %dma_wait3A_97 = tpu.memref_slice %arg8[%run_scoped3A_75, %dma_wait3A] : memref<16x1280xi32, #tpu.memory_space<vmem>> -> memref<1x1280xi32, #tpu.memory_space<vmem>>
      %dma_wait3A_98 = tpu.memref_squeeze %dma_wait3A_97 : memref<1x1280xi32, #tpu.memory_space<vmem>> -> memref<1280xi32, #tpu.memory_space<vmem>>
      %dma_wait3A_99 = tpu.memref_slice %arg10[%run_scoped3A_74, %mul3A_73] : memref<16x20480xi32, #tpu.memory_space<vmem_shared>> -> memref<1x1280xi32, #tpu.memory_space<vmem_shared>>
      %dma_wait3A_100 = tpu.memref_squeeze %dma_wait3A_99 : memref<1x1280xi32, #tpu.memory_space<vmem_shared>> -> memref<1280xi32, #tpu.memory_space<vmem_shared>>
      %dma_wait3A_101 = arith.constant 0 : i32
      %dma_wait3A_102 = tpu.memref_slice %arg8[%run_scoped3A_75, %dma_wait3A_101] : memref<16x1280xi32, #tpu.memory_space<vmem>> -> memref<1x1280xi32, #tpu.memory_space<vmem>>
      %dma_wait3A_103 = tpu.memref_squeeze %dma_wait3A_102 : memref<1x1280xi32, #tpu.memory_space<vmem>> -> memref<1280xi32, #tpu.memory_space<vmem>>
      %dma_wait3A_104 = tpu.memref_slice %arg10[%run_scoped3A_74, %mul3A_73] : memref<16x20480xi32, #tpu.memory_space<vmem_shared>> -> memref<1x1280xi32, #tpu.memory_space<vmem_shared>>
      %dma_wait3A_105 = tpu.memref_squeeze %dma_wait3A_104 : memref<1x1280xi32, #tpu.memory_space<vmem_shared>> -> memref<1280xi32, #tpu.memory_space<vmem_shared>>
      tpu.wait_dma2 semaphore(%run_scoped3A_87 : memref<!tpu.dma_semaphore, #tpu.memory_space<semaphore_mem>>) src(%dma_wait3A_105 : memref<1280xi32, #tpu.memory_space<vmem_shared>>) dst(%dma_wait3A_103 : memref<1280xi32, #tpu.memory_space<vmem>>)
      tpu.yield
    }) : () -> ()
    %mul3A_76 = arith.constant 1280 : i32
    %mul3A_77 = arith.muli %arg1, %mul3A_76 : i32
    %run_scoped3A_78 = arith.constant 15 : i32
    %run_scoped3A_79 = arith.constant 15 : i32
    "tpu.region"() ({
      %run_scoped3A_87 = tpu.sem_alloc : memref<!tpu.dma_semaphore, #tpu.memory_space<semaphore_mem>>
      %dma_start3A = arith.constant 0 : i32
      %dma_start3A_88 = tpu.memref_slice %arg8[%run_scoped3A_79, %dma_start3A] : memref<16x1280xi32, #tpu.memory_space<vmem>> -> memref<1x1280xi32, #tpu.memory_space<vmem>>
      %dma_start3A_89 = tpu.memref_squeeze %dma_start3A_88 : memref<1x1280xi32, #tpu.memory_space<vmem>> -> memref<1280xi32, #tpu.memory_space<vmem>>
      %dma_start3A_90 = tpu.memref_slice %arg10[%run_scoped3A_78, %mul3A_77] : memref<16x20480xi32, #tpu.memory_space<vmem_shared>> -> memref<1x1280xi32, #tpu.memory_space<vmem_shared>>
      %dma_start3A_91 = tpu.memref_squeeze %dma_start3A_90 : memref<1x1280xi32, #tpu.memory_space<vmem_shared>> -> memref<1280xi32, #tpu.memory_space<vmem_shared>>
      %dma_start3A_92 = arith.constant 0 : i32
      %dma_start3A_93 = tpu.memref_slice %arg8[%run_scoped3A_79, %dma_start3A_92] : memref<16x1280xi32, #tpu.memory_space<vmem>> -> memref<1x1280xi32, #tpu.memory_space<vmem>>
      %dma_start3A_94 = tpu.memref_squeeze %dma_start3A_93 : memref<1x1280xi32, #tpu.memory_space<vmem>> -> memref<1280xi32, #tpu.memory_space<vmem>>
      %dma_start3A_95 = tpu.memref_slice %arg10[%run_scoped3A_78, %mul3A_77] : memref<16x20480xi32, #tpu.memory_space<vmem_shared>> -> memref<1x1280xi32, #tpu.memory_space<vmem_shared>>
      %dma_start3A_96 = tpu.memref_squeeze %dma_start3A_95 : memref<1x1280xi32, #tpu.memory_space<vmem_shared>> -> memref<1280xi32, #tpu.memory_space<vmem_shared>>
      tpu.enqueue_dma source(%dma_start3A_96 : memref<1280xi32, #tpu.memory_space<vmem_shared>>) target(%dma_start3A_94 : memref<1280xi32, #tpu.memory_space<vmem>>) target_semaphore(%run_scoped3A_87 : memref<!tpu.dma_semaphore, #tpu.memory_space<semaphore_mem>>)
      %dma_wait3A = arith.constant 0 : i32
      %dma_wait3A_97 = tpu.memref_slice %arg8[%run_scoped3A_79, %dma_wait3A] : memref<16x1280xi32, #tpu.memory_space<vmem>> -> memref<1x1280xi32, #tpu.memory_space<vmem>>
      %dma_wait3A_98 = tpu.memref_squeeze %dma_wait3A_97 : memref<1x1280xi32, #tpu.memory_space<vmem>> -> memref<1280xi32, #tpu.memory_space<vmem>>
      %dma_wait3A_99 = tpu.memref_slice %arg10[%run_scoped3A_78, %mul3A_77] : memref<16x20480xi32, #tpu.memory_space<vmem_shared>> -> memref<1x1280xi32, #tpu.memory_space<vmem_shared>>
      %dma_wait3A_100 = tpu.memref_squeeze %dma_wait3A_99 : memref<1x1280xi32, #tpu.memory_space<vmem_shared>> -> memref<1280xi32, #tpu.memory_space<vmem_shared>>
      %dma_wait3A_101 = arith.constant 0 : i32
      %dma_wait3A_102 = tpu.memref_slice %arg8[%run_scoped3A_79, %dma_wait3A_101] : memref<16x1280xi32, #tpu.memory_space<vmem>> -> memref<1x1280xi32, #tpu.memory_space<vmem>>
      %dma_wait3A_103 = tpu.memref_squeeze %dma_wait3A_102 : memref<1x1280xi32, #tpu.memory_space<vmem>> -> memref<1280xi32, #tpu.memory_space<vmem>>
      %dma_wait3A_104 = tpu.memref_slice %arg10[%run_scoped3A_78, %mul3A_77] : memref<16x20480xi32, #tpu.memory_space<vmem_shared>> -> memref<1x1280xi32, #tpu.memory_space<vmem_shared>>
      %dma_wait3A_105 = tpu.memref_squeeze %dma_wait3A_104 : memref<1x1280xi32, #tpu.memory_space<vmem_shared>> -> memref<1280xi32, #tpu.memory_space<vmem_shared>>
      tpu.wait_dma2 semaphore(%run_scoped3A_87 : memref<!tpu.dma_semaphore, #tpu.memory_space<semaphore_mem>>) src(%dma_wait3A_105 : memref<1280xi32, #tpu.memory_space<vmem_shared>>) dst(%dma_wait3A_103 : memref<1280xi32, #tpu.memory_space<vmem>>)
      tpu.yield
    }) : () -> ()
    %scan3A_80 = arith.constant 0 : i32
    %scan3A_81 = arith.constant 80 : i32
    %scan3A_82 = arith.addi %scan3A_80, %scan3A_81 : i32
    %scan3A_83 = arith.constant 1 : i32
    scf.for %scan3A_87 = %scan3A_80 to %scan3A_82 step %scan3A_83  : i32 {
      %mul3A_88 = arith.constant 16 : i32
      %mul3A_89 = arith.muli %scan3A_87, %mul3A_88 : i32
      %add3A_90 = arith.constant 0 : i32
      %add3A_91 = arith.addi %add3A_90, %mul3A_89 : i32
      %get3A = arith.constant 0 : i32
      %get3A_92 = arith.index_cast %get3A : i32 to index
      %get3A_93 = arith.index_cast %add3A_91 : i32 to index
      %get3A_94 = tpu.vector_load %arg8[%get3A_92, %get3A_93] {strides = array<i32>} : memref<16x1280xi32, #tpu.memory_space<vmem>>, vector<16xi32>,
      %get3A_95 = arith.constant 1 : i32
      %get3A_96 = arith.index_cast %get3A_95 : i32 to index
      %get3A_97 = arith.index_cast %add3A_91 : i32 to index
      %get3A_98 = tpu.vector_load %arg8[%get3A_96, %get3A_97] {strides = array<i32>} : memref<16x1280xi32, #tpu.memory_space<vmem>>, vector<16xi32>,
      %add3A_99 = arith.addi %get3A_94, %get3A_98 : vector<16xi32>
      %get3A_100 = arith.constant 2 : i32
      %get3A_101 = arith.index_cast %get3A_100 : i32 to index
      %get3A_102 = arith.index_cast %add3A_91 : i32 to index
      %get3A_103 = tpu.vector_load %arg8[%get3A_101, %get3A_102] {strides = array<i32>} : memref<16x1280xi32, #tpu.memory_space<vmem>>, vector<16xi32>,
      %add3A_104 = arith.addi %add3A_99, %get3A_103 : vector<16xi32>
      %get3A_105 = arith.constant 3 : i32
      %get3A_106 = arith.index_cast %get3A_105 : i32 to index
      %get3A_107 = arith.index_cast %add3A_91 : i32 to index
      %get3A_108 = tpu.vector_load %arg8[%get3A_106, %get3A_107] {strides = array<i32>} : memref<16x1280xi32, #tpu.memory_space<vmem>>, vector<16xi32>,
      %add3A_109 = arith.addi %add3A_104, %get3A_108 : vector<16xi32>
      %get3A_110 = arith.constant 4 : i32
      %get3A_111 = arith.index_cast %get3A_110 : i32 to index
      %get3A_112 = arith.index_cast %add3A_91 : i32 to index
      %get3A_113 = tpu.vector_load %arg8[%get3A_111, %get3A_112] {strides = array<i32>} : memref<16x1280xi32, #tpu.memory_space<vmem>>, vector<16xi32>,
      %add3A_114 = arith.addi %add3A_109, %get3A_113 : vector<16xi32>
      %get3A_115 = arith.constant 5 : i32
      %get3A_116 = arith.index_cast %get3A_115 : i32 to index
      %get3A_117 = arith.index_cast %add3A_91 : i32 to index
      %get3A_118 = tpu.vector_load %arg8[%get3A_116, %get3A_117] {strides = array<i32>} : memref<16x1280xi32, #tpu.memory_space<vmem>>, vector<16xi32>,
      %add3A_119 = arith.addi %add3A_114, %get3A_118 : vector<16xi32>
      %get3A_120 = arith.constant 6 : i32
      %get3A_121 = arith.index_cast %get3A_120 : i32 to index
      %get3A_122 = arith.index_cast %add3A_91 : i32 to index
      %get3A_123 = tpu.vector_load %arg8[%get3A_121, %get3A_122] {strides = array<i32>} : memref<16x1280xi32, #tpu.memory_space<vmem>>, vector<16xi32>,
      %add3A_124 = arith.addi %add3A_119, %get3A_123 : vector<16xi32>
      %get3A_125 = arith.constant 7 : i32
      %get3A_126 = arith.index_cast %get3A_125 : i32 to index
      %get3A_127 = arith.index_cast %add3A_91 : i32 to index
      %get3A_128 = tpu.vector_load %arg8[%get3A_126, %get3A_127] {strides = array<i32>} : memref<16x1280xi32, #tpu.memory_space<vmem>>, vector<16xi32>,
      %add3A_129 = arith.addi %add3A_124, %get3A_128 : vector<16xi32>
      %get3A_130 = arith.constant 8 : i32
      %get3A_131 = arith.index_cast %get3A_130 : i32 to index
      %get3A_132 = arith.index_cast %add3A_91 : i32 to index
      %get3A_133 = tpu.vector_load %arg8[%get3A_131, %get3A_132] {strides = array<i32>} : memref<16x1280xi32, #tpu.memory_space<vmem>>, vector<16xi32>,
      %add3A_134 = arith.addi %add3A_129, %get3A_133 : vector<16xi32>
      %get3A_135 = arith.constant 9 : i32
      %get3A_136 = arith.index_cast %get3A_135 : i32 to index
      %get3A_137 = arith.index_cast %add3A_91 : i32 to index
      %get3A_138 = tpu.vector_load %arg8[%get3A_136, %get3A_137] {strides = array<i32>} : memref<16x1280xi32, #tpu.memory_space<vmem>>, vector<16xi32>,
      %add3A_139 = arith.addi %add3A_134, %get3A_138 : vector<16xi32>
      %get3A_140 = arith.constant 10 : i32
      %get3A_141 = arith.index_cast %get3A_140 : i32 to index
      %get3A_142 = arith.index_cast %add3A_91 : i32 to index
      %get3A_143 = tpu.vector_load %arg8[%get3A_141, %get3A_142] {strides = array<i32>} : memref<16x1280xi32, #tpu.memory_space<vmem>>, vector<16xi32>,
      %add3A_144 = arith.addi %add3A_139, %get3A_143 : vector<16xi32>
      %get3A_145 = arith.constant 11 : i32
      %get3A_146 = arith.index_cast %get3A_145 : i32 to index
      %get3A_147 = arith.index_cast %add3A_91 : i32 to index
      %get3A_148 = tpu.vector_load %arg8[%get3A_146, %get3A_147] {strides = array<i32>} : memref<16x1280xi32, #tpu.memory_space<vmem>>, vector<16xi32>,
      %add3A_149 = arith.addi %add3A_144, %get3A_148 : vector<16xi32>
      %get3A_150 = arith.constant 12 : i32
      %get3A_151 = arith.index_cast %get3A_150 : i32 to index
      %get3A_152 = arith.index_cast %add3A_91 : i32 to index
      %get3A_153 = tpu.vector_load %arg8[%get3A_151, %get3A_152] {strides = array<i32>} : memref<16x1280xi32, #tpu.memory_space<vmem>>, vector<16xi32>,
      %add3A_154 = arith.addi %add3A_149, %get3A_153 : vector<16xi32>
      %get3A_155 = arith.constant 13 : i32
      %get3A_156 = arith.index_cast %get3A_155 : i32 to index
      %get3A_157 = arith.index_cast %add3A_91 : i32 to index
      %get3A_158 = tpu.vector_load %arg8[%get3A_156, %get3A_157] {strides = array<i32>} : memref<16x1280xi32, #tpu.memory_space<vmem>>, vector<16xi32>,
      %add3A_159 = arith.addi %add3A_154, %get3A_158 : vector<16xi32>
      %get3A_160 = arith.constant 14 : i32
      %get3A_161 = arith.index_cast %get3A_160 : i32 to index
      %get3A_162 = arith.index_cast %add3A_91 : i32 to index
      %get3A_163 = tpu.vector_load %arg8[%get3A_161, %get3A_162] {strides = array<i32>} : memref<16x1280xi32, #tpu.memory_space<vmem>>, vector<16xi32>,
      %add3A_164 = arith.addi %add3A_159, %get3A_163 : vector<16xi32>
      %get3A_165 = arith.constant 15 : i32
      %get3A_166 = arith.index_cast %get3A_165 : i32 to index
      %get3A_167 = arith.index_cast %add3A_91 : i32 to index
      %get3A_168 = tpu.vector_load %arg8[%get3A_166, %get3A_167] {strides = array<i32>} : memref<16x1280xi32, #tpu.memory_space<vmem>>, vector<16xi32>,
      %add3A_169 = arith.addi %add3A_164, %get3A_168 : vector<16xi32>
      %swap3A = arith.index_cast %add3A_91 : i32 to index
      %swap3A_170 = tpu.vector_load %arg9[%swap3A] {strides = array<i32>} : memref<1280xi32, #tpu.memory_space<vmem>>, vector<16xi32>,
      tpu.vector_store %arg9[%swap3A], %add3A_169 {strides = array<i32>} : memref<1280xi32, #tpu.memory_space<vmem>>, vector<16xi32>,
    }
    %scan3A_84 = arith.constant 80 : i32
    %mul3A_85 = arith.constant 1280 : i32
    %mul3A_86 = arith.muli %arg1, %mul3A_85 : i32
    "tpu.region"() ({
      %run_scoped3A_87 = tpu.sem_alloc : memref<!tpu.dma_semaphore, #tpu.memory_space<semaphore_mem>>
      %dma_start3A = tpu.memref_slice %arg4[%arg0, %mul3A_86] : memref<2x20480xi32, #tpu.memory_space<hbm>> -> memref<1x1280xi32, #tpu.memory_space<hbm>>
      %dma_start3A_88 = tpu.memref_squeeze %dma_start3A : memref<1x1280xi32, #tpu.memory_space<hbm>> -> memref<1280xi32, #tpu.memory_space<hbm>>
      %dma_start3A_89 = tpu.memref_slice %arg4[%arg0, %mul3A_86] : memref<2x20480xi32, #tpu.memory_space<hbm>> -> memref<1x1280xi32, #tpu.memory_space<hbm>>
      %dma_start3A_90 = tpu.memref_squeeze %dma_start3A_89 : memref<1x1280xi32, #tpu.memory_space<hbm>> -> memref<1280xi32, #tpu.memory_space<hbm>>
      tpu.enqueue_dma source(%arg9 : memref<1280xi32, #tpu.memory_space<vmem>>) target(%dma_start3A_90 : memref<1280xi32, #tpu.memory_space<hbm>>) target_semaphore(%run_scoped3A_87 : memref<!tpu.dma_semaphore, #tpu.memory_space<semaphore_mem>>)
      %dma_wait3A = tpu.memref_slice %arg4[%arg0, %mul3A_86] : memref<2x20480xi32, #tpu.memory_space<hbm>> -> memref<1x1280xi32, #tpu.memory_space<hbm>>
      %dma_wait3A_91 = tpu.memref_squeeze %dma_wait3A : memref<1x1280xi32, #tpu.memory_space<hbm>> -> memref<1280xi32, #tpu.memory_space<hbm>>
      %dma_wait3A_92 = tpu.memref_slice %arg4[%arg0, %mul3A_86] : memref<2x20480xi32, #tpu.memory_space<hbm>> -> memref<1x1280xi32, #tpu.memory_space<hbm>>
      %dma_wait3A_93 = tpu.memref_squeeze %dma_wait3A_92 : memref<1x1280xi32, #tpu.memory_space<hbm>> -> memref<1280xi32, #tpu.memory_space<hbm>>
      tpu.wait_dma2 semaphore(%run_scoped3A_87 : memref<!tpu.dma_semaphore, #tpu.memory_space<semaphore_mem>>) src(%arg9 : memref<1280xi32, #tpu.memory_space<vmem>>) dst(%dma_wait3A_93 : memref<1280xi32, #tpu.memory_space<hbm>>)
      tpu.yield
    }) : () -> ()
    return
  }
}

module attributes {stable_mosaic.version = 14 : i64} {
  func.func @_hp_body(%arg0: i32, %arg1: memref<1024x128xf32, #tpu.memory_space<vmem>>, %arg2: memref<128x128xf32, #tpu.memory_space<vmem>>, %arg3: memref<2x1024xi32, #tpu.memory_space<vmem>>, %arg4: memref<1024x128xf32, #tpu.memory_space<vmem>>) attributes {dimension_semantics = [#tpu.dimension_semantics<arbitrary>], iteration_bounds = array<i64: 10>, scalar_prefetch = 0 : i64, scratch_operands = 0 : i64, tpu.core_type = #tpu.core_type<tc>, window_params = [{transform_indices = @transform_0, window_bounds = array<i64: 1024, 128>}, {pipeline_mode = #tpu.pipeline_mode<synchronous>, transform_indices = @transform_1, window_bounds = array<i64: 128, 128>}, {transform_indices = @transform_2, window_bounds = array<i64: 2, 1024>}, {transform_indices = @transform_3, window_bounds = array<i64: 1024, 128>}]} {
    %get3A = arith.constant 0 : index
    %get3A_0 = arith.constant 0 : index
    %get3A_1 = vector.load %arg3[%get3A, %get3A_0] : memref<2x1024xi32, #tpu.memory_space<vmem>>, vector<1x1024xi32>
    %get3A_2 = vector.shape_cast %get3A_1 : vector<1x1024xi32> to vector<1024xi32>
    %get3A_3 = arith.constant 1 : index
    %get3A_4 = arith.constant 0 : index
    %get3A_5 = vector.load %arg3[%get3A_3, %get3A_4] : memref<2x1024xi32, #tpu.memory_space<vmem>>, vector<1x1024xi32>
    %get3A_6 = vector.shape_cast %get3A_5 : vector<1x1024xi32> to vector<1024xi32>
    %add3A = arith.addi %get3A_2, %get3A_6 : vector<1024xi32>
    %convert_element_type3A = arith.sitofp %add3A : vector<1024xi32> to vector<1024xf32>
    %max3A = arith.constant 1.000000e+00 : f32
    %max3A_7 = vector.broadcast %max3A : f32 to vector<1024xf32>
    %max3A_8 = arith.maximumf %convert_element_type3A, %max3A_7 : vector<1024xf32>
    %rsqrt3A = math.rsqrt %max3A_8 : vector<1024xf32>
    %get3A_9 = arith.constant 0 : index
    %get3A_10 = arith.constant 0 : index
    %get3A_11 = vector.load %arg1[%get3A_9, %get3A_10] : memref<1024x128xf32, #tpu.memory_space<vmem>>, vector<1024x128xf32>
    %get3A_12 = arith.constant 0 : index
    %get3A_13 = arith.constant 0 : index
    %get3A_14 = vector.load %arg2[%get3A_12, %get3A_13] : memref<128x128xf32, #tpu.memory_space<vmem>>, vector<128x128xf32>
    %dot_general3A = arith.constant dense<0.000000e+00> : vector<1024x128xf32>
    %dot_general3A_15 = tpu.matmul %get3A_11, %get3A_14, %dot_general3A {dimension_numbers = #tpu.dot_dimension_numbers<[1], [0], [0], [1], [0, 0, 1, 1], [], []>, transpose_lhs_hint = false} : vector<1024x128xf32>, vector<128x128xf32>, vector<1024x128xf32> -> vector<1024x128xf32>
    %broadcast_in_dim3A = vector.shape_cast %rsqrt3A : vector<1024xf32> to vector<1024x1xf32>
    %mul3A = vector.broadcast %broadcast_in_dim3A : vector<1024x1xf32> to vector<1024x128xf32>
    %mul3A_16 = arith.mulf %dot_general3A_15, %mul3A : vector<1024x128xf32>
    %swap3A = arith.constant 0 : index
    %swap3A_17 = arith.constant 0 : index
    %swap3A_18 = vector.load %arg4[%swap3A, %swap3A_17] : memref<1024x128xf32, #tpu.memory_space<vmem>>, vector<1024x128xf32>
    tpu.vector_store %arg4[%swap3A, %swap3A_17], %mul3A_16 {strides = array<i32>} : memref<1024x128xf32, #tpu.memory_space<vmem>>, vector<1024x128xf32>,
    return
  }
  func.func @transform_0(%arg0: i32) -> (i32, i32) {
    %c0_i32 = arith.constant 0 : i32
    %c0_i32_0 = arith.constant 0 : i32
    return %arg0, %c0_i32 : i32, i32
  }
  func.func @transform_1(%arg0: i32) -> (i32, i32) {
    %c0_i32 = arith.constant 0 : i32
    %c0_i32_0 = arith.constant 0 : i32
    %c0_i32_1 = arith.constant 0 : i32
    return %c0_i32, %c0_i32_0 : i32, i32
  }
  func.func @transform_2(%arg0: i32) -> (i32, i32) {
    %c0_i32 = arith.constant 0 : i32
    %c0_i32_0 = arith.constant 0 : i32
    return %c0_i32, %arg0 : i32, i32
  }
  func.func @transform_3(%arg0: i32) -> (i32, i32) {
    %c0_i32 = arith.constant 0 : i32
    %c0_i32_0 = arith.constant 0 : i32
    return %arg0, %c0_i32 : i32, i32
  }
}

module attributes {stable_mosaic.version = 14 : i64} {
  func.func @_out_body(%arg0: i32, %arg1: memref<2x1024x128xf32, #tpu.memory_space<vmem>>, %arg2: memref<2x10240xi32, #tpu.memory_space<vmem>>, %arg3: memref<1024x128xf32, #tpu.memory_space<vmem>>, %arg4: memref<1x128xf32, #tpu.memory_space<vmem>>, %arg5: memref<1024x128xf32, #tpu.memory_space<vmem>>) attributes {dimension_semantics = [#tpu.dimension_semantics<arbitrary>], iteration_bounds = array<i64: 10>, scalar_prefetch = 0 : i64, scratch_operands = 0 : i64, tpu.core_type = #tpu.core_type<tc>, window_params = [{transform_indices = @transform_0, window_bounds = array<i64: 2, 1024, 128>}, {pipeline_mode = #tpu.pipeline_mode<synchronous>, transform_indices = @transform_1, window_bounds = array<i64: 2, 10240>}, {transform_indices = @transform_2, window_bounds = array<i64: 1024, 128>}, {pipeline_mode = #tpu.pipeline_mode<synchronous>, transform_indices = @transform_3, window_bounds = array<i64: 1, 128>}, {transform_indices = @transform_4, window_bounds = array<i64: 1024, 128>}]} {
    %mul3A = arith.constant 1024 : i32
    %mul3A_0 = arith.muli %arg0, %mul3A : i32
    %get3A = arith.constant 0 : index
    %get3A_1 = arith.index_cast %mul3A_0 : i32 to index
    %get3A_2 = vector.load %arg2[%get3A, %get3A_1] : memref<2x10240xi32, #tpu.memory_space<vmem>>, vector<2x1024xi32>
    %slice3A = vector.extract_strided_slice %get3A_2 {offsets = [0, 0], sizes = [1, 1024], strides = [1, 1]} : vector<2x1024xi32> to vector<1x1024xi32>
    %squeeze3A = vector.shape_cast %slice3A : vector<1x1024xi32> to vector<1024xi32>
    %slice3A_3 = vector.extract_strided_slice %get3A_2 {offsets = [1, 0], sizes = [1, 1024], strides = [1, 1]} : vector<2x1024xi32> to vector<1x1024xi32>
    %squeeze3A_4 = vector.shape_cast %slice3A_3 : vector<1x1024xi32> to vector<1024xi32>
    %add3A = arith.addi %squeeze3A, %squeeze3A_4 : vector<1024xi32>
    %convert_element_type3A = arith.sitofp %add3A : vector<1024xi32> to vector<1024xf32>
    %max3A = arith.constant 1.000000e+00 : f32
    %max3A_5 = vector.broadcast %max3A : f32 to vector<1024xf32>
    %max3A_6 = arith.maximumf %convert_element_type3A, %max3A_5 : vector<1024xf32>
    %rsqrt3A = math.rsqrt %max3A_6 : vector<1024xf32>
    %get3A_7 = arith.constant 0 : index
    %get3A_8 = arith.constant 0 : index
    %get3A_9 = arith.constant 0 : index
    %get3A_10 = vector.load %arg1[%get3A_7, %get3A_8, %get3A_9] : memref<2x1024x128xf32, #tpu.memory_space<vmem>>, vector<1x1024x128xf32>
    %get3A_11 = vector.shape_cast %get3A_10 : vector<1x1024x128xf32> to vector<1024x128xf32>
    %get3A_12 = arith.constant 1 : index
    %get3A_13 = arith.constant 0 : index
    %get3A_14 = arith.constant 0 : index
    %get3A_15 = vector.load %arg1[%get3A_12, %get3A_13, %get3A_14] : memref<2x1024x128xf32, #tpu.memory_space<vmem>>, vector<1x1024x128xf32>
    %get3A_16 = vector.shape_cast %get3A_15 : vector<1x1024x128xf32> to vector<1024x128xf32>
    %add3A_17 = arith.addf %get3A_11, %get3A_16 : vector<1024x128xf32>
    %broadcast_in_dim3A = vector.shape_cast %rsqrt3A : vector<1024xf32> to vector<1024x1xf32>
    %mul3A_18 = vector.broadcast %broadcast_in_dim3A : vector<1024x1xf32> to vector<1024x128xf32>
    %mul3A_19 = arith.mulf %add3A_17, %mul3A_18 : vector<1024x128xf32>
    %get3A_20 = arith.constant 0 : index
    %get3A_21 = arith.constant 0 : index
    %get3A_22 = vector.load %arg3[%get3A_20, %get3A_21] : memref<1024x128xf32, #tpu.memory_space<vmem>>, vector<1024x128xf32>
    %add3A_23 = arith.addf %mul3A_19, %get3A_22 : vector<1024x128xf32>
    %get3A_24 = arith.constant 0 : index
    %get3A_25 = arith.constant 0 : index
    %get3A_26 = vector.load %arg4[%get3A_24, %get3A_25] : memref<1x128xf32, #tpu.memory_space<vmem>>, vector<1x128xf32>
    %add3A_27 = vector.broadcast %get3A_26 : vector<1x128xf32> to vector<1024x128xf32>
    %add3A_28 = arith.addf %add3A_23, %add3A_27 : vector<1024x128xf32>
    %swap3A = arith.constant 0 : index
    %swap3A_29 = arith.constant 0 : index
    %swap3A_30 = vector.load %arg5[%swap3A, %swap3A_29] : memref<1024x128xf32, #tpu.memory_space<vmem>>, vector<1024x128xf32>
    tpu.vector_store %arg5[%swap3A, %swap3A_29], %add3A_28 {strides = array<i32>} : memref<1024x128xf32, #tpu.memory_space<vmem>>, vector<1024x128xf32>,
    return
  }
  func.func @transform_0(%arg0: i32) -> (i32, i32, i32) {
    %c0_i32 = arith.constant 0 : i32
    %c0_i32_0 = arith.constant 0 : i32
    %c0_i32_1 = arith.constant 0 : i32
    return %c0_i32, %arg0, %c0_i32_0 : i32, i32, i32
  }
  func.func @transform_1(%arg0: i32) -> (i32, i32) {
    %c0_i32 = arith.constant 0 : i32
    %c0_i32_0 = arith.constant 0 : i32
    %c0_i32_1 = arith.constant 0 : i32
    return %c0_i32, %c0_i32_0 : i32, i32
  }
  func.func @transform_2(%arg0: i32) -> (i32, i32) {
    %c0_i32 = arith.constant 0 : i32
    %c0_i32_0 = arith.constant 0 : i32
    return %arg0, %c0_i32 : i32, i32
  }
  func.func @transform_3(%arg0: i32) -> (i32, i32) {
    %c0_i32 = arith.constant 0 : i32
    %c0_i32_0 = arith.constant 0 : i32
    %c0_i32_1 = arith.constant 0 : i32
    return %c0_i32, %c0_i32_0 : i32, i32
  }
  func.func @transform_4(%arg0: i32) -> (i32, i32) {
    %c0_i32 = arith.constant 0 : i32
    %c0_i32_0 = arith.constant 0 : i32
    return %arg0, %c0_i32 : i32, i32
  }
}

</mosaic_0001>

<sc_bundles>
// kernel: kernel.6.cloned.1.call-start
scs
__scs_entry_jumppad:
0x0: {  	(pc) =	sbr.rel $0x88, $3  }
0x1: {  	(tag) =	ssettag $0x0;
	lr =	simm.s32 $0x1  }
0x2: {  	[smem:$0x3F9D] =	sst lr;
	_ =	strace $0xD0000000  }
0x3: {  	_ = 	snop  }
0x4: {  	_ = 	snop  }
0x5: {  	_ = 	snop  }
0x6: {  	_ = 	snop  }
0x7: {  	_ = 	snop  }
__scs_overlays_trampoline_lowered:
0x8: {  	[smem:$0x3FAC] =	sst s0  }
0x9: {  	[smem:$0x3FAD] =	sst s1  }
0xa: {  	[smem:$0x3FAE] =	sst s2  }
0xb: {  	[smem:$0x3FAF] =	sst s3  }
0xc: {  	[smem:$0x3FB0] =	sst s4  }
0xd: {  	[smem:$0x3FB1] =	sst s5  }
0xe: {  	[smem:$0x3FB2] =	sst s6  }
0xf: {  	[smem:$0x3FB3] =	sst s7  }
0x10: {  	[smem:$0x3FB4] =	sst s8  }
0x11: {  	[smem:$0x3FB5] =	sst s9;
	s0 =	simm.s32 @!p0 $0x0  }
0x12: {  	s1 =	sld [smem:$0x3F9B];
	s0 =	simm.s32 @p0 $0x1  }
0x13: {  	[smem:$0x3FB6] =	sst s0;
	s0 =	simm.s32 @!p1 $0x0  }
0x14: {  	s2 =	sld [smem:$0x3F9A];
	s0 =	simm.s32 @p1 $0x1  }
0x15: {  	[smem:$0x3FB7] =	sst s0;
	s0 =	simm.s32 @!p2 $0x0  }
0x16: {  	s3 =	sld [smem:$0x3FDB];
	s0 =	simm.s32 @p2 $0x1  }
0x17: {  	s4 =	simm.s32 $0x1BF5;
	[smem:$0x3FB9] =	sst s0  }
0x18: {  	s0 =	sld [smem:$0x3F9C];
	_ =	swait.ge [sflag:s4], $0x0  }
0x19: {  	s7 =	sld [smem:$0x3F9D]  }
0x1a: {  	s8 =	sadd.s32 $0xFFFFE003, lr  }
0x1b: {  	s9 =	sadd.s32 $0xFFFFFEF7, lr;
	s5 =	simm.s32 $0xFFFFFFFF;
	p2 =	slt.u32 s8, $0xFFFFF086  }
0x1c: {  	p1 =	slt.u32 s9, $0xF7A;
	s5 =	simm.s32 @!p2 $0x0  }
0x1d: {  	s5 =	simm.s32 @p1 $0x1;
	p0 =	seq.s32 s7, s2  }
0x1e: {  	s7 =	smul.u32 @!p0 $0xF7A, s2;
	p2 =	seq.s32 @!p0 s5, $0x0  }
0x1f: {  	s9 =	smul.u32 $0xF7A, s1;
	s8 =	simm.s32 @!p0 $0x1BF5;
	p2 =	por !p2, p0  }
0x20: {  	[sflag:s8] =	ssyncset.s32 @!p0 $0xFFFFF086;
	s6 =	sadd.s32 @!p0 s3, s7;
	s7 =	simm.s32 @!p0 $0x108  }
0x21: {  	s3 =	sadd.s32 s3, s9;
	s6 =	sadd.s32 @!p0 $0x88, s6;
	s7 =	simm.s32 @p2 $0x1082  }
0x22: {  	[simem:s7], [sflag:s8] =	dma.local @!p0 [hbm:s6], $0xF7A  }
0x23: {  	s9 =	sor.u32 $0xD0000000, s2;
	s6 =	simm.s32 $0x108;
	_ =	swait.ge @!p0 [sflag:s8], $0x0  }
0x24: {  	s3 =	sadd.s32 $0x88, s3;
	s6 =	simm.s32 @!p1 $0x1082;
	[sflag:s4] =	ssyncset.s32 $0xFFFFF086  }
0x25: {  	[simem:s6], [sflag:s4] =	dma.local [hbm:s3], $0xF7A  }
0x26: {  	[smem:$0x3F9D] =	sst s1;
	(tag) =	ssettag s2;
	_ =	strace s9  }
0x27: {  	s1 =	sld [smem:$0x3FAD]  }
0x28: {  	s2 =	sld [smem:$0x3FAE]  }
0x29: {  	s4 =	sld [smem:$0x3FB0]  }
0x2a: {  	p0 =	seq.s32 s5, $0x0;
	s5 =	sld [smem:$0x3FB1]  }
0x2b: {  	s6 =	sld [smem:$0x3FB2]  }
0x2c: {  	s7 =	sld [smem:$0x3FB3]  }
0x2d: {  	s3 =	simm.s32 $0x108;
	s8 =	sld [smem:$0x3FB4]  }
0x2e: {  	s3 =	simm.s32 @!p0 $0x1082;
	s9 =	sld [smem:$0x3FB5]  }
0x2f: {  	lr =	sadd.s32 s0, s3;
	s0 =	sld [smem:$0x3FAC]  }
0x30: {  	s3 =	sld [smem:$0x3FAF]  }
0x31: {  	[smem:$0x3FB8] =	sst s10  }
0x32: {  	s10 =	sld [smem:$0x3FB6];
	_ =	sdelay $0x3  }
0x33: {  	p0 =	seq.s32 s10, $0x1;
	s10 =	sld [smem:$0x3FB8];
	_ =	sdelay $0x3  }
0x34: {  	[smem:$0x3FB8] =	sst s10  }
0x35: {  	s10 =	sld [smem:$0x3FB7];
	_ =	sdelay $0x3  }
0x36: {  	p1 =	seq.s32 s10, $0x1;
	s10 =	sld [smem:$0x3FB8];
	_ =	sdelay $0x3  }
0x37: {  	[smem:$0x3FB8] =	sst s10  }
0x38: {  	s10 =	sld [smem:$0x3FB9]  }
0x39: {  	_ = 	snop;
	(pc) =	sbr.ind lr, $3  }
0x3a: {  	_ = 	snop  }
0x3b: {  	_ = 	snop  }
0x3c: {  	p2 =	seq.s32 s10, $0x1;
	s10 =	sld [smem:$0x3FB8]  }
0x3d: {  	_ =	shalt  }
0x3e: {  	_ =	shalt  }
0x3f: {  	_ =	shalt  }
0x40: {  	_ =	shalt  }
0x41: {  	_ =	shalt  }
0x42: {  	_ =	shalt  }
0x43: {  	_ =	shalt  }
0x44: {  	_ =	shalt  }
0x45: {  	_ =	shalt  }
0x46: {  	_ =	shalt  }
0x47: {  	_ =	shalt  }
0x48: {  	_ =	shalt  }
0x49: {  	_ =	shalt  }
0x4a: {  	_ =	shalt  }
0x4b: {  	_ =	shalt  }
0x4c: {  	_ =	shalt  }
0x4d: {  	_ =	shalt  }
0x4e: {  	_ =	shalt  }
0x4f: {  	_ =	shalt  }
0x50: {  	_ =	shalt  }
0x51: {  	_ =	shalt  }
0x52: {  	_ =	shalt  }
0x53: {  	_ =	shalt  }
0x54: {  	_ =	shalt  }
0x55: {  	_ =	shalt  }
0x56: {  	_ =	shalt  }
0x57: {  	_ =	shalt  }
0x58: {  	_ =	shalt  }
0x59: {  	_ =	shalt  }
0x5a: {  	_ =	shalt  }
0x5b: {  	_ =	shalt  }
0x5c: {  	_ =	shalt  }
0x5d: {  	_ =	shalt  }
0x5e: {  	_ =	shalt  }
0x5f: {  	_ =	shalt  }
0x60: {  	_ =	shalt  }
0x61: {  	_ =	shalt  }
0x62: {  	_ =	shalt  }
0x63: {  	_ =	shalt  }
0x64: {  	_ =	shalt  }
0x65: {  	_ =	shalt  }
0x66: {  	_ =	shalt  }
0x67: {  	_ =	shalt  }
0x68: {  	_ =	shalt  }
0x69: {  	_ =	shalt  }
0x6a: {  	_ =	shalt  }
0x6b: {  	_ =	shalt  }
0x6c: {  	_ =	shalt  }
0x6d: {  	_ =	shalt  }
0x6e: {  	_ =	shalt  }
0x6f: {  	_ =	shalt  }
0x70: {  	_ =	shalt  }
0x71: {  	_ =	shalt  }
0x72: {  	_ =	shalt  }
0x73: {  	_ =	shalt  }
0x74: {  	_ =	shalt  }
0x75: {  	_ =	shalt  }
0x76: {  	_ =	shalt  }
0x77: {  	_ =	shalt  }
0x78: {  	_ =	shalt  }
0x79: {  	_ =	shalt  }
0x7a: {  	_ =	shalt  }
0x7b: {  	_ =	shalt  }
0x7c: {  	_ =	shalt  }
0x7d: {  	_ =	shalt  }
0x7e: {  	_ =	shalt  }
0x7f: {  	_ =	shalt  }
0x80: {  	_ =	shalt  }
0x81: {  	_ =	shalt  }
0x82: {  	_ =	shalt  }
0x83: {  	_ =	shalt  }
0x84: {  	_ =	shalt  }
0x85: {  	_ =	shalt  }
0x86: {  	_ =	shalt  }
0x87: {  	_ =	shalt  }
.Lfunc_end0:
.L_simem_size_0:
called_computation_lowered:
.L_overlay_start_0:
0x88: {  	s2 =	sld [smem:$0x3FD9]  }
0x89: {  	s3 =	sld [smem:$0x3FFE];
	_ =	sdelay $0x1  }
0x8a: {  	s1 =	srdreg.scid  }
0x8b: {  	s0 =	sand.u32 $0x1, s1  }
0x8c: {  	s16 =	sshll.u32 s0, $0xA;
	s2 =	sadd.s32 s3, s2  }
0x8d: {  	s2 =	sadd.s32 s2, s16  }
0x8e: {  	[smem:$0x3FC4] =	sst s2  }
0x8f: {  	_ = 	snop  }
0x90: {  	(tm) =	ssettm $0x1  }
0x91: {  	s17 =	sld [smem:$0x3FFB];
	_ =	sdelay $0x3  }
0x92: {  	_ =	strace s17  }
0x93: {  	s2 =	sld [smem:$0x3FFC];
	_ =	sdelay $0x3  }
0x94: {  	_ =	strace s2  }
0x95: {  	s2 =	sld [smem:$0x3FFD];
	_ =	sdelay $0x3  }
0x96: {  	_ =	strace s2  }
0x97: {  	_ =	strace $0x8FFFFFFF  }
0x98: {  	s18 =	sld [smem:$0x3FDB];
	_ =	sdelay $0x1  }
0x99: {  	s19 =	simm.s32 $_scs_section_size  }
0x9a: {  	s4 =	simm.s32 $_size__tile_overlayer_lowered;
	s5 =	simm.s32 $_tile_overlayer_lowered  }
0x9b: {  	s22 =	simm.s32 $0x1BFF;
	s21 =	sshll.u32 s5, $0x1;
	s2 =	sadd.s32 s19, s18  }
0x9c: {  	s6 =	simm.s32 $0x0;
	s20 =	sshll.u32 s4, $0x1;
	s4 =	sadd.s32 s21, s2  }
0x9d: {  	[timem:s6], [sflag:s22] =	dma.local [hbm:s4], s20  }
0x9e: {  	_ =	swait.ge [sflag:s22], s20  }
0x9f: {  	s3 =	ssub.s32 $0x0, s20;
	[sflag:s22] =	ssyncset.done $0x0  }
0xa0: {  	[sflag:s22] =	ssyncadd.s32 s3;
	_ =	sdelay $0x1  }
0xa1: {  	s23 =	simm.s32 $0x1B8B  }
0xa2: {  	_ =	swait.ge [sflag:s23], $0x1  }
0xa3: {  	[sflag:s23] =	ssyncset.done $0x0  }
0xa4: {  	s25 =	simm.s32 $0x1B8E;
	s24 =	sld [smem:$0x3FFE];
	[sflag:s23] =	ssyncadd.s32 $0xFFFFFFFF  }
0xa5: {  	s26 =	simm.s32 $execute0_lowered;
	[smem:$0x3FD2] =	sst s25  }
0xa6: {  	s4 =	sshll.u32 s26, $0x1;
	_ =	strace $0x80000046;
	[dreg:$0x1] =	wrdreg $0xFFFFFFFF  }
0xa7: {  	s28 =	simm.s32 $_size_execute0_lowered;
	s2 =	sadd.s32 s2, s4;
	[dreg:$0x0] =	wrdreg $0x0  }
0xa8: {  	s4 =	sshll.u32 s28, $0x1;
	[dreg:$0x2] =	wrdreg s2  }
0xa9: {  	[dreg:$0x3] =	wrdreg s4  }
0xaa: {  	[dreg:$0x4] =	wrdreg $0xC0  }
0xab: {  	_ =	task [dreg:s6], $0x5FFFF  }
0xac: {  	[dreg:$0x1] =	wrdreg $0xFFFFFFFF  }
0xad: {  	[dreg:$0x0] =	wrdreg $0x60  }
0xae: {  	[dreg:$0x2] =	wrdreg s24  }
0xaf: {  	[dreg:$0x3] =	wrdreg $0xF5000  }
0xb0: {  	[dreg:$0x4] =	wrdreg $0x9  }
0xb1: {  	_ =	task.clear_ibuf [dreg:s6], $0x5FFFF;
	_ =	strace $0x90000046  }
0xb2: {  	s29 =	simm.s32 $0x9;
	_ =	strace $0x80000048  }
0xb3: {  	_ =	swait.ge [sflag:s29], $0x1  }
0xb4: {  	[sflag:s29] =	ssyncadd.s32 $0xFFFFFFFF  }
0xb5: {  	_ =	strace $0x90000048  }
0xb6: {  	_ =	sfence  }
0xb7: {  	s30 =	sld [smem:$0x0];
	_ =	sdelay $0x2  }
0xb8: {  	s31 =	sshll.u32 s1, $0xD;
	s1 =	sshrl.u32 s1, $0x2  }
0xb9: {  	s3 =	sand.u32 $0x4000, s31;
	s1 =	sadd.s32 s1, s30  }
0xba: {  	s0 =	sor.u32 s3, s0;
	s1 =	sshll.u32 s1, $0x11  }
0xbb: {  	s0 =	sor.u32 s1, s0  }
0xbc: {  	s0 =	sadd.s32 $0x8F2B, s0  }
0xbd: {  	[sflag:s0] =	ssyncadd.remote.s32 $0x1  }
0xbe: {  	_ =	sfence.sel $0xFFFF  }
0xbf: {  	[dreg:$0x0] =	wrdreg $0xFFFFFFFF;
	(pc) =	sbr.abs _section_cstart, $3  }
0xc0: {  	[dreg:$0x1] =	wrdreg $0xFFFFFFFF  }
0xc1: {  	_ =	task.clear_ibuf [dreg:s6], $0x2FFFF;
	_ =	strace $0x9FFFFFFF  }
0xc2: {  	(tm) =	ssettm $0x7FFFFFFF  }
0xc3: {  	_ =	shalt  }
tec
execute0_lowered:
.L_overlay_start_1:
0x0: {  	(tag) =	ssettag $0x1  }
0x1: {  	s1 =	rddreg [dreg:$0x0]  }
0x2: {  	s0 =	srdreg.scid;
	s3 =	rddreg [dreg:$0x1]  }
0x3: {  	s9 =	stileid.u32;
	s2 =	simm.s32 $0x0;
	s0 =	sand.u32 $0x1, s0  }
0x4: {  	[smem:$0x7FF] =	sst s2;
	s5 =	smul.u32 $0xA00, s9;
	s7 =	sshrl.u32 s9, $0x3  }
0x5: {  	s8 =	smul.u32 $0xA000, s9;
	s26 =	sshll.u32 s9, $0x7;
	s4 =	sshll.u32 s0, $0x4  }
0x6: {  	s22 =	sshll.u32 s0, $0x7;
	s0 =	ssub.s32 $0x2, s0;
	s4 =	sor.u32 s9, s4  }
0x7: {  	_ =	strace $0x80000047;
	s24 =	sshrl.u32 s0, $0x1;
	s4 =	smul.u32 $0x500, s4  }
0x8: {  	s23 =	smul.u32 $0xA0000, s7;
	s29 =	sand.u32 $0x380, s26;
	s0 =	ssub.s32 s0, s24  }
0x9: {  	s28 =	sshrl.u32 s8, $0x2;
	s0 =	smax.u32 s0, $0x1;
	s6 =	sadd.s32 s4, s1  }
0xa: {  	s4 =	sor.u32 s22, s5;
	s5 =	sshrl.u32 s23, $0x2;
	[dreg:$0x16] =	wrdreg s0  }
0xb: {  	s4 =	sshrl.u32 s4, $0x3;
	s25 =	sadd.s32 $0xB400, s6;
	s5 =	sadd.s32 s5, s3  }
0xc: {  	s30 =	sadd.s32 $0x1400, s6;
	s1 =	sadd.s32 s4, s1;
	[dreg:$0x3] =	wrdreg s25  }
0xd: {  	s4 =	sadd.s32 s28, s3;
	[dreg:$0x4] =	wrdreg s30;
	s31 =	sadd.s32 s29, s5  }
0xe: {  	[dreg:$0x5] =	wrdreg s31;
	s5 =	sadd.s32 $0x80, s4  }
0xf: {  	s6 =	sadd.s32 $0x100, s4;
	[dreg:$0x6] =	wrdreg s5  }
0x10: {  	s7 =	sadd.s32 $0x180, s4;
	[dreg:$0x7] =	wrdreg s6  }
0x11: {  	s8 =	sadd.s32 $0x200, s4;
	[dreg:$0x8] =	wrdreg s7  }
0x12: {  	s9 =	sadd.s32 $0x280, s4;
	[dreg:$0x9] =	wrdreg s8  }
0x13: {  	s10 =	sadd.s32 $0x300, s4;
	[dreg:$0xa] =	wrdreg s9  }
0x14: {  	s11 =	sadd.s32 $0x380, s4;
	[dreg:$0xb] =	wrdreg s10  }
0x15: {  	s12 =	sadd.s32 $0x28000, s4;
	[dreg:$0xc] =	wrdreg s11  }
0x16: {  	s13 =	sadd.s32 $0x28080, s4;
	[dreg:$0xd] =	wrdreg s12  }
0x17: {  	s14 =	sadd.s32 $0x28100, s4;
	[dreg:$0xe] =	wrdreg s13  }
0x18: {  	s15 =	sadd.s32 $0x28180, s4;
	[dreg:$0xf] =	wrdreg s14  }
0x19: {  	s16 =	sadd.s32 $0x28200, s4;
	[dreg:$0x10] =	wrdreg s15  }
0x1a: {  	s17 =	sadd.s32 $0x28280, s4;
	[dreg:$0x11] =	wrdreg s16  }
0x1b: {  	s18 =	sadd.s32 $0x28300, s4;
	[dreg:$0x12] =	wrdreg s17  }
0x1c: {  	s19 =	sadd.s32 $0x28380, s4;
	[dreg:$0x13] =	wrdreg s18  }
0x1d: {  	s1 =	sadd.s32 $0x15400, s1;
	[dreg:$0x14] =	wrdreg s19  }
0x1e: {  	s20 =	sadd.s32 $0x400, s4;
	[dreg:$0x15] =	wrdreg s1  }
0x1f: {  	s21 =	sadd.s32 $0x800, s4;
	[dreg:$0x17] =	wrdreg s20  }
0x20: {  	s22 =	sadd.s32 $0xC00, s4;
	[dreg:$0x18] =	wrdreg s21  }
0x21: {  	s23 =	sadd.s32 $0x1000, s4;
	[dreg:$0x19] =	wrdreg s22  }
0x22: {  	s24 =	sadd.s32 $0x1400, s4;
	[dreg:$0x1a] =	wrdreg s23  }
0x23: {  	s25 =	sadd.s32 $0x1800, s4;
	[dreg:$0x1b] =	wrdreg s24  }
0x24: {  	s26 =	sadd.s32 $0x1C00, s4;
	[dreg:$0x1c] =	wrdreg s25  }
0x25: {  	s28 =	sadd.s32 $0x2000, s4;
	[dreg:$0x1d] =	wrdreg s26  }
0x26: {  	s29 =	sadd.s32 $0x2400, s4;
	[dreg:$0x1e] =	wrdreg s28  }
0x27: {  	s30 =	sadd.s32 $0x480, s4;
	[dreg:$0x1f] =	wrdreg s29  }
0x28: {  	s31 =	sadd.s32 $0x880, s4;
	[smem:$0x78C] =	sst s30  }
0x29: {  	s3 =	sadd.s32 $0x1080, s4;
	[smem:$0x78D] =	sst s31  }
0x2a: {  	s1 =	sadd.s32 $0xC80, s4;
	[smem:$0x78F] =	sst s3  }
0x2b: {  	s5 =	sadd.s32 $0x1480, s4;
	[smem:$0x78E] =	sst s1  }
0x2c: {  	s6 =	sadd.s32 $0x1880, s4;
	[smem:$0x790] =	sst s5  }
0x2d: {  	s7 =	sadd.s32 $0x1C80, s4;
	[smem:$0x791] =	sst s6  }
0x2e: {  	s8 =	sadd.s32 $0x2080, s4;
	[smem:$0x792] =	sst s7  }
0x2f: {  	s9 =	sadd.s32 $0x2480, s4;
	[smem:$0x793] =	sst s8  }
0x30: {  	s10 =	sadd.s32 $0x500, s4;
	[smem:$0x794] =	sst s9  }
0x31: {  	s11 =	sadd.s32 $0x900, s4;
	[smem:$0x795] =	sst s10  }
0x32: {  	s12 =	sadd.s32 $0xD00, s4;
	[smem:$0x796] =	sst s11  }
0x33: {  	s13 =	sadd.s32 $0x1100, s4;
	[smem:$0x797] =	sst s12  }
0x34: {  	s14 =	sadd.s32 $0x1500, s4;
	[smem:$0x798] =	sst s13  }
0x35: {  	s15 =	sadd.s32 $0x1900, s4;
	[smem:$0x799] =	sst s14  }
0x36: {  	s16 =	sadd.s32 $0x1D00, s4;
	[smem:$0x79A] =	sst s15  }
0x37: {  	s17 =	sadd.s32 $0x2100, s4;
	[smem:$0x79B] =	sst s16  }
0x38: {  	s18 =	sadd.s32 $0x2500, s4;
	[smem:$0x79C] =	sst s17  }
0x39: {  	s19 =	sadd.s32 $0x580, s4;
	[smem:$0x79D] =	sst s18  }
0x3a: {  	s20 =	sadd.s32 $0x980, s4;
	[smem:$0x79E] =	sst s19  }
0x3b: {  	s21 =	sadd.s32 $0xD80, s4;
	[smem:$0x79F] =	sst s20  }
0x3c: {  	s22 =	sadd.s32 $0x1180, s4;
	[smem:$0x7A0] =	sst s21  }
0x3d: {  	s23 =	sadd.s32 $0x1580, s4;
	[smem:$0x7A1] =	sst s22  }
0x3e: {  	s24 =	sadd.s32 $0x1980, s4;
	[smem:$0x7A2] =	sst s23  }
0x3f: {  	s25 =	sadd.s32 $0x1D80, s4;
	[smem:$0x7A3] =	sst s24  }
0x40: {  	s26 =	sadd.s32 $0x2180, s4;
	[smem:$0x7A4] =	sst s25  }
0x41: {  	s28 =	sadd.s32 $0x2580, s4;
	[smem:$0x7A5] =	sst s26  }
0x42: {  	s29 =	sadd.s32 $0x600, s4;
	[smem:$0x7A6] =	sst s28  }
0x43: {  	s30 =	sadd.s32 $0xA00, s4;
	[smem:$0x7A7] =	sst s29  }
0x44: {  	s31 =	sadd.s32 $0xE00, s4;
	[smem:$0x7A8] =	sst s30  }
0x45: {  	s3 =	sadd.s32 $0x1600, s4;
	[smem:$0x7A9] =	sst s31  }
0x46: {  	s1 =	sadd.s32 $0x1200, s4;
	[smem:$0x7AB] =	sst s3  }
0x47: {  	s5 =	sadd.s32 $0x1A00, s4;
	[smem:$0x7AA] =	sst s1  }
0x48: {  	s6 =	sadd.s32 $0x1E00, s4;
	[smem:$0x7AC] =	sst s5  }
0x49: {  	s7 =	sadd.s32 $0x2200, s4;
	[smem:$0x7AD] =	sst s6  }
0x4a: {  	s8 =	sadd.s32 $0x2600, s4;
	[smem:$0x7AE] =	sst s7  }
0x4b: {  	s9 =	sadd.s32 $0x680, s4;
	[smem:$0x7AF] =	sst s8  }
0x4c: {  	s10 =	sadd.s32 $0xA80, s4;
	[smem:$0x7B0] =	sst s9  }
0x4d: {  	s11 =	sadd.s32 $0xE80, s4;
	[smem:$0x7B1] =	sst s10  }
0x4e: {  	s12 =	sadd.s32 $0x1280, s4;
	[smem:$0x7B2] =	sst s11  }
0x4f: {  	s13 =	sadd.s32 $0x1680, s4;
	[smem:$0x7B3] =	sst s12  }
0x50: {  	s14 =	sadd.s32 $0x1A80, s4;
	[smem:$0x7B4] =	sst s13  }
0x51: {  	s15 =	sadd.s32 $0x1E80, s4;
	[smem:$0x7B5] =	sst s14  }
0x52: {  	s16 =	sadd.s32 $0x2280, s4;
	[smem:$0x7B6] =	sst s15  }
0x53: {  	s17 =	sadd.s32 $0x2680, s4;
	[smem:$0x7B7] =	sst s16  }
0x54: {  	s18 =	sadd.s32 $0x700, s4;
	[smem:$0x7B8] =	sst s17  }
0x55: {  	s19 =	sadd.s32 $0xB00, s4;
	[smem:$0x7B9] =	sst s18  }
0x56: {  	s20 =	sadd.s32 $0xF00, s4;
	[smem:$0x7BA] =	sst s19  }
0x57: {  	s21 =	sadd.s32 $0x1300, s4;
	[smem:$0x7BB] =	sst s20  }
0x58: {  	s22 =	sadd.s32 $0x1700, s4;
	[smem:$0x7BC] =	sst s21  }
0x59: {  	s23 =	sadd.s32 $0x1B00, s4;
	[smem:$0x7BD] =	sst s22  }
0x5a: {  	s24 =	sadd.s32 $0x1F00, s4;
	[smem:$0x7BE] =	sst s23  }
0x5b: {  	s25 =	sadd.s32 $0x2300, s4;
	[smem:$0x7BF] =	sst s24  }
0x5c: {  	s26 =	sadd.s32 $0x2700, s4;
	[smem:$0x7C0] =	sst s25  }
0x5d: {  	s28 =	sadd.s32 $0x780, s4;
	[smem:$0x7C1] =	sst s26  }
0x5e: {  	s29 =	sadd.s32 $0xB80, s4;
	[smem:$0x7C2] =	sst s28  }
0x5f: {  	s30 =	sadd.s32 $0xF80, s4;
	[smem:$0x7C3] =	sst s29  }
0x60: {  	s31 =	sadd.s32 $0x1380, s4;
	[smem:$0x7C4] =	sst s30  }
0x61: {  	s3 =	sadd.s32 $0x1B80, s4;
	[smem:$0x7C5] =	sst s31  }
0x62: {  	s1 =	sadd.s32 $0x1780, s4;
	[smem:$0x7C7] =	sst s3  }
0x63: {  	s5 =	sadd.s32 $0x1F80, s4;
	[smem:$0x7C6] =	sst s1  }
0x64: {  	s6 =	sadd.s32 $0x2380, s4;
	[smem:$0x7C8] =	sst s5  }
0x65: {  	s7 =	sadd.s32 $0x2780, s4;
	[smem:$0x7C9] =	sst s6  }
0x66: {  	s8 =	sadd.s32 $0x28400, s4;
	[smem:$0x7CA] =	sst s7  }
0x67: {  	s9 =	sadd.s32 $0x28800, s4;
	[smem:$0x7CB] =	sst s8  }
0x68: {  	s10 =	sadd.s32 $0x28C00, s4;
	[smem:$0x7CC] =	sst s9  }
0x69: {  	s11 =	sadd.s32 $0x29000, s4;
	[smem:$0x7CD] =	sst s10  }
0x6a: {  	s12 =	sadd.s32 $0x29400, s4;
	[smem:$0x7CE] =	sst s11  }
0x6b: {  	s13 =	sadd.s32 $0x29800, s4;
	[smem:$0x7CF] =	sst s12  }
0x6c: {  	s14 =	sadd.s32 $0x29C00, s4;
	[smem:$0x7D0] =	sst s13  }
0x6d: {  	s15 =	sadd.s32 $0x2A000, s4;
	[smem:$0x7D1] =	sst s14  }
0x6e: {  	s16 =	sadd.s32 $0x2A400, s4;
	[smem:$0x7D2] =	sst s15  }
0x6f: {  	s17 =	sadd.s32 $0x28480, s4;
	[smem:$0x7D3] =	sst s16  }
0x70: {  	s18 =	sadd.s32 $0x28880, s4;
	[smem:$0x7D4] =	sst s17  }
0x71: {  	s19 =	sadd.s32 $0x28C80, s4;
	[smem:$0x7D5] =	sst s18  }
0x72: {  	s20 =	sadd.s32 $0x29080, s4;
	[smem:$0x7D6] =	sst s19  }
0x73: {  	s21 =	sadd.s32 $0x29480, s4;
	[smem:$0x7D7] =	sst s20  }
0x74: {  	s22 =	sadd.s32 $0x29880, s4;
	[smem:$0x7D8] =	sst s21  }
0x75: {  	s23 =	sadd.s32 $0x29C80, s4;
	[smem:$0x7D9] =	sst s22  }
0x76: {  	s24 =	sadd.s32 $0x2A080, s4;
	[smem:$0x7DA] =	sst s23  }
0x77: {  	s25 =	sadd.s32 $0x2A480, s4;
	[smem:$0x7DB] =	sst s24  }
0x78: {  	s26 =	sadd.s32 $0x28500, s4;
	[smem:$0x7DC] =	sst s25  }
0x79: {  	s28 =	sadd.s32 $0x28900, s4;
	[smem:$0x7DD] =	sst s26  }
0x7a: {  	s29 =	sadd.s32 $0x28D00, s4;
	[smem:$0x7DE] =	sst s28  }
0x7b: {  	s30 =	sadd.s32 $0x29100, s4;
	[smem:$0x7DF] =	sst s29  }
0x7c: {  	s31 =	sadd.s32 $0x29500, s4;
	[smem:$0x7E0] =	sst s30  }
0x7d: {  	s3 =	sadd.s32 $0x29D00, s4;
	[smem:$0x7E1] =	sst s31  }
0x7e: {  	s1 =	sadd.s32 $0x29900, s4;
	[smem:$0x7E3] =	sst s3  }
0x7f: {  	s5 =	sadd.s32 $0x2A100, s4;
	[smem:$0x7E2] =	sst s1  }
0x80: {  	s6 =	sadd.s32 $0x2A500, s4;
	[smem:$0x7E4] =	sst s5  }
0x81: {  	s7 =	sadd.s32 $0x28580, s4;
	[smem:$0x7E5] =	sst s6  }
0x82: {  	s8 =	sadd.s32 $0x28980, s4;
	[smem:$0x7E6] =	sst s7  }
0x83: {  	s9 =	sadd.s32 $0x28D80, s4;
	[smem:$0x7E7] =	sst s8  }
0x84: {  	s10 =	sadd.s32 $0x29180, s4;
	[smem:$0x7E8] =	sst s9  }
0x85: {  	s11 =	sadd.s32 $0x29580, s4;
	[smem:$0x7E9] =	sst s10  }
0x86: {  	s12 =	sadd.s32 $0x29980, s4;
	[smem:$0x7EA] =	sst s11  }
0x87: {  	s13 =	sadd.s32 $0x29D80, s4;
	[smem:$0x7EB] =	sst s12  }
0x88: {  	s14 =	sadd.s32 $0x2A180, s4;
	[smem:$0x7EC] =	sst s13  }
0x89: {  	s15 =	sadd.s32 $0x2A580, s4;
	[smem:$0x7ED] =	sst s14  }
0x8a: {  	s16 =	sadd.s32 $0x28600, s4;
	[smem:$0x7EE] =	sst s15  }
0x8b: {  	s17 =	sadd.s32 $0x28A00, s4;
	[smem:$0x7EF] =	sst s16  }
0x8c: {  	s18 =	sadd.s32 $0x28E00, s4;
	[smem:$0x7F0] =	sst s17  }
0x8d: {  	s19 =	sadd.s32 $0x29200, s4;
	[smem:$0x7F1] =	sst s18  }
0x8e: {  	s20 =	sadd.s32 $0x29600, s4;
	[smem:$0x7F2] =	sst s19  }
0x8f: {  	s21 =	sadd.s32 $0x29A00, s4;
	[smem:$0x7F3] =	sst s20  }
0x90: {  	s22 =	sadd.s32 $0x29E00, s4;
	[smem:$0x7F4] =	sst s21  }
0x91: {  	s23 =	sadd.s32 $0x2A200, s4;
	[smem:$0x7F5] =	sst s22  }
0x92: {  	s24 =	sadd.s32 $0x2A600, s4;
	[smem:$0x7F6] =	sst s23  }
0x93: {  	s25 =	sadd.s32 $0x28680, s4;
	[smem:$0x7F7] =	sst s24  }
0x94: {  	s26 =	sadd.s32 $0x28A80, s4;
	[smem:$0x7F8] =	sst s25  }
0x95: {  	s28 =	sadd.s32 $0x28E80, s4;
	[smem:$0x7F9] =	sst s26  }
0x96: {  	s29 =	sadd.s32 $0x29280, s4;
	[smem:$0x7FA] =	sst s28  }
0x97: {  	s30 =	sadd.s32 $0x29680, s4;
	[smem:$0x7FB] =	sst s29  }
0x98: {  	s0 =	sadd.s32 $0x29E80, s4;
	s31 =	sadd.s32 $0x29A80, s4;
	[smem:$0x7FC] =	sst s30  }
0x99: {  	s3 =	sadd.s32 $0x2A680, s4;
	[smem:$0x7FD] =	sst s31;
	s1 =	sadd.s32 $0x2A280, s4  }
0x9a: {  	s5 =	sadd.s32 $0x28700, s4;
	s6 =	sadd.s32 $0x28B00, s4;
	s7 =	sadd.s32 $0x28F00, s4  }
0x9b: {  	s8 =	sadd.s32 $0x29300, s4;
	s9 =	sadd.s32 $0x29700, s4;
	s10 =	sadd.s32 $0x29B00, s4  }
0x9c: {  	s11 =	sadd.s32 $0x29F00, s4;
	s12 =	sadd.s32 $0x2A300, s4;
	s13 =	sadd.s32 $0x2A700, s4  }
0x9d: {  	s14 =	sadd.s32 $0x28780, s4;
	s15 =	sadd.s32 $0x28B80, s4;
	s16 =	sadd.s32 $0x28F80, s4  }
0x9e: {  	s17 =	sadd.s32 $0x29380, s4;
	s18 =	sadd.s32 $0x29780, s4;
	s19 =	sadd.s32 $0x29B80, s4  }
0x9f: {  	s20 =	sadd.s32 $0x29F80, s4;
	s21 =	sadd.s32 $0x2A380, s4;
	s22 =	sadd.s32 $0x2A780, s4  }
0xa0: {  	v0 =	vimm.s32 $0x0;
	v1 =	vimm.s32 $0x1;
	s23 =	simm.s32 $0x1;
	s24 =	simm.s32 $0x5000;
	s25 =	simm.s32 $0x80  }
.LBB2_1:
0xa1: {  	s26 =	simm.s32 $0x40;
	s28 =	simm.s32 $0x0  }
.LBB2_2:
0xa2: {  	p0 =	sne.s32 s26, $0x13FC0;
	[tilespmem:s28+$0x5000] =	vst v0;
	s28 =	smov.u32 s26;
	s26 =	sadd.s32 $0x40, s26  }
.Ltmp0:
0xa3: {  	(pc) =	sbr.rel @p0 .LBB2_2-.Ltmp0, $2  }
0xa4: {  	_ =	sdelay $0x2  }
0xa5: {  	s28 =	sshra.s32 s28, $0x2  }
0xa6: {  	[tilespmem:s28+$0x5000] =	vst v0;
	s26 =	simm.s32 $0x0;
	s28 =	rddreg [dreg:$0x3]  }
0xa7: {  	[tilespmem:s26], [sflag:$0x1] =	stream.linear.gather [hbm4b:s28+s26], $0x2800, $0x38;
	[tilespmem:$0x14500] =	vst v63  }
0xa8: {  	_ =	swait.ge [sflag:s23], $0x2800  }
0xa9: {  	[sflag:s23] =	ssyncset.done $0x0  }
0xaa: {  	s29 =	simm.s32 $0x2800;
	s28 =	rddreg [dreg:$0x4];
	[sflag:s23] =	ssyncadd.s32 $0xFFFFD800  }
0xab: {  	[tilespmem:s29], [sflag:$0x1] =	stream.linear.gather [hbm4b:s28+s26], $0x2800, $0x38;
	[tilespmem:$0x14500] =	vst v63  }
0xac: {  	_ =	swait.ge [sflag:s23], $0x2800  }
0xad: {  	[sflag:s23] =	ssyncset.done $0x0  }
0xae: {  	s28 =	simm.s32 $0x0;
	s26 =	simm.s32 $0x40;
	[sflag:s23] =	ssyncadd.s32 $0xFFFFD800  }
.LBB2_4:
0xaf: {  	p0 =	sne.s32 s26, $0x9FC0;
	v2 =	vld [tilespmem:s28+$0x2800]  }
0xb0: {  	v3 =	vld [tilespmem:s28+$0x0];
	_ =	sdelay $0x3  }
0xb1: {  	v2 =	vadd.s32 $0x2800, v2  }
.Ltmp1:
0xb2: {  	(pc) =	sbr.rel @p0 .LBB2_4-.Ltmp1, $3  }
0xb3: {  	_ =	sdelay $0x1  }
0xb4: {  	[tilespmem:v3+s24+$0x0] =	vst.idx.add.s32.msk $0xffff, v1  }
0xb5: {  	s28 =	sshra.s32 s26, $0x2;
	s26 =	sadd.s32 $0x40, s26;
	[tilespmem:v2+s24+$0x0] =	vst.idx.add.s32.msk $0xffff, v1  }
0xb6: {  	v2 =	vld [tilespmem:s28+$0x2800]  }
0xb7: {  	v3 =	vld [tilespmem:s28+$0x0];
	_ =	sdelay $0x3  }
0xb8: {  	v2 =	vadd.s32 $0x2800, v2;
	_ =	sdelay $0x3  }
0xb9: {  	[tilespmem:v3+s24+$0x0] =	vst.idx.add.s32.msk $0xffff, v1  }
0xba: {  	s26 =	rddreg [dreg:$0x5];
	s28 =	simm.s32 $0x400;
	[tilespmem:v2+s24+$0x0] =	vst.idx.add.s32.msk $0xffff, v1  }
0xbb: {  	[spmem:s26] =	stream.strided.scatter [tilespmem:s24], [sflag:$0x1], $0x5000, s28, s25, $0x38;
	[tilespmem:$0x14500] =	vst v63  }
0xbc: {  	_ =	swait.ge [sflag:s23], $0x5000  }
0xbd: {  	[sflag:s23] =	ssyncset.done $0x0  }
0xbe: {  	[sflag:s23] =	ssyncadd.s32 $0xFFFFB000  }
0xbf: {  	s31 =	simm.s32 $0xA000;
	[bflag:$0x0] =	sbarrier.arrive $0xFFFF  }
0xc0: {  	[tilespmem:s31], [sflag:$0x1] =	stream.linear.gather [spmem:s4], $0x80, $0x38;
	[tilespmem:$0x14500] =	vst v63  }
0xc1: {  	s28 =	simm.s32 $0xA400;
	s31 =	rddreg [dreg:$0x17]  }
0xc2: {  	[tilespmem:s28], [sflag:$0x1] =	stream.linear.gather [spmem:s31], $0x80, $0x38;
	[tilespmem:$0x14500] =	vst v63  }
0xc3: {  	s31 =	rddreg [dreg:$0x18];
	s28 =	simm.s32 $0xA800  }
0xc4: {  	[tilespmem:s28], [sflag:$0x1] =	stream.linear.gather [spmem:s31], $0x80, $0x38;
	[tilespmem:$0x14500] =	vst v63  }
0xc5: {  	s31 =	rddreg [dreg:$0x19];
	s28 =	simm.s32 $0xAC00  }
0xc6: {  	[tilespmem:s28], [sflag:$0x1] =	stream.linear.gather [spmem:s31], $0x80, $0x38;
	[tilespmem:$0x14500] =	vst v63  }
0xc7: {  	s31 =	rddreg [dreg:$0x1a];
	s28 =	simm.s32 $0xB000  }
0xc8: {  	[tilespmem:s28], [sflag:$0x1] =	stream.linear.gather [spmem:s31], $0x80, $0x38;
	[tilespmem:$0x14500] =	vst v63  }
0xc9: {  	s31 =	rddreg [dreg:$0x1b];
	s28 =	simm.s32 $0xB400  }
0xca: {  	[tilespmem:s28], [sflag:$0x1] =	stream.linear.gather [spmem:s31], $0x80, $0x38;
	[tilespmem:$0x14500] =	vst v63  }
0xcb: {  	s31 =	rddreg [dreg:$0x1c];
	s28 =	simm.s32 $0xB800  }
0xcc: {  	[tilespmem:s28], [sflag:$0x1] =	stream.linear.gather [spmem:s31], $0x80, $0x38;
	[tilespmem:$0x14500] =	vst v63  }
0xcd: {  	s31 =	rddreg [dreg:$0x1d];
	s28 =	simm.s32 $0xBC00  }
0xce: {  	[tilespmem:s28], [sflag:$0x1] =	stream.linear.gather [spmem:s31], $0x80, $0x38;
	[tilespmem:$0x14500] =	vst v63  }
0xcf: {  	s31 =	rddreg [dreg:$0x1e];
	s28 =	simm.s32 $0xC000  }
0xd0: {  	[tilespmem:s28], [sflag:$0x1] =	stream.linear.gather [spmem:s31], $0x80, $0x38;
	[tilespmem:$0x14500] =	vst v63  }
0xd1: {  	s31 =	rddreg [dreg:$0x1f];
	s28 =	simm.s32 $0xC400  }
0xd2: {  	[tilespmem:s28], [sflag:$0x1] =	stream.linear.gather [spmem:s31], $0x80, $0x38;
	[tilespmem:$0x14500] =	vst v63  }
0xd3: {  	_ =	swait.ge [sflag:s23], $0x500  }
0xd4: {  	[sflag:s23] =	ssyncset.done $0x0  }
0xd5: {  	s28 =	simm.s32 $0xA080;
	s31 =	rddreg [dreg:$0x6];
	[sflag:s23] =	ssyncadd.s32 $0xFFFFFB00  }
0xd6: {  	[tilespmem:s28], [sflag:$0x1] =	stream.linear.gather [spmem:s31], $0x80, $0x38;
	[tilespmem:$0x14500] =	vst v63  }
0xd7: {  	s31 =	sld [smem:$0x78C];
	_ =	sdelay $0x1  }
0xd8: {  	s28 =	simm.s32 $0xA480  }
0xd9: {  	[tilespmem:s28], [sflag:$0x1] =	stream.linear.gather [spmem:s31], $0x80, $0x38;
	[tilespmem:$0x14500] =	vst v63  }
0xda: {  	s31 =	sld [smem:$0x78D];
	_ =	sdelay $0x1  }
0xdb: {  	s28 =	simm.s32 $0xA880  }
0xdc: {  	[tilespmem:s28], [sflag:$0x1] =	stream.linear.gather [spmem:s31], $0x80, $0x38;
	[tilespmem:$0x14500] =	vst v63  }
0xdd: {  	s31 =	sld [smem:$0x78E];
	_ =	sdelay $0x1  }
0xde: {  	s28 =	simm.s32 $0xAC80  }
0xdf: {  	[tilespmem:s28], [sflag:$0x1] =	stream.linear.gather [spmem:s31], $0x80, $0x38;
	[tilespmem:$0x14500] =	vst v63  }
0xe0: {  	s31 =	sld [smem:$0x78F];
	_ =	sdelay $0x1  }
0xe1: {  	s28 =	simm.s32 $0xB080  }
0xe2: {  	[tilespmem:s28], [sflag:$0x1] =	stream.linear.gather [spmem:s31], $0x80, $0x38;
	[tilespmem:$0x14500] =	vst v63  }
0xe3: {  	s31 =	sld [smem:$0x790];
	_ =	sdelay $0x1  }
0xe4: {  	s28 =	simm.s32 $0xB480  }
0xe5: {  	[tilespmem:s28], [sflag:$0x1] =	stream.linear.gather [spmem:s31], $0x80, $0x38;
	[tilespmem:$0x14500] =	vst v63  }
0xe6: {  	s31 =	sld [smem:$0x791];
	_ =	sdelay $0x1  }
0xe7: {  	s28 =	simm.s32 $0xB880  }
0xe8: {  	[tilespmem:s28], [sflag:$0x1] =	stream.linear.gather [spmem:s31], $0x80, $0x38;
	[tilespmem:$0x14500] =	vst v63  }
0xe9: {  	s31 =	sld [smem:$0x792];
	_ =	sdelay $0x1  }
0xea: {  	s28 =	simm.s32 $0xBC80  }
0xeb: {  	[tilespmem:s28], [sflag:$0x1] =	stream.linear.gather [spmem:s31], $0x80, $0x38;
	[tilespmem:$0x14500] =	vst v63  }
0xec: {  	s31 =	sld [smem:$0x793];
	_ =	sdelay $0x1  }
0xed: {  	s28 =	simm.s32 $0xC080  }
0xee: {  	[tilespmem:s28], [sflag:$0x1] =	stream.linear.gather [spmem:s31], $0x80, $0x38;
	[tilespmem:$0x14500] =	vst v63  }
0xef: {  	s31 =	sld [smem:$0x794];
	_ =	sdelay $0x1  }
0xf0: {  	s28 =	simm.s32 $0xC480  }
0xf1: {  	[tilespmem:s28], [sflag:$0x1] =	stream.linear.gather [spmem:s31], $0x80, $0x38;
	[tilespmem:$0x14500] =	vst v63  }
0xf2: {  	_ =	swait.ge [sflag:s23], $0x500  }
0xf3: {  	[sflag:s23] =	ssyncset.done $0x0  }
0xf4: {  	s28 =	simm.s32 $0xA100;
	s31 =	rddreg [dreg:$0x7];
	[sflag:s23] =	ssyncadd.s32 $0xFFFFFB00  }
0xf5: {  	[tilespmem:s28], [sflag:$0x1] =	stream.linear.gather [spmem:s31], $0x80, $0x38;
	[tilespmem:$0x14500] =	vst v63  }
0xf6: {  	s31 =	sld [smem:$0x795];
	_ =	sdelay $0x1  }
0xf7: {  	s28 =	simm.s32 $0xA500  }
0xf8: {  	[tilespmem:s28], [sflag:$0x1] =	stream.linear.gather [spmem:s31], $0x80, $0x38;
	[tilespmem:$0x14500] =	vst v63  }
0xf9: {  	s31 =	sld [smem:$0x796];
	_ =	sdelay $0x1  }
0xfa: {  	s28 =	simm.s32 $0xA900  }
0xfb: {  	[tilespmem:s28], [sflag:$0x1] =	stream.linear.gather [spmem:s31], $0x80, $0x38;
	[tilespmem:$0x14500] =	vst v63  }
0xfc: {  	s31 =	sld [smem:$0x797];
	_ =	sdelay $0x1  }
0xfd: {  	s28 =	simm.s32 $0xAD00  }
0xfe: {  	[tilespmem:s28], [sflag:$0x1] =	stream.linear.gather [spmem:s31], $0x80, $0x38;
	[tilespmem:$0x14500] =	vst v63  }
0xff: {  	s31 =	sld [smem:$0x798];
	_ =	sdelay $0x1  }
0x100: {  	s28 =	simm.s32 $0xB100  }
0x101: {  	[tilespmem:s28], [sflag:$0x1] =	stream.linear.gather [spmem:s31], $0x80, $0x38;
	[tilespmem:$0x14500] =	vst v63  }
0x102: {  	s31 =	sld [smem:$0x799];
	_ =	sdelay $0x1  }
0x103: {  	s28 =	simm.s32 $0xB500  }
0x104: {  	[tilespmem:s28], [sflag:$0x1] =	stream.linear.gather [spmem:s31], $0x80, $0x38;
	[tilespmem:$0x14500] =	vst v63  }
0x105: {  	s31 =	sld [smem:$0x79A];
	_ =	sdelay $0x1  }
0x106: {  	s28 =	simm.s32 $0xB900  }
0x107: {  	[tilespmem:s28], [sflag:$0x1] =	stream.linear.gather [spmem:s31], $0x80, $0x38;
	[tilespmem:$0x14500] =	vst v63  }
0x108: {  	s31 =	sld [smem:$0x79B];
	_ =	sdelay $0x1  }
0x109: {  	s28 =	simm.s32 $0xBD00  }
0x10a: {  	[tilespmem:s28], [sflag:$0x1] =	stream.linear.gather [spmem:s31], $0x80, $0x38;
	[tilespmem:$0x14500] =	vst v63  }
0x10b: {  	s31 =	sld [smem:$0x79C];
	_ =	sdelay $0x1  }
0x10c: {  	s28 =	simm.s32 $0xC100  }
0x10d: {  	[tilespmem:s28], [sflag:$0x1] =	stream.linear.gather [spmem:s31], $0x80, $0x38;
	[tilespmem:$0x14500] =	vst v63  }
0x10e: {  	s31 =	sld [smem:$0x79D];
	_ =	sdelay $0x1  }
0x10f: {  	s28 =	simm.s32 $0xC500  }
0x110: {  	[tilespmem:s28], [sflag:$0x1] =	stream.linear.gather [spmem:s31], $0x80, $0x38;
	[tilespmem:$0x14500] =	vst v63  }
0x111: {  	_ =	swait.ge [sflag:s23], $0x500  }
0x112: {  	[sflag:s23] =	ssyncset.done $0x0  }
0x113: {  	s28 =	simm.s32 $0xA180;
	s31 =	rddreg [dreg:$0x8];
	[sflag:s23] =	ssyncadd.s32 $0xFFFFFB00  }
0x114: {  	[tilespmem:s28], [sflag:$0x1] =	stream.linear.gather [spmem:s31], $0x80, $0x38;
	[tilespmem:$0x14500] =	vst v63  }
0x115: {  	s31 =	sld [smem:$0x79E];
	_ =	sdelay $0x1  }
0x116: {  	s28 =	simm.s32 $0xA580  }
0x117: {  	[tilespmem:s28], [sflag:$0x1] =	stream.linear.gather [spmem:s31], $0x80, $0x38;
	[tilespmem:$0x14500] =	vst v63  }
0x118: {  	s31 =	sld [smem:$0x79F];
	_ =	sdelay $0x1  }
0x119: {  	s28 =	simm.s32 $0xA980  }
0x11a: {  	[tilespmem:s28], [sflag:$0x1] =	stream.linear.gather [spmem:s31], $0x80, $0x38;
	[tilespmem:$0x14500] =	vst v63  }
0x11b: {  	s31 =	sld [smem:$0x7A0];
	_ =	sdelay $0x1  }
0x11c: {  	s28 =	simm.s32 $0xAD80  }
0x11d: {  	[tilespmem:s28], [sflag:$0x1] =	stream.linear.gather [spmem:s31], $0x80, $0x38;
	[tilespmem:$0x14500] =	vst v63  }
0x11e: {  	s31 =	sld [smem:$0x7A1];
	_ =	sdelay $0x1  }
0x11f: {  	s28 =	simm.s32 $0xB180  }
0x120: {  	[tilespmem:s28], [sflag:$0x1] =	stream.linear.gather [spmem:s31], $0x80, $0x38;
	[tilespmem:$0x14500] =	vst v63  }
0x121: {  	s31 =	sld [smem:$0x7A2];
	_ =	sdelay $0x1  }
0x122: {  	s28 =	simm.s32 $0xB580  }
0x123: {  	[tilespmem:s28], [sflag:$0x1] =	stream.linear.gather [spmem:s31], $0x80, $0x38;
	[tilespmem:$0x14500] =	vst v63  }
0x124: {  	s31 =	sld [smem:$0x7A3];
	_ =	sdelay $0x1  }
0x125: {  	s28 =	simm.s32 $0xB980  }
0x126: {  	[tilespmem:s28], [sflag:$0x1] =	stream.linear.gather [spmem:s31], $0x80, $0x38;
	[tilespmem:$0x14500] =	vst v63  }
0x127: {  	s31 =	sld [smem:$0x7A4];
	_ =	sdelay $0x1  }
0x128: {  	s28 =	simm.s32 $0xBD80  }
0x129: {  	[tilespmem:s28], [sflag:$0x1] =	stream.linear.gather [spmem:s31], $0x80, $0x38;
	[tilespmem:$0x14500] =	vst v63  }
0x12a: {  	s31 =	sld [smem:$0x7A5];
	_ =	sdelay $0x1  }
0x12b: {  	s28 =	simm.s32 $0xC180  }
0x12c: {  	[tilespmem:s28], [sflag:$0x1] =	stream.linear.gather [spmem:s31], $0x80, $0x38;
	[tilespmem:$0x14500] =	vst v63  }
0x12d: {  	s31 =	sld [smem:$0x7A6];
	_ =	sdelay $0x1  }
0x12e: {  	s28 =	simm.s32 $0xC580  }
0x12f: {  	[tilespmem:s28], [sflag:$0x1] =	stream.linear.gather [spmem:s31], $0x80, $0x38;
	[tilespmem:$0x14500] =	vst v63  }
0x130: {  	_ =	swait.ge [sflag:s23], $0x500  }
0x131: {  	[sflag:s23] =	ssyncset.done $0x0  }
0x132: {  	s28 =	simm.s32 $0xA200;
	s31 =	rddreg [dreg:$0x9];
	[sflag:s23] =	ssyncadd.s32 $0xFFFFFB00  }
0x133: {  	[tilespmem:s28], [sflag:$0x1] =	stream.linear.gather [spmem:s31], $0x80, $0x38;
	[tilespmem:$0x14500] =	vst v63  }
0x134: {  	s31 =	sld [smem:$0x7A7];
	_ =	sdelay $0x1  }
0x135: {  	s28 =	simm.s32 $0xA600  }
0x136: {  	[tilespmem:s28], [sflag:$0x1] =	stream.linear.gather [spmem:s31], $0x80, $0x38;
	[tilespmem:$0x14500] =	vst v63  }
0x137: {  	s31 =	sld [smem:$0x7A8];
	_ =	sdelay $0x1  }
0x138: {  	s28 =	simm.s32 $0xAA00  }
0x139: {  	[tilespmem:s28], [sflag:$0x1] =	stream.linear.gather [spmem:s31], $0x80, $0x38;
	[tilespmem:$0x14500] =	vst v63  }
0x13a: {  	s31 =	sld [smem:$0x7A9];
	_ =	sdelay $0x1  }
0x13b: {  	s28 =	simm.s32 $0xAE00  }
0x13c: {  	[tilespmem:s28], [sflag:$0x1] =	stream.linear.gather [spmem:s31], $0x80, $0x38;
	[tilespmem:$0x14500] =	vst v63  }
0x13d: {  	s31 =	sld [smem:$0x7AA];
	_ =	sdelay $0x1  }
0x13e: {  	s28 =	simm.s32 $0xB200  }
0x13f: {  	[tilespmem:s28], [sflag:$0x1] =	stream.linear.gather [spmem:s31], $0x80, $0x38;
	[tilespmem:$0x14500] =	vst v63  }
0x140: {  	s31 =	sld [smem:$0x7AB];
	_ =	sdelay $0x1  }
0x141: {  	s28 =	simm.s32 $0xB600  }
0x142: {  	[tilespmem:s28], [sflag:$0x1] =	stream.linear.gather [spmem:s31], $0x80, $0x38;
	[tilespmem:$0x14500] =	vst v63  }
0x143: {  	s31 =	sld [smem:$0x7AC];
	_ =	sdelay $0x1  }
0x144: {  	s28 =	simm.s32 $0xBA00  }
0x145: {  	[tilespmem:s28], [sflag:$0x1] =	stream.linear.gather [spmem:s31], $0x80, $0x38;
	[tilespmem:$0x14500] =	vst v63  }
0x146: {  	s31 =	sld [smem:$0x7AD];
	_ =	sdelay $0x1  }
0x147: {  	s28 =	simm.s32 $0xBE00  }
0x148: {  	[tilespmem:s28], [sflag:$0x1] =	stream.linear.gather [spmem:s31], $0x80, $0x38;
	[tilespmem:$0x14500] =	vst v63  }
0x149: {  	s31 =	sld [smem:$0x7AE];
	_ =	sdelay $0x1  }
0x14a: {  	s28 =	simm.s32 $0xC200  }
0x14b: {  	[tilespmem:s28], [sflag:$0x1] =	stream.linear.gather [spmem:s31], $0x80, $0x38;
	[tilespmem:$0x14500] =	vst v63  }
0x14c: {  	s31 =	sld [smem:$0x7AF];
	_ =	sdelay $0x1  }
0x14d: {  	s28 =	simm.s32 $0xC600  }
0x14e: {  	[tilespmem:s28], [sflag:$0x1] =	stream.linear.gather [spmem:s31], $0x80, $0x38;
	[tilespmem:$0x14500] =	vst v63  }
0x14f: {  	_ =	swait.ge [sflag:s23], $0x500  }
0x150: {  	[sflag:s23] =	ssyncset.done $0x0  }
0x151: {  	s28 =	simm.s32 $0xA280;
	s31 =	rddreg [dreg:$0xa];
	[sflag:s23] =	ssyncadd.s32 $0xFFFFFB00  }
0x152: {  	[tilespmem:s28], [sflag:$0x1] =	stream.linear.gather [spmem:s31], $0x80, $0x38;
	[tilespmem:$0x14500] =	vst v63  }
0x153: {  	s31 =	sld [smem:$0x7B0];
	_ =	sdelay $0x1  }
0x154: {  	s28 =	simm.s32 $0xA680  }
0x155: {  	[tilespmem:s28], [sflag:$0x1] =	stream.linear.gather [spmem:s31], $0x80, $0x38;
	[tilespmem:$0x14500] =	vst v63  }
0x156: {  	s31 =	sld [smem:$0x7B1];
	_ =	sdelay $0x1  }
0x157: {  	s28 =	simm.s32 $0xAA80  }
0x158: {  	[tilespmem:s28], [sflag:$0x1] =	stream.linear.gather [spmem:s31], $0x80, $0x38;
	[tilespmem:$0x14500] =	vst v63  }
0x159: {  	s31 =	sld [smem:$0x7B2];
	_ =	sdelay $0x1  }
0x15a: {  	s28 =	simm.s32 $0xAE80  }
0x15b: {  	[tilespmem:s28], [sflag:$0x1] =	stream.linear.gather [spmem:s31], $0x80, $0x38;
	[tilespmem:$0x14500] =	vst v63  }
0x15c: {  	s31 =	sld [smem:$0x7B3];
	_ =	sdelay $0x1  }
0x15d: {  	s28 =	simm.s32 $0xB280  }
0x15e: {  	[tilespmem:s28], [sflag:$0x1] =	stream.linear.gather [spmem:s31], $0x80, $0x38;
	[tilespmem:$0x14500] =	vst v63  }
0x15f: {  	s31 =	sld [smem:$0x7B4];
	_ =	sdelay $0x1  }
0x160: {  	s28 =	simm.s32 $0xB680  }
0x161: {  	[tilespmem:s28], [sflag:$0x1] =	stream.linear.gather [spmem:s31], $0x80, $0x38;
	[tilespmem:$0x14500] =	vst v63  }
0x162: {  	s31 =	sld [smem:$0x7B5];
	_ =	sdelay $0x1  }
0x163: {  	s28 =	simm.s32 $0xBA80  }
0x164: {  	[tilespmem:s28], [sflag:$0x1] =	stream.linear.gather [spmem:s31], $0x80, $0x38;
	[tilespmem:$0x14500] =	vst v63  }
0x165: {  	s31 =	sld [smem:$0x7B6];
	_ =	sdelay $0x1  }
0x166: {  	s28 =	simm.s32 $0xBE80  }
0x167: {  	[tilespmem:s28], [sflag:$0x1] =	stream.linear.gather [spmem:s31], $0x80, $0x38;
	[tilespmem:$0x14500] =	vst v63  }
0x168: {  	s31 =	sld [smem:$0x7B7];
	_ =	sdelay $0x1  }
0x169: {  	s28 =	simm.s32 $0xC280  }
0x16a: {  	[tilespmem:s28], [sflag:$0x1] =	stream.linear.gather [spmem:s31], $0x80, $0x38;
	[tilespmem:$0x14500] =	vst v63  }
0x16b: {  	s31 =	sld [smem:$0x7B8];
	_ =	sdelay $0x1  }
0x16c: {  	s28 =	simm.s32 $0xC680  }
0x16d: {  	[tilespmem:s28], [sflag:$0x1] =	stream.linear.gather [spmem:s31], $0x80, $0x38;
	[tilespmem:$0x14500] =	vst v63  }
0x16e: {  	_ =	swait.ge [sflag:s23], $0x500  }
0x16f: {  	[sflag:s23] =	ssyncset.done $0x0  }
0x170: {  	s28 =	simm.s32 $0xA300;
	s31 =	rddreg [dreg:$0xb];
	[sflag:s23] =	ssyncadd.s32 $0xFFFFFB00  }
0x171: {  	[tilespmem:s28], [sflag:$0x1] =	stream.linear.gather [spmem:s31], $0x80, $0x38;
	[tilespmem:$0x14500] =	vst v63  }
0x172: {  	s31 =	sld [smem:$0x7B9];
	_ =	sdelay $0x1  }
0x173: {  	s28 =	simm.s32 $0xA700  }
0x174: {  	[tilespmem:s28], [sflag:$0x1] =	stream.linear.gather [spmem:s31], $0x80, $0x38;
	[tilespmem:$0x14500] =	vst v63  }
0x175: {  	s31 =	sld [smem:$0x7BA];
	_ =	sdelay $0x1  }
0x176: {  	s28 =	simm.s32 $0xAB00  }
0x177: {  	[tilespmem:s28], [sflag:$0x1] =	stream.linear.gather [spmem:s31], $0x80, $0x38;
	[tilespmem:$0x14500] =	vst v63  }
0x178: {  	s31 =	sld [smem:$0x7BB];
	_ =	sdelay $0x1  }
0x179: {  	s28 =	simm.s32 $0xAF00  }
0x17a: {  	[tilespmem:s28], [sflag:$0x1] =	stream.linear.gather [spmem:s31], $0x80, $0x38;
	[tilespmem:$0x14500] =	vst v63  }
0x17b: {  	s31 =	sld [smem:$0x7BC];
	_ =	sdelay $0x1  }
0x17c: {  	s28 =	simm.s32 $0xB300  }
0x17d: {  	[tilespmem:s28], [sflag:$0x1] =	stream.linear.gather [spmem:s31], $0x80, $0x38;
	[tilespmem:$0x14500] =	vst v63  }
0x17e: {  	s31 =	sld [smem:$0x7BD];
	_ =	sdelay $0x1  }
0x17f: {  	s28 =	simm.s32 $0xB700  }
0x180: {  	[tilespmem:s28], [sflag:$0x1] =	stream.linear.gather [spmem:s31], $0x80, $0x38;
	[tilespmem:$0x14500] =	vst v63  }
0x181: {  	s31 =	sld [smem:$0x7BE];
	_ =	sdelay $0x1  }
0x182: {  	s28 =	simm.s32 $0xBB00  }
0x183: {  	[tilespmem:s28], [sflag:$0x1] =	stream.linear.gather [spmem:s31], $0x80, $0x38;
	[tilespmem:$0x14500] =	vst v63  }
0x184: {  	s31 =	sld [smem:$0x7BF];
	_ =	sdelay $0x1  }
0x185: {  	s28 =	simm.s32 $0xBF00  }
0x186: {  	[tilespmem:s28], [sflag:$0x1] =	stream.linear.gather [spmem:s31], $0x80, $0x38;
	[tilespmem:$0x14500] =	vst v63  }
0x187: {  	s31 =	sld [smem:$0x7C0];
	_ =	sdelay $0x1  }
0x188: {  	s28 =	simm.s32 $0xC300  }
0x189: {  	[tilespmem:s28], [sflag:$0x1] =	stream.linear.gather [spmem:s31], $0x80, $0x38;
	[tilespmem:$0x14500] =	vst v63  }
0x18a: {  	s31 =	sld [smem:$0x7C1];
	_ =	sdelay $0x1  }
0x18b: {  	s28 =	simm.s32 $0xC700  }
0x18c: {  	[tilespmem:s28], [sflag:$0x1] =	stream.linear.gather [spmem:s31], $0x80, $0x38;
	[tilespmem:$0x14500] =	vst v63  }
0x18d: {  	_ =	swait.ge [sflag:s23], $0x500  }
0x18e: {  	[sflag:s23] =	ssyncset.done $0x0  }
0x18f: {  	s28 =	simm.s32 $0xA380;
	s31 =	rddreg [dreg:$0xc];
	[sflag:s23] =	ssyncadd.s32 $0xFFFFFB00  }
0x190: {  	[tilespmem:s28], [sflag:$0x1] =	stream.linear.gather [spmem:s31], $0x80, $0x38;
	[tilespmem:$0x14500] =	vst v63  }
0x191: {  	s31 =	sld [smem:$0x7C2];
	_ =	sdelay $0x1  }
0x192: {  	s28 =	simm.s32 $0xA780  }
0x193: {  	[tilespmem:s28], [sflag:$0x1] =	stream.linear.gather [spmem:s31], $0x80, $0x38;
	[tilespmem:$0x14500] =	vst v63  }
0x194: {  	s31 =	sld [smem:$0x7C3];
	_ =	sdelay $0x1  }
0x195: {  	s28 =	simm.s32 $0xAB80  }
0x196: {  	[tilespmem:s28], [sflag:$0x1] =	stream.linear.gather [spmem:s31], $0x80, $0x38;
	[tilespmem:$0x14500] =	vst v63  }
0x197: {  	s31 =	sld [smem:$0x7C4];
	_ =	sdelay $0x1  }
0x198: {  	s28 =	simm.s32 $0xAF80  }
0x199: {  	[tilespmem:s28], [sflag:$0x1] =	stream.linear.gather [spmem:s31], $0x80, $0x38;
	[tilespmem:$0x14500] =	vst v63  }
0x19a: {  	s31 =	sld [smem:$0x7C5];
	_ =	sdelay $0x1  }
0x19b: {  	s28 =	simm.s32 $0xB380  }
0x19c: {  	[tilespmem:s28], [sflag:$0x1] =	stream.linear.gather [spmem:s31], $0x80, $0x38;
	[tilespmem:$0x14500] =	vst v63  }
0x19d: {  	s31 =	sld [smem:$0x7C6];
	_ =	sdelay $0x1  }
0x19e: {  	s28 =	simm.s32 $0xB780  }
0x19f: {  	[tilespmem:s28], [sflag:$0x1] =	stream.linear.gather [spmem:s31], $0x80, $0x38;
	[tilespmem:$0x14500] =	vst v63  }
0x1a0: {  	s31 =	sld [smem:$0x7C7];
	_ =	sdelay $0x1  }
0x1a1: {  	s28 =	simm.s32 $0xBB80  }
0x1a2: {  	[tilespmem:s28], [sflag:$0x1] =	stream.linear.gather [spmem:s31], $0x80, $0x38;
	[tilespmem:$0x14500] =	vst v63  }
0x1a3: {  	s31 =	sld [smem:$0x7C8];
	_ =	sdelay $0x1  }
0x1a4: {  	s28 =	simm.s32 $0xBF80  }
0x1a5: {  	[tilespmem:s28], [sflag:$0x1] =	stream.linear.gather [spmem:s31], $0x80, $0x38;
	[tilespmem:$0x14500] =	vst v63  }
0x1a6: {  	s31 =	sld [smem:$0x7C9];
	_ =	sdelay $0x1  }
0x1a7: {  	s28 =	simm.s32 $0xC380  }
0x1a8: {  	[tilespmem:s28], [sflag:$0x1] =	stream.linear.gather [spmem:s31], $0x80, $0x38;
	[tilespmem:$0x14500] =	vst v63  }
0x1a9: {  	s31 =	sld [smem:$0x7CA];
	_ =	sdelay $0x1  }
0x1aa: {  	s28 =	simm.s32 $0xC780  }
0x1ab: {  	[tilespmem:s28], [sflag:$0x1] =	stream.linear.gather [spmem:s31], $0x80, $0x38;
	[tilespmem:$0x14500] =	vst v63  }
0x1ac: {  	_ =	swait.ge [sflag:s23], $0x500  }
0x1ad: {  	[sflag:s23] =	ssyncset.done $0x0  }
0x1ae: {  	s28 =	simm.s32 $0xC800;
	s31 =	rddreg [dreg:$0xd];
	[sflag:s23] =	ssyncadd.s32 $0xFFFFFB00  }
0x1af: {  	[tilespmem:s28], [sflag:$0x1] =	stream.linear.gather [spmem:s31], $0x80, $0x38;
	[tilespmem:$0x14500] =	vst v63  }
0x1b0: {  	s31 =	sld [smem:$0x7CB];
	_ =	sdelay $0x1  }
0x1b1: {  	s28 =	simm.s32 $0xCC00  }
0x1b2: {  	[tilespmem:s28], [sflag:$0x1] =	stream.linear.gather [spmem:s31], $0x80, $0x38;
	[tilespmem:$0x14500] =	vst v63  }
0x1b3: {  	s31 =	sld [smem:$0x7CC];
	_ =	sdelay $0x1  }
0x1b4: {  	s28 =	simm.s32 $0xD000  }
0x1b5: {  	[tilespmem:s28], [sflag:$0x1] =	stream.linear.gather [spmem:s31], $0x80, $0x38;
	[tilespmem:$0x14500] =	vst v63  }
0x1b6: {  	s31 =	sld [smem:$0x7CD];
	_ =	sdelay $0x1  }
0x1b7: {  	s28 =	simm.s32 $0xD400  }
0x1b8: {  	[tilespmem:s28], [sflag:$0x1] =	stream.linear.gather [spmem:s31], $0x80, $0x38;
	[tilespmem:$0x14500] =	vst v63  }
0x1b9: {  	s31 =	sld [smem:$0x7CE];
	_ =	sdelay $0x1  }
0x1ba: {  	s28 =	simm.s32 $0xD800  }
0x1bb: {  	[tilespmem:s28], [sflag:$0x1] =	stream.linear.gather [spmem:s31], $0x80, $0x38;
	[tilespmem:$0x14500] =	vst v63  }
0x1bc: {  	s31 =	sld [smem:$0x7CF];
	_ =	sdelay $0x1  }
0x1bd: {  	s28 =	simm.s32 $0xDC00  }
0x1be: {  	[tilespmem:s28], [sflag:$0x1] =	stream.linear.gather [spmem:s31], $0x80, $0x38;
	[tilespmem:$0x14500] =	vst v63  }
0x1bf: {  	s31 =	sld [smem:$0x7D0];
	_ =	sdelay $0x1  }
0x1c0: {  	s28 =	simm.s32 $0xE000  }
0x1c1: {  	[tilespmem:s28], [sflag:$0x1] =	stream.linear.gather [spmem:s31], $0x80, $0x38;
	[tilespmem:$0x14500] =	vst v63  }
0x1c2: {  	s31 =	sld [smem:$0x7D1];
	_ =	sdelay $0x1  }
0x1c3: {  	s28 =	simm.s32 $0xE400  }
0x1c4: {  	[tilespmem:s28], [sflag:$0x1] =	stream.linear.gather [spmem:s31], $0x80, $0x38;
	[tilespmem:$0x14500] =	vst v63  }
0x1c5: {  	s31 =	sld [smem:$0x7D2];
	_ =	sdelay $0x1  }
0x1c6: {  	s28 =	simm.s32 $0xE800  }
0x1c7: {  	[tilespmem:s28], [sflag:$0x1] =	stream.linear.gather [spmem:s31], $0x80, $0x38;
	[tilespmem:$0x14500] =	vst v63  }
0x1c8: {  	s31 =	sld [smem:$0x7D3];
	_ =	sdelay $0x1  }
0x1c9: {  	s28 =	simm.s32 $0xEC00  }
0x1ca: {  	[tilespmem:s28], [sflag:$0x1] =	stream.linear.gather [spmem:s31], $0x80, $0x38;
	[tilespmem:$0x14500] =	vst v63  }
0x1cb: {  	_ =	swait.ge [sflag:s23], $0x500  }
0x1cc: {  	[sflag:s23] =	ssyncset.done $0x0  }
0x1cd: {  	s28 =	simm.s32 $0xC880;
	s31 =	rddreg [dreg:$0xe];
	[sflag:s23] =	ssyncadd.s32 $0xFFFFFB00  }
0x1ce: {  	[tilespmem:s28], [sflag:$0x1] =	stream.linear.gather [spmem:s31], $0x80, $0x38;
	[tilespmem:$0x14500] =	vst v63  }
0x1cf: {  	s31 =	sld [smem:$0x7D4];
	_ =	sdelay $0x1  }
0x1d0: {  	s28 =	simm.s32 $0xCC80  }
0x1d1: {  	[tilespmem:s28], [sflag:$0x1] =	stream.linear.gather [spmem:s31], $0x80, $0x38;
	[tilespmem:$0x14500] =	vst v63  }
0x1d2: {  	s31 =	sld [smem:$0x7D5];
	_ =	sdelay $0x1  }
0x1d3: {  	s28 =	simm.s32 $0xD080  }
0x1d4: {  	[tilespmem:s28], [sflag:$0x1] =	stream.linear.gather [spmem:s31], $0x80, $0x38;
	[tilespmem:$0x14500] =	vst v63  }
0x1d5: {  	s31 =	sld [smem:$0x7D6];
	_ =	sdelay $0x1  }
0x1d6: {  	s28 =	simm.s32 $0xD480  }
0x1d7: {  	[tilespmem:s28], [sflag:$0x1] =	stream.linear.gather [spmem:s31], $0x80, $0x38;
	[tilespmem:$0x14500] =	vst v63  }
0x1d8: {  	s31 =	sld [smem:$0x7D7];
	_ =	sdelay $0x1  }
0x1d9: {  	s28 =	simm.s32 $0xD880  }
0x1da: {  	[tilespmem:s28], [sflag:$0x1] =	stream.linear.gather [spmem:s31], $0x80, $0x38;
	[tilespmem:$0x14500] =	vst v63  }
0x1db: {  	s31 =	sld [smem:$0x7D8];
	_ =	sdelay $0x1  }
0x1dc: {  	s28 =	simm.s32 $0xDC80  }
0x1dd: {  	[tilespmem:s28], [sflag:$0x1] =	stream.linear.gather [spmem:s31], $0x80, $0x38;
	[tilespmem:$0x14500] =	vst v63  }
0x1de: {  	s31 =	sld [smem:$0x7D9];
	_ =	sdelay $0x1  }
0x1df: {  	s28 =	simm.s32 $0xE080  }
0x1e0: {  	[tilespmem:s28], [sflag:$0x1] =	stream.linear.gather [spmem:s31], $0x80, $0x38;
	[tilespmem:$0x14500] =	vst v63  }
0x1e1: {  	s31 =	sld [smem:$0x7DA];
	_ =	sdelay $0x1  }
0x1e2: {  	s28 =	simm.s32 $0xE480  }
0x1e3: {  	[tilespmem:s28], [sflag:$0x1] =	stream.linear.gather [spmem:s31], $0x80, $0x38;
	[tilespmem:$0x14500] =	vst v63  }
0x1e4: {  	s31 =	sld [smem:$0x7DB];
	_ =	sdelay $0x1  }
0x1e5: {  	s28 =	simm.s32 $0xE880  }
0x1e6: {  	[tilespmem:s28], [sflag:$0x1] =	stream.linear.gather [spmem:s31], $0x80, $0x38;
	[tilespmem:$0x14500] =	vst v63  }
0x1e7: {  	s31 =	sld [smem:$0x7DC];
	_ =	sdelay $0x1  }
0x1e8: {  	s28 =	simm.s32 $0xEC80  }
0x1e9: {  	[tilespmem:s28], [sflag:$0x1] =	stream.linear.gather [spmem:s31], $0x80, $0x38;
	[tilespmem:$0x14500] =	vst v63  }
0x1ea: {  	_ =	swait.ge [sflag:s23], $0x500  }
0x1eb: {  	[sflag:s23] =	ssyncset.done $0x0  }
0x1ec: {  	s28 =	simm.s32 $0xC900;
	s31 =	rddreg [dreg:$0xf];
	[sflag:s23] =	ssyncadd.s32 $0xFFFFFB00  }
0x1ed: {  	[tilespmem:s28], [sflag:$0x1] =	stream.linear.gather [spmem:s31], $0x80, $0x38;
	[tilespmem:$0x14500] =	vst v63  }
0x1ee: {  	s31 =	sld [smem:$0x7DD];
	_ =	sdelay $0x1  }
0x1ef: {  	s28 =	simm.s32 $0xCD00  }
0x1f0: {  	[tilespmem:s28], [sflag:$0x1] =	stream.linear.gather [spmem:s31], $0x80, $0x38;
	[tilespmem:$0x14500] =	vst v63  }
0x1f1: {  	s31 =	sld [smem:$0x7DE];
	_ =	sdelay $0x1  }
0x1f2: {  	s28 =	simm.s32 $0xD100  }
0x1f3: {  	[tilespmem:s28], [sflag:$0x1] =	stream.linear.gather [spmem:s31], $0x80, $0x38;
	[tilespmem:$0x14500] =	vst v63  }
0x1f4: {  	s31 =	sld [smem:$0x7DF];
	_ =	sdelay $0x1  }
0x1f5: {  	s28 =	simm.s32 $0xD500  }
0x1f6: {  	[tilespmem:s28], [sflag:$0x1] =	stream.linear.gather [spmem:s31], $0x80, $0x38;
	[tilespmem:$0x14500] =	vst v63  }
0x1f7: {  	s31 =	sld [smem:$0x7E0];
	_ =	sdelay $0x1  }
0x1f8: {  	s28 =	simm.s32 $0xD900  }
0x1f9: {  	[tilespmem:s28], [sflag:$0x1] =	stream.linear.gather [spmem:s31], $0x80, $0x38;
	[tilespmem:$0x14500] =	vst v63  }
0x1fa: {  	s31 =	sld [smem:$0x7E1];
	_ =	sdelay $0x1  }
0x1fb: {  	s28 =	simm.s32 $0xDD00  }
0x1fc: {  	[tilespmem:s28], [sflag:$0x1] =	stream.linear.gather [spmem:s31], $0x80, $0x38;
	[tilespmem:$0x14500] =	vst v63  }
0x1fd: {  	s31 =	sld [smem:$0x7E2];
	_ =	sdelay $0x1  }
0x1fe: {  	s28 =	simm.s32 $0xE100  }
0x1ff: {  	[tilespmem:s28], [sflag:$0x1] =	stream.linear.gather [spmem:s31], $0x80, $0x38;
	[tilespmem:$0x14500] =	vst v63  }
0x200: {  	s31 =	sld [smem:$0x7E3];
	_ =	sdelay $0x1  }
0x201: {  	s28 =	simm.s32 $0xE500  }
0x202: {  	[tilespmem:s28], [sflag:$0x1] =	stream.linear.gather [spmem:s31], $0x80, $0x38;
	[tilespmem:$0x14500] =	vst v63  }
0x203: {  	s31 =	sld [smem:$0x7E4];
	_ =	sdelay $0x1  }
0x204: {  	s28 =	simm.s32 $0xE900  }
0x205: {  	[tilespmem:s28], [sflag:$0x1] =	stream.linear.gather [spmem:s31], $0x80, $0x38;
	[tilespmem:$0x14500] =	vst v63  }
0x206: {  	s31 =	sld [smem:$0x7E5];
	_ =	sdelay $0x1  }
0x207: {  	s28 =	simm.s32 $0xED00  }
0x208: {  	[tilespmem:s28], [sflag:$0x1] =	stream.linear.gather [spmem:s31], $0x80, $0x38;
	[tilespmem:$0x14500] =	vst v63  }
0x209: {  	_ =	swait.ge [sflag:s23], $0x500  }
0x20a: {  	[sflag:s23] =	ssyncset.done $0x0  }
0x20b: {  	s28 =	simm.s32 $0xC980;
	s31 =	rddreg [dreg:$0x10];
	[sflag:s23] =	ssyncadd.s32 $0xFFFFFB00  }
0x20c: {  	[tilespmem:s28], [sflag:$0x1] =	stream.linear.gather [spmem:s31], $0x80, $0x38;
	[tilespmem:$0x14500] =	vst v63  }
0x20d: {  	s31 =	sld [smem:$0x7E6];
	_ =	sdelay $0x1  }
0x20e: {  	s28 =	simm.s32 $0xCD80  }
0x20f: {  	[tilespmem:s28], [sflag:$0x1] =	stream.linear.gather [spmem:s31], $0x80, $0x38;
	[tilespmem:$0x14500] =	vst v63  }
0x210: {  	s31 =	sld [smem:$0x7E7];
	_ =	sdelay $0x1  }
0x211: {  	s28 =	simm.s32 $0xD180  }
0x212: {  	[tilespmem:s28], [sflag:$0x1] =	stream.linear.gather [spmem:s31], $0x80, $0x38;
	[tilespmem:$0x14500] =	vst v63  }
0x213: {  	s31 =	sld [smem:$0x7E8];
	_ =	sdelay $0x1  }
0x214: {  	s28 =	simm.s32 $0xD580  }
0x215: {  	[tilespmem:s28], [sflag:$0x1] =	stream.linear.gather [spmem:s31], $0x80, $0x38;
	[tilespmem:$0x14500] =	vst v63  }
0x216: {  	s31 =	sld [smem:$0x7E9];
	_ =	sdelay $0x1  }
0x217: {  	s28 =	simm.s32 $0xD980  }
0x218: {  	[tilespmem:s28], [sflag:$0x1] =	stream.linear.gather [spmem:s31], $0x80, $0x38;
	[tilespmem:$0x14500] =	vst v63  }
0x219: {  	s31 =	sld [smem:$0x7EA];
	_ =	sdelay $0x1  }
0x21a: {  	s28 =	simm.s32 $0xDD80  }
0x21b: {  	[tilespmem:s28], [sflag:$0x1] =	stream.linear.gather [spmem:s31], $0x80, $0x38;
	[tilespmem:$0x14500] =	vst v63  }
0x21c: {  	s31 =	sld [smem:$0x7EB];
	_ =	sdelay $0x1  }
0x21d: {  	s28 =	simm.s32 $0xE180  }
0x21e: {  	[tilespmem:s28], [sflag:$0x1] =	stream.linear.gather [spmem:s31], $0x80, $0x38;
	[tilespmem:$0x14500] =	vst v63  }
0x21f: {  	s31 =	sld [smem:$0x7EC];
	_ =	sdelay $0x1  }
0x220: {  	s28 =	simm.s32 $0xE580  }
0x221: {  	[tilespmem:s28], [sflag:$0x1] =	stream.linear.gather [spmem:s31], $0x80, $0x38;
	[tilespmem:$0x14500] =	vst v63  }
0x222: {  	s31 =	sld [smem:$0x7ED];
	_ =	sdelay $0x1  }
0x223: {  	s28 =	simm.s32 $0xE980  }
0x224: {  	[tilespmem:s28], [sflag:$0x1] =	stream.linear.gather [spmem:s31], $0x80, $0x38;
	[tilespmem:$0x14500] =	vst v63  }
0x225: {  	s31 =	sld [smem:$0x7EE];
	_ =	sdelay $0x1  }
0x226: {  	s28 =	simm.s32 $0xED80  }
0x227: {  	[tilespmem:s28], [sflag:$0x1] =	stream.linear.gather [spmem:s31], $0x80, $0x38;
	[tilespmem:$0x14500] =	vst v63  }
0x228: {  	_ =	swait.ge [sflag:s23], $0x500  }
0x229: {  	[sflag:s23] =	ssyncset.done $0x0  }
0x22a: {  	s28 =	simm.s32 $0xCA00;
	s31 =	rddreg [dreg:$0x11];
	[sflag:s23] =	ssyncadd.s32 $0xFFFFFB00  }
0x22b: {  	[tilespmem:s28], [sflag:$0x1] =	stream.linear.gather [spmem:s31], $0x80, $0x38;
	[tilespmem:$0x14500] =	vst v63  }
0x22c: {  	s31 =	sld [smem:$0x7EF];
	_ =	sdelay $0x1  }
0x22d: {  	s28 =	simm.s32 $0xCE00  }
0x22e: {  	[tilespmem:s28], [sflag:$0x1] =	stream.linear.gather [spmem:s31], $0x80, $0x38;
	[tilespmem:$0x14500] =	vst v63  }
0x22f: {  	s31 =	sld [smem:$0x7F0];
	_ =	sdelay $0x1  }
0x230: {  	s28 =	simm.s32 $0xD200  }
0x231: {  	[tilespmem:s28], [sflag:$0x1] =	stream.linear.gather [spmem:s31], $0x80, $0x38;
	[tilespmem:$0x14500] =	vst v63  }
0x232: {  	s31 =	sld [smem:$0x7F1];
	_ =	sdelay $0x1  }
0x233: {  	s28 =	simm.s32 $0xD600  }
0x234: {  	[tilespmem:s28], [sflag:$0x1] =	stream.linear.gather [spmem:s31], $0x80, $0x38;
	[tilespmem:$0x14500] =	vst v63  }
0x235: {  	s31 =	sld [smem:$0x7F2];
	_ =	sdelay $0x1  }
0x236: {  	s28 =	simm.s32 $0xDA00  }
0x237: {  	[tilespmem:s28], [sflag:$0x1] =	stream.linear.gather [spmem:s31], $0x80, $0x38;
	[tilespmem:$0x14500] =	vst v63  }
0x238: {  	s31 =	sld [smem:$0x7F3];
	_ =	sdelay $0x1  }
0x239: {  	s28 =	simm.s32 $0xDE00  }
0x23a: {  	[tilespmem:s28], [sflag:$0x1] =	stream.linear.gather [spmem:s31], $0x80, $0x38;
	[tilespmem:$0x14500] =	vst v63  }
0x23b: {  	s31 =	sld [smem:$0x7F4];
	_ =	sdelay $0x1  }
0x23c: {  	s28 =	simm.s32 $0xE200  }
0x23d: {  	[tilespmem:s28], [sflag:$0x1] =	stream.linear.gather [spmem:s31], $0x80, $0x38;
	[tilespmem:$0x14500] =	vst v63  }
0x23e: {  	s31 =	sld [smem:$0x7F5];
	_ =	sdelay $0x1  }
0x23f: {  	s28 =	simm.s32 $0xE600  }
0x240: {  	[tilespmem:s28], [sflag:$0x1] =	stream.linear.gather [spmem:s31], $0x80, $0x38;
	[tilespmem:$0x14500] =	vst v63  }
0x241: {  	s31 =	sld [smem:$0x7F6];
	_ =	sdelay $0x1  }
0x242: {  	s28 =	simm.s32 $0xEA00  }
0x243: {  	[tilespmem:s28], [sflag:$0x1] =	stream.linear.gather [spmem:s31], $0x80, $0x38;
	[tilespmem:$0x14500] =	vst v63  }
0x244: {  	s31 =	sld [smem:$0x7F7];
	_ =	sdelay $0x1  }
0x245: {  	s28 =	simm.s32 $0xEE00  }
0x246: {  	[tilespmem:s28], [sflag:$0x1] =	stream.linear.gather [spmem:s31], $0x80, $0x38;
	[tilespmem:$0x14500] =	vst v63  }
0x247: {  	_ =	swait.ge [sflag:s23], $0x500  }
0x248: {  	[sflag:s23] =	ssyncset.done $0x0  }
0x249: {  	s28 =	simm.s32 $0xCA80;
	s31 =	rddreg [dreg:$0x12];
	[sflag:s23] =	ssyncadd.s32 $0xFFFFFB00  }
0x24a: {  	[tilespmem:s28], [sflag:$0x1] =	stream.linear.gather [spmem:s31], $0x80, $0x38;
	[tilespmem:$0x14500] =	vst v63  }
0x24b: {  	s31 =	sld [smem:$0x7F8];
	_ =	sdelay $0x1  }
0x24c: {  	s28 =	simm.s32 $0xCE80  }
0x24d: {  	[tilespmem:s28], [sflag:$0x1] =	stream.linear.gather [spmem:s31], $0x80, $0x38;
	[tilespmem:$0x14500] =	vst v63  }
0x24e: {  	s31 =	sld [smem:$0x7F9];
	_ =	sdelay $0x1  }
0x24f: {  	s28 =	simm.s32 $0xD280  }
0x250: {  	[tilespmem:s28], [sflag:$0x1] =	stream.linear.gather [spmem:s31], $0x80, $0x38;
	[tilespmem:$0x14500] =	vst v63  }
0x251: {  	s31 =	sld [smem:$0x7FA];
	_ =	sdelay $0x1  }
0x252: {  	s28 =	simm.s32 $0xD680  }
0x253: {  	[tilespmem:s28], [sflag:$0x1] =	stream.linear.gather [spmem:s31], $0x80, $0x38;
	[tilespmem:$0x14500] =	vst v63  }
0x254: {  	s31 =	sld [smem:$0x7FB];
	_ =	sdelay $0x1  }
0x255: {  	s28 =	simm.s32 $0xDA80  }
0x256: {  	[tilespmem:s28], [sflag:$0x1] =	stream.linear.gather [spmem:s31], $0x80, $0x38;
	[tilespmem:$0x14500] =	vst v63  }
0x257: {  	s31 =	sld [smem:$0x7FC];
	_ =	sdelay $0x1  }
0x258: {  	s28 =	simm.s32 $0xDE80  }
0x259: {  	[tilespmem:s28], [sflag:$0x1] =	stream.linear.gather [spmem:s31], $0x80, $0x38;
	[tilespmem:$0x14500] =	vst v63  }
0x25a: {  	s31 =	sld [smem:$0x7FD];
	_ =	sdelay $0x1  }
0x25b: {  	s28 =	simm.s32 $0xE280  }
0x25c: {  	[tilespmem:s28], [sflag:$0x1] =	stream.linear.gather [spmem:s31], $0x80, $0x38;
	[tilespmem:$0x14500] =	vst v63  }
0x25d: {  	s31 =	simm.s32 $0xE680  }
0x25e: {  	[tilespmem:s31], [sflag:$0x1] =	stream.linear.gather [spmem:s0], $0x80, $0x38;
	[tilespmem:$0x14500] =	vst v63  }
0x25f: {  	s31 =	simm.s32 $0xEA80  }
0x260: {  	[tilespmem:s31], [sflag:$0x1] =	stream.linear.gather [spmem:s1], $0x80, $0x38;
	[tilespmem:$0x14500] =	vst v63  }
0x261: {  	s31 =	simm.s32 $0xEE80  }
0x262: {  	[tilespmem:s31], [sflag:$0x1] =	stream.linear.gather [spmem:s3], $0x80, $0x38;
	[tilespmem:$0x14500] =	vst v63  }
0x263: {  	_ =	swait.ge [sflag:s23], $0x500  }
0x264: {  	[sflag:s23] =	ssyncset.done $0x0  }
0x265: {  	s28 =	simm.s32 $0xCB00;
	s31 =	rddreg [dreg:$0x13];
	[sflag:s23] =	ssyncadd.s32 $0xFFFFFB00  }
0x266: {  	[tilespmem:s28], [sflag:$0x1] =	stream.linear.gather [spmem:s31], $0x80, $0x38;
	[tilespmem:$0x14500] =	vst v63  }
0x267: {  	s31 =	simm.s32 $0xCF00  }
0x268: {  	[tilespmem:s31], [sflag:$0x1] =	stream.linear.gather [spmem:s5], $0x80, $0x38;
	[tilespmem:$0x14500] =	vst v63  }
0x269: {  	s31 =	simm.s32 $0xD300  }
0x26a: {  	[tilespmem:s31], [sflag:$0x1] =	stream.linear.gather [spmem:s6], $0x80, $0x38;
	[tilespmem:$0x14500] =	vst v63  }
0x26b: {  	s31 =	simm.s32 $0xD700  }
0x26c: {  	[tilespmem:s31], [sflag:$0x1] =	stream.linear.gather [spmem:s7], $0x80, $0x38;
	[tilespmem:$0x14500] =	vst v63  }
0x26d: {  	s31 =	simm.s32 $0xDB00  }
0x26e: {  	[tilespmem:s31], [sflag:$0x1] =	stream.linear.gather [spmem:s8], $0x80, $0x38;
	[tilespmem:$0x14500] =	vst v63  }
0x26f: {  	s31 =	simm.s32 $0xDF00  }
0x270: {  	[tilespmem:s31], [sflag:$0x1] =	stream.linear.gather [spmem:s9], $0x80, $0x38;
	[tilespmem:$0x14500] =	vst v63  }
0x271: {  	s31 =	simm.s32 $0xE300  }
0x272: {  	[tilespmem:s31], [sflag:$0x1] =	stream.linear.gather [spmem:s10], $0x80, $0x38;
	[tilespmem:$0x14500] =	vst v63  }
0x273: {  	s31 =	simm.s32 $0xE700  }
0x274: {  	[tilespmem:s31], [sflag:$0x1] =	stream.linear.gather [spmem:s11], $0x80, $0x38;
	[tilespmem:$0x14500] =	vst v63  }
0x275: {  	s31 =	simm.s32 $0xEB00  }
0x276: {  	[tilespmem:s31], [sflag:$0x1] =	stream.linear.gather [spmem:s12], $0x80, $0x38;
	[tilespmem:$0x14500] =	vst v63  }
0x277: {  	s31 =	simm.s32 $0xEF00  }
0x278: {  	[tilespmem:s31], [sflag:$0x1] =	stream.linear.gather [spmem:s13], $0x80, $0x38;
	[tilespmem:$0x14500] =	vst v63  }
0x279: {  	_ =	swait.ge [sflag:s23], $0x500  }
0x27a: {  	[sflag:s23] =	ssyncset.done $0x0  }
0x27b: {  	s28 =	simm.s32 $0xCB80;
	s31 =	rddreg [dreg:$0x14];
	[sflag:s23] =	ssyncadd.s32 $0xFFFFFB00  }
0x27c: {  	[tilespmem:s28], [sflag:$0x1] =	stream.linear.gather [spmem:s31], $0x80, $0x38;
	[tilespmem:$0x14500] =	vst v63  }
0x27d: {  	s31 =	simm.s32 $0xCF80  }
0x27e: {  	[tilespmem:s31], [sflag:$0x1] =	stream.linear.gather [spmem:s14], $0x80, $0x38;
	[tilespmem:$0x14500] =	vst v63  }
0x27f: {  	s31 =	simm.s32 $0xD380  }
0x280: {  	[tilespmem:s31], [sflag:$0x1] =	stream.linear.gather [spmem:s15], $0x80, $0x38;
	[tilespmem:$0x14500] =	vst v63  }
0x281: {  	s31 =	simm.s32 $0xD780  }
0x282: {  	[tilespmem:s31], [sflag:$0x1] =	stream.linear.gather [spmem:s16], $0x80, $0x38;
	[tilespmem:$0x14500] =	vst v63  }
0x283: {  	s31 =	simm.s32 $0xDB80  }
0x284: {  	[tilespmem:s31], [sflag:$0x1] =	stream.linear.gather [spmem:s17], $0x80, $0x38;
	[tilespmem:$0x14500] =	vst v63  }
0x285: {  	s31 =	simm.s32 $0xDF80  }
0x286: {  	[tilespmem:s31], [sflag:$0x1] =	stream.linear.gather [spmem:s18], $0x80, $0x38;
	[tilespmem:$0x14500] =	vst v63  }
0x287: {  	s31 =	simm.s32 $0xE380  }
0x288: {  	[tilespmem:s31], [sflag:$0x1] =	stream.linear.gather [spmem:s19], $0x80, $0x38;
	[tilespmem:$0x14500] =	vst v63  }
0x289: {  	s31 =	simm.s32 $0xE780  }
0x28a: {  	[tilespmem:s31], [sflag:$0x1] =	stream.linear.gather [spmem:s20], $0x80, $0x38;
	[tilespmem:$0x14500] =	vst v63  }
0x28b: {  	s31 =	simm.s32 $0xEB80  }
0x28c: {  	[tilespmem:s31], [sflag:$0x1] =	stream.linear.gather [spmem:s21], $0x80, $0x38;
	[tilespmem:$0x14500] =	vst v63  }
0x28d: {  	s31 =	simm.s32 $0xEF80  }
0x28e: {  	[tilespmem:s31], [sflag:$0x1] =	stream.linear.gather [spmem:s22], $0x80, $0x38;
	[tilespmem:$0x14500] =	vst v63  }
0x28f: {  	s31 =	simm.s32 $0x0;
	_ =	swait.ge [sflag:s23], $0x500  }
0x290: {  	s28 =	sand.u32 $0x70, s31;
	s26 =	sand.u32 $0x3C00, s31;
	[sflag:s23] =	ssyncset.done $0x0  }
0x291: {  	s26 =	sor.u32 s28, s26;
	[sflag:s23] =	ssyncadd.s32 $0xFFFFFB00  }
0x292: {  	v2 =	vld [tilespmem:s26+$0xA080]  }
0x293: {  	v3 =	vld [tilespmem:s26+$0xA000]  }
0x294: {  	v4 =	vld [tilespmem:s26+$0xA100]  }
0x295: {  	v5 =	vld [tilespmem:s26+$0xA180]  }
0x296: {  	v6 =	vld [tilespmem:s26+$0xA200]  }
0x297: {  	v7 =	vld [tilespmem:s26+$0xA280]  }
0x298: {  	v2 =	vadd.s32 v3, v2;
	v3 =	vld [tilespmem:s26+$0xA300]  }
0x299: {  	v56 =	vld [tilespmem:s26+$0xA380];
	v2 =	vadd.s32 v4, v2  }
0x29a: {  	v57 =	vld [tilespmem:s26+$0xC800];
	v2 =	vadd.s32 v5, v2  }
0x29b: {  	v58 =	vld [tilespmem:s26+$0xC880];
	v2 =	vadd.s32 v6, v2  }
0x29c: {  	v59 =	vld [tilespmem:s26+$0xC900];
	v2 =	vadd.s32 v7, v2  }
0x29d: {  	v2 =	vadd.s32 v3, v2;
	v3 =	vld [tilespmem:s26+$0xC980]  }
0x29e: {  	v60 =	vld [tilespmem:s26+$0xCA00];
	v2 =	vadd.s32 v56, v2  }
0x29f: {  	v61 =	vld [tilespmem:s26+$0xCA80];
	v2 =	vadd.s32 v57, v2  }
0x2a0: {  	v62 =	vld [tilespmem:s26+$0xCB00];
	v2 =	vadd.s32 v58, v2  }
0x2a1: {  	v63 =	vld [tilespmem:s26+$0xCB80];
	v2 =	vadd.s32 v59, v2  }
0x2a2: {  	v2 =	vadd.s32 v3, v2  }
0x2a3: {  	v2 =	vadd.s32 v60, v2  }
0x2a4: {  	v2 =	vadd.s32 v61, v2  }
0x2a5: {  	s29 =	simm.s32 $0x80;
	s28 =	simm.s32 $0x10;
	v2 =	vadd.s32 v62, v2  }
0x2a6: {  	s30 =	sand.u32 $0x3C00, s29;
	s28 =	sand.u32 $0x70, s28;
	s26 =	simm.s32 $0xF000;
	v2 =	vadd.s32 v63, v2  }
0x2a7: {  	s28 =	sor.u32 s28, s30;
	s30 =	simm.s32 $0x20;
	[tilespmem:s26+$0x0] =	vst v2  }
.LBB2_6:
0x2a8: {  	p0 =	sne.s32 s30, $0x4F0;
	v2 =	vld [tilespmem:s28+$0xA080]  }
0x2a9: {  	v3 =	vld [tilespmem:s28+$0xA000]  }
0x2aa: {  	v4 =	vld [tilespmem:s28+$0xA100]  }
0x2ab: {  	v5 =	vld [tilespmem:s28+$0xA180]  }
0x2ac: {  	v6 =	vld [tilespmem:s28+$0xA200]  }
0x2ad: {  	v7 =	vld [tilespmem:s28+$0xA280]  }
0x2ae: {  	v2 =	vadd.s32 v3, v2;
	v3 =	vld [tilespmem:s28+$0xA300]  }
0x2af: {  	v2 =	vadd.s32 v4, v2;
	v4 =	vld [tilespmem:s28+$0xA380]  }
0x2b0: {  	v2 =	vadd.s32 v5, v2;
	v5 =	vld [tilespmem:s28+$0xC800]  }
0x2b1: {  	v2 =	vadd.s32 v6, v2;
	v6 =	vld [tilespmem:s28+$0xC880]  }
0x2b2: {  	v2 =	vadd.s32 v7, v2;
	v7 =	vld [tilespmem:s28+$0xC900]  }
0x2b3: {  	v2 =	vadd.s32 v3, v2;
	v3 =	vld [tilespmem:s28+$0xC980]  }
0x2b4: {  	v2 =	vadd.s32 v4, v2;
	v4 =	vld [tilespmem:s28+$0xCA00]  }
0x2b5: {  	v2 =	vadd.s32 v5, v2;
	v5 =	vld [tilespmem:s28+$0xCA80]  }
0x2b6: {  	v2 =	vadd.s32 v6, v2;
	v6 =	vld [tilespmem:s28+$0xCB00]  }
0x2b7: {  	v2 =	vadd.s32 v7, v2;
	v7 =	vld [tilespmem:s28+$0xCB80]  }
0x2b8: {  	v2 =	vadd.s32 v3, v2  }
.Ltmp2:
0x2b9: {  	v2 =	vadd.s32 v4, v2;
	(pc) =	sbr.rel @p0 .LBB2_6-.Ltmp2, $4  }
0x2ba: {  	v2 =	vadd.s32 v5, v2  }
0x2bb: {  	s29 =	sadd.s32 $0x80, s29;
	v2 =	vadd.s32 v6, v2  }
0x2bc: {  	s26 =	sadd.s32 $0x10, s26;
	s31 =	sand.u32 $0x3C00, s29;
	s28 =	sand.u32 $0x70, s30;
	v2 =	vadd.s32 v7, v2  }
0x2bd: {  	s30 =	sadd.s32 $0x10, s30;
	s28 =	sor.u32 s28, s31;
	[tilespmem:s26+$0x0] =	vst v2  }
0x2be: {  	v2 =	vld [tilespmem:s28+$0xA080]  }
0x2bf: {  	v3 =	vld [tilespmem:s28+$0xA000]  }
0x2c0: {  	v4 =	vld [tilespmem:s28+$0xA100]  }
0x2c1: {  	v5 =	vld [tilespmem:s28+$0xA180]  }
0x2c2: {  	v6 =	vld [tilespmem:s28+$0xA200]  }
0x2c3: {  	v7 =	vld [tilespmem:s28+$0xA280]  }
0x2c4: {  	v2 =	vadd.s32 v3, v2;
	v3 =	vld [tilespmem:s28+$0xA300]  }
0x2c5: {  	v56 =	vld [tilespmem:s28+$0xA380];
	v2 =	vadd.s32 v4, v2  }
0x2c6: {  	v57 =	vld [tilespmem:s28+$0xC800];
	v2 =	vadd.s32 v5, v2  }
0x2c7: {  	v58 =	vld [tilespmem:s28+$0xC880];
	v2 =	vadd.s32 v6, v2  }
0x2c8: {  	v59 =	vld [tilespmem:s28+$0xC900];
	v2 =	vadd.s32 v7, v2  }
0x2c9: {  	v2 =	vadd.s32 v3, v2;
	v3 =	vld [tilespmem:s28+$0xC980]  }
0x2ca: {  	v60 =	vld [tilespmem:s28+$0xCA00];
	v2 =	vadd.s32 v56, v2  }
0x2cb: {  	v61 =	vld [tilespmem:s28+$0xCA80];
	v2 =	vadd.s32 v57, v2  }
0x2cc: {  	v62 =	vld [tilespmem:s28+$0xCB00];
	v2 =	vadd.s32 v58, v2  }
0x2cd: {  	v63 =	vld [tilespmem:s28+$0xCB80];
	v2 =	vadd.s32 v59, v2  }
0x2ce: {  	v2 =	vadd.s32 v3, v2  }
0x2cf: {  	v2 =	vadd.s32 v60, v2  }
0x2d0: {  	v2 =	vadd.s32 v61, v2  }
0x2d1: {  	v2 =	vadd.s32 v62, v2  }
0x2d2: {  	s26 =	sadd.s32 $0x10, s26;
	v2 =	vadd.s32 v63, v2  }
0x2d3: {  	s31 =	rddreg [dreg:$0x15];
	s30 =	simm.s32 $0x100;
	s29 =	simm.s32 $0xF000;
	[tilespmem:s26+$0x0] =	vst v2  }
0x2d4: {  	[hbm4b:s31+s25] =	stream.strided.scatter [tilespmem:s29], [sflag:$0x1], $0x500, s30, s25, $0x38;
	[tilespmem:$0x14500] =	vst v63  }
0x2d5: {  	_ =	swait.ge [sflag:s23], $0x500  }
0x2d6: {  	s2 =	sadd.s32 $0x1, s2;
	s31 =	rddreg [dreg:$0x16]  }
0x2d7: {  	p0 =	sne.s32 s2, s31  }
.Ltmp3:
0x2d8: {  	_ = 	snop;
	(pc) =	sbr.rel @p0 .LBB2_1-.Ltmp3, $3  }
0x2d9: {  	_ =	sdelay $0x1  }
0x2da: {  	[sflag:s23] =	ssyncset.done $0x0  }
0x2db: {  	[sflag:s23] =	ssyncadd.s32 $0xFFFFFB00  }
0x2dc: {  	_ =	sfence.sel $0x180000  }
0x2dd: {  	[bflag:$0x0] =	sbarrier.arrive $0xFFFF  }
0x2de: {  	_ =	strace $0x90000047  }
0x2df: {  	s0 =	stileid.u32;
	[bflag:$0x2] =	sbarrier.arrive $0xFFFF  }
0x2e0: {  	p0 =	sne.s32 s0, $0x0;
	s0 =	rddreg [dreg:$0x2]  }
0x2e1: {  	s0 =	sadd.s32 @!p0 $0x100000, s0  }
0x2e2: {  	[sflag:s0] =	ssyncadd.tile.s32 @!p0 $0x1;
	_ =	shalt  }
.Lfunc_end2:
_tile_overlayer_lowered:
.L_overlay_start_2:
0x2e3: {  	(tag) =	ssettag $0x2  }
0x2e4: {  	s0 =	rddreg [dreg:$0x0];
	s2 =	stileid.u32  }
0x2e5: {  	s1 =	rddreg [dreg:$0x1];
	p0 =	sne.s32 s2, $0x0  }
0x2e6: {  	s3 =	rddreg [dreg:$0x2];
	[bflag:$0x3] =	sbarrier.arrive $0xFFFF;
	s2 =	simm.s32 @!p0 $0x1C01  }
0x2e7: {  	[timem:s3], [sflag:s2] =	dma.local @!p0 [hbm:s0], s1  }
0x2e8: {  	s0 =	simm.s32 @!p0 $0x1  }
0x2e9: {  	_ =	swait.ge @!p0 [sflag:s0], s1  }
0x2ea: {  	s1 =	ssub.s32 @!p0 $0x0, s1;
	[sflag:s0] =	ssyncset.done @!p0 $0x0  }
0x2eb: {  	[sflag:s0] =	ssyncadd.s32 @!p0 s1  }
0x2ec: {  	[bflag:$0x3] =	sbarrier.arrive $0xFFFF  }
0x2ed: {  	_ =	shalt  }

// kernel: kernel.9.cloned.1.call-start
scs
__scs_entry_jumppad:
0x0: {  	(pc) =	sbr.rel $0x88, $3  }
0x1: {  	(tag) =	ssettag $0x0;
	lr =	simm.s32 $0x1  }
0x2: {  	[smem:$0x3F9D] =	sst lr;
	_ =	strace $0xD0000000  }
0x3: {  	_ = 	snop  }
0x4: {  	_ = 	snop  }
0x5: {  	_ = 	snop  }
0x6: {  	_ = 	snop  }
0x7: {  	_ = 	snop  }
__scs_overlays_trampoline_lowered:
0x8: {  	[smem:$0x3FAC] =	sst s0  }
0x9: {  	[smem:$0x3FAD] =	sst s1  }
0xa: {  	[smem:$0x3FAE] =	sst s2  }
0xb: {  	[smem:$0x3FAF] =	sst s3  }
0xc: {  	[smem:$0x3FB0] =	sst s4  }
0xd: {  	[smem:$0x3FB1] =	sst s5  }
0xe: {  	[smem:$0x3FB2] =	sst s6  }
0xf: {  	[smem:$0x3FB3] =	sst s7  }
0x10: {  	[smem:$0x3FB4] =	sst s8  }
0x11: {  	[smem:$0x3FB5] =	sst s9;
	s0 =	simm.s32 @!p0 $0x0  }
0x12: {  	s1 =	sld [smem:$0x3F9B];
	s0 =	simm.s32 @p0 $0x1  }
0x13: {  	[smem:$0x3FB6] =	sst s0;
	s0 =	simm.s32 @!p1 $0x0  }
0x14: {  	s2 =	sld [smem:$0x3F9A];
	s0 =	simm.s32 @p1 $0x1  }
0x15: {  	[smem:$0x3FB7] =	sst s0;
	s0 =	simm.s32 @!p2 $0x0  }
0x16: {  	s3 =	sld [smem:$0x3FDB];
	s0 =	simm.s32 @p2 $0x1  }
0x17: {  	s4 =	simm.s32 $0x1BF5;
	[smem:$0x3FB9] =	sst s0  }
0x18: {  	s0 =	sld [smem:$0x3F9C];
	_ =	swait.ge [sflag:s4], $0x0  }
0x19: {  	s7 =	sld [smem:$0x3F9D]  }
0x1a: {  	s8 =	sadd.s32 $0xFFFFE003, lr  }
0x1b: {  	s9 =	sadd.s32 $0xFFFFFEF7, lr;
	s5 =	simm.s32 $0xFFFFFFFF;
	p2 =	slt.u32 s8, $0xFFFFF086  }
0x1c: {  	p1 =	slt.u32 s9, $0xF7A;
	s5 =	simm.s32 @!p2 $0x0  }
0x1d: {  	s5 =	simm.s32 @p1 $0x1;
	p0 =	seq.s32 s7, s2  }
0x1e: {  	s7 =	smul.u32 @!p0 $0xF7A, s2;
	p2 =	seq.s32 @!p0 s5, $0x0  }
0x1f: {  	s9 =	smul.u32 $0xF7A, s1;
	s8 =	simm.s32 @!p0 $0x1BF5;
	p2 =	por !p2, p0  }
0x20: {  	[sflag:s8] =	ssyncset.s32 @!p0 $0xFFFFF086;
	s6 =	sadd.s32 @!p0 s3, s7;
	s7 =	simm.s32 @!p0 $0x108  }
0x21: {  	s3 =	sadd.s32 s3, s9;
	s6 =	sadd.s32 @!p0 $0x88, s6;
	s7 =	simm.s32 @p2 $0x1082  }
0x22: {  	[simem:s7], [sflag:s8] =	dma.local @!p0 [hbm:s6], $0xF7A  }
0x23: {  	s9 =	sor.u32 $0xD0000000, s2;
	s6 =	simm.s32 $0x108;
	_ =	swait.ge @!p0 [sflag:s8], $0x0  }
0x24: {  	s3 =	sadd.s32 $0x88, s3;
	s6 =	simm.s32 @!p1 $0x1082;
	[sflag:s4] =	ssyncset.s32 $0xFFFFF086  }
0x25: {  	[simem:s6], [sflag:s4] =	dma.local [hbm:s3], $0xF7A  }
0x26: {  	[smem:$0x3F9D] =	sst s1;
	(tag) =	ssettag s2;
	_ =	strace s9  }
0x27: {  	s1 =	sld [smem:$0x3FAD]  }
0x28: {  	s2 =	sld [smem:$0x3FAE]  }
0x29: {  	s4 =	sld [smem:$0x3FB0]  }
0x2a: {  	p0 =	seq.s32 s5, $0x0;
	s5 =	sld [smem:$0x3FB1]  }
0x2b: {  	s6 =	sld [smem:$0x3FB2]  }
0x2c: {  	s7 =	sld [smem:$0x3FB3]  }
0x2d: {  	s3 =	simm.s32 $0x108;
	s8 =	sld [smem:$0x3FB4]  }
0x2e: {  	s3 =	simm.s32 @!p0 $0x1082;
	s9 =	sld [smem:$0x3FB5]  }
0x2f: {  	lr =	sadd.s32 s0, s3;
	s0 =	sld [smem:$0x3FAC]  }
0x30: {  	s3 =	sld [smem:$0x3FAF]  }
0x31: {  	[smem:$0x3FB8] =	sst s10  }
0x32: {  	s10 =	sld [smem:$0x3FB6];
	_ =	sdelay $0x3  }
0x33: {  	p0 =	seq.s32 s10, $0x1;
	s10 =	sld [smem:$0x3FB8];
	_ =	sdelay $0x3  }
0x34: {  	[smem:$0x3FB8] =	sst s10  }
0x35: {  	s10 =	sld [smem:$0x3FB7];
	_ =	sdelay $0x3  }
0x36: {  	p1 =	seq.s32 s10, $0x1;
	s10 =	sld [smem:$0x3FB8];
	_ =	sdelay $0x3  }
0x37: {  	[smem:$0x3FB8] =	sst s10  }
0x38: {  	s10 =	sld [smem:$0x3FB9]  }
0x39: {  	_ = 	snop;
	(pc) =	sbr.ind lr, $3  }
0x3a: {  	_ = 	snop  }
0x3b: {  	_ = 	snop  }
0x3c: {  	p2 =	seq.s32 s10, $0x1;
	s10 =	sld [smem:$0x3FB8]  }
0x3d: {  	_ =	shalt  }
0x3e: {  	_ =	shalt  }
0x3f: {  	_ =	shalt  }
0x40: {  	_ =	shalt  }
0x41: {  	_ =	shalt  }
0x42: {  	_ =	shalt  }
0x43: {  	_ =	shalt  }
0x44: {  	_ =	shalt  }
0x45: {  	_ =	shalt  }
0x46: {  	_ =	shalt  }
0x47: {  	_ =	shalt  }
0x48: {  	_ =	shalt  }
0x49: {  	_ =	shalt  }
0x4a: {  	_ =	shalt  }
0x4b: {  	_ =	shalt  }
0x4c: {  	_ =	shalt  }
0x4d: {  	_ =	shalt  }
0x4e: {  	_ =	shalt  }
0x4f: {  	_ =	shalt  }
0x50: {  	_ =	shalt  }
0x51: {  	_ =	shalt  }
0x52: {  	_ =	shalt  }
0x53: {  	_ =	shalt  }
0x54: {  	_ =	shalt  }
0x55: {  	_ =	shalt  }
0x56: {  	_ =	shalt  }
0x57: {  	_ =	shalt  }
0x58: {  	_ =	shalt  }
0x59: {  	_ =	shalt  }
0x5a: {  	_ =	shalt  }
0x5b: {  	_ =	shalt  }
0x5c: {  	_ =	shalt  }
0x5d: {  	_ =	shalt  }
0x5e: {  	_ =	shalt  }
0x5f: {  	_ =	shalt  }
0x60: {  	_ =	shalt  }
0x61: {  	_ =	shalt  }
0x62: {  	_ =	shalt  }
0x63: {  	_ =	shalt  }
0x64: {  	_ =	shalt  }
0x65: {  	_ =	shalt  }
0x66: {  	_ =	shalt  }
0x67: {  	_ =	shalt  }
0x68: {  	_ =	shalt  }
0x69: {  	_ =	shalt  }
0x6a: {  	_ =	shalt  }
0x6b: {  	_ =	shalt  }
0x6c: {  	_ =	shalt  }
0x6d: {  	_ =	shalt  }
0x6e: {  	_ =	shalt  }
0x6f: {  	_ =	shalt  }
0x70: {  	_ =	shalt  }
0x71: {  	_ =	shalt  }
0x72: {  	_ =	shalt  }
0x73: {  	_ =	shalt  }
0x74: {  	_ =	shalt  }
0x75: {  	_ =	shalt  }
0x76: {  	_ =	shalt  }
0x77: {  	_ =	shalt  }
0x78: {  	_ =	shalt  }
0x79: {  	_ =	shalt  }
0x7a: {  	_ =	shalt  }
0x7b: {  	_ =	shalt  }
0x7c: {  	_ =	shalt  }
0x7d: {  	_ =	shalt  }
0x7e: {  	_ =	shalt  }
0x7f: {  	_ =	shalt  }
0x80: {  	_ =	shalt  }
0x81: {  	_ =	shalt  }
0x82: {  	_ =	shalt  }
0x83: {  	_ =	shalt  }
0x84: {  	_ =	shalt  }
0x85: {  	_ =	shalt  }
0x86: {  	_ =	shalt  }
0x87: {  	_ =	shalt  }
.Lfunc_end0:
.L_simem_size_0:
called_computation.1_lowered:
.L_overlay_start_0:
0x88: {  	s2 =	sld [smem:$0x3FD9]  }
0x89: {  	s3 =	sld [smem:$0x3FFE];
	_ =	sdelay $0x1  }
0x8a: {  	s1 =	srdreg.scid  }
0x8b: {  	s0 =	sand.u32 $0x1, s1  }
0x8c: {  	s17 =	sshll.u32 s0, $0xA;
	s2 =	sadd.s32 s3, s2  }
0x8d: {  	s2 =	sadd.s32 s2, s17  }
0x8e: {  	[smem:$0x3FC4] =	sst s2  }
0x8f: {  	_ = 	snop  }
0x90: {  	s2 =	sld [smem:$0x3FD0];
	(tm) =	ssettm $0x1  }
0x91: {  	s18 =	sld [smem:$0x3FFB];
	_ =	sdelay $0x3  }
0x92: {  	_ =	strace s18  }
0x93: {  	s3 =	sld [smem:$0x3FFC];
	_ =	sdelay $0x3  }
0x94: {  	_ =	strace s3  }
0x95: {  	s3 =	sld [smem:$0x3FFD];
	_ =	sdelay $0x3  }
0x96: {  	_ =	strace s3  }
0x97: {  	_ =	strace $0x8FFFFFFF  }
0x98: {  	s19 =	sld [smem:$0x3FDB];
	_ =	sdelay $0x1  }
0x99: {  	s4 =	simm.s32 $_scs_section_size  }
0x9a: {  	s5 =	simm.s32 $_size__tile_overlayer_lowered;
	s6 =	simm.s32 $_tile_overlayer_lowered  }
0x9b: {  	s22 =	simm.s32 $0x1BFF;
	s21 =	sshll.u32 s6, $0x1;
	s3 =	sadd.s32 s4, s19  }
0x9c: {  	s7 =	simm.s32 $0x0;
	s20 =	sshll.u32 s5, $0x1;
	s5 =	sadd.s32 s21, s3  }
0x9d: {  	[timem:s7], [sflag:s22] =	dma.local [hbm:s5], s20  }
0x9e: {  	_ =	swait.ge [sflag:s22], s20  }
0x9f: {  	s4 =	ssub.s32 $0x0, s20;
	[sflag:s22] =	ssyncset.done $0x0  }
0xa0: {  	[sflag:s22] =	ssyncadd.s32 s4;
	_ =	sdelay $0x1  }
0xa1: {  	s23 =	simm.s32 $0x1B8B  }
0xa2: {  	_ =	swait.ge [sflag:s23], $0x1  }
0xa3: {  	[sflag:s23] =	ssyncset.done $0x0  }
0xa4: {  	s25 =	simm.s32 $0x1B8E;
	s24 =	sld [smem:$0x3FFE];
	[sflag:s23] =	ssyncadd.s32 $0xFFFFFFFF  }
0xa5: {  	s26 =	simm.s32 $execute0_lowered;
	[smem:$0x3FD2] =	sst s25  }
0xa6: {  	s5 =	sshll.u32 s26, $0x1;
	_ =	strace $0x80000049;
	[dreg:$0x1] =	wrdreg $0xFFFFFFFF  }
0xa7: {  	s28 =	simm.s32 $_size_execute0_lowered;
	s3 =	sadd.s32 s3, s5;
	[dreg:$0x0] =	wrdreg $0x0  }
0xa8: {  	s5 =	sshll.u32 s28, $0x1;
	[dreg:$0x2] =	wrdreg s3  }
0xa9: {  	[dreg:$0x3] =	wrdreg s5  }
0xaa: {  	[dreg:$0x4] =	wrdreg $0xC0  }
0xab: {  	_ =	task [dreg:s7], $0x5FFFF  }
0xac: {  	[dreg:$0x1] =	wrdreg $0xFFFFFFFF  }
0xad: {  	[dreg:$0x0] =	wrdreg $0x60  }
0xae: {  	[dreg:$0x2] =	wrdreg s24  }
0xaf: {  	[dreg:$0x3] =	wrdreg s2  }
0xb0: {  	[dreg:$0x4] =	wrdreg $0xB8000  }
0xb1: {  	[dreg:$0x5] =	wrdreg $0x9  }
0xb2: {  	_ =	task.clear_ibuf [dreg:s7], $0x6FFFF;
	_ =	strace $0x90000049  }
0xb3: {  	s29 =	simm.s32 $0x9;
	_ =	strace $0x8000004B  }
0xb4: {  	_ =	swait.ge [sflag:s29], $0x1  }
0xb5: {  	[sflag:s29] =	ssyncadd.s32 $0xFFFFFFFF  }
0xb6: {  	_ =	strace $0x9000004B  }
0xb7: {  	_ =	sfence  }
0xb8: {  	s30 =	sld [smem:$0x0];
	_ =	sdelay $0x2  }
0xb9: {  	s31 =	sshll.u32 s1, $0xD;
	s1 =	sshrl.u32 s1, $0x2  }
0xba: {  	s3 =	sand.u32 $0x4000, s31;
	s1 =	sadd.s32 s1, s30  }
0xbb: {  	s0 =	sor.u32 s3, s0;
	s1 =	sshll.u32 s1, $0x11  }
0xbc: {  	s0 =	sor.u32 s1, s0  }
0xbd: {  	s0 =	sadd.s32 $0x8F2B, s0  }
0xbe: {  	[sflag:s0] =	ssyncadd.remote.s32 $0x1  }
0xbf: {  	_ =	sfence.sel $0xFFFF  }
0xc0: {  	[dreg:$0x0] =	wrdreg $0xFFFFFFFF;
	(pc) =	sbr.abs _section_cstart, $3  }
0xc1: {  	[dreg:$0x1] =	wrdreg $0xFFFFFFFF  }
0xc2: {  	_ =	task.clear_ibuf [dreg:s7], $0x2FFFF;
	_ =	strace $0x9FFFFFFF  }
0xc3: {  	(tm) =	ssettm $0x7FFFFFFF  }
tec
execute0_lowered:
.L_overlay_start_1:
0x0: {  	(tag) =	ssettag $0x1  }
0x1: {  	s3 =	rddreg [dreg:$0x0]  }
0x2: {  	s0 =	srdreg.scid;
	s6 =	rddreg [dreg:$0x1]  }
0x3: {  	s4 =	stileid.u32;
	s2 =	rddreg [dreg:$0x2];
	s9 =	simm.s32 $0x0  }
0x4: {  	s28 =	simm.s32 $0x1;
	s29 =	simm.s32 $0x2;
	s30 =	simm.s32 $0x3  }
0x5: {  	s31 =	simm.s32 $0x4;
	s11 =	simm.s32 $0xA;
	s12 =	simm.s32 $0x0  }
0x6: {  	s0 =	sand.u32 $0x1, s0;
	s8 =	smul.u32 $0x14000, s4;
	[smem:$0x7FF] =	sst s9  }
0x7: {  	s15 =	smul.u32 $0x50000, s4;
	s9 =	simm.s32 $0x8;
	s1 =	sshll.u32 s0, $0x4  }
0x8: {  	s7 =	smul.u32 $0x140000, s0;
	_ =	strace $0x8000004A;
	s0 =	ssub.s32 $0x2, s0  }
0x9: {  	s1 =	sor.u32 s4, s1;
	s4 =	sadd.s32 $0x15400, s3;
	s18 =	sshrl.u32 s0, $0x1  }
0xa: {  	s5 =	smul.u32 $0x500, s1;
	s0 =	ssub.s32 s0, s18;
	s1 =	sshll.u32 s1, $0xB  }
0xb: {  	s17 =	sshrl.u32 s15, $0x2;
	s1 =	sadd.s32 s6, s1;
	s0 =	smax.u32 s0, $0x1  }
0xc: {  	s10 =	sadd.s32 s5, s3;
	s5 =	sadd.s32 s17, s2;
	[dreg:$0xc] =	wrdreg s1  }
0xd: {  	s16 =	sadd.s32 s8, s7;
	[dreg:$0xe] =	wrdreg s0;
	s7 =	sadd.s32 $0x2800, s5  }
0xe: {  	s18 =	simm.s32 $0xB;
	s19 =	sadd.s32 $0x5000, s5;
	[dreg:$0x4] =	wrdreg s7  }
0xf: {  	s8 =	sshrl.u32 s16, $0x3;
	s20 =	sadd.s32 $0x7800, s5;
	[dreg:$0x5] =	wrdreg s19  }
0x10: {  	s6 =	simm.s32 $0x50;
	s21 =	sadd.s32 $0xA000, s5;
	[dreg:$0x6] =	wrdreg s20  }
0x11: {  	s3 =	sadd.s32 s8, s3;
	s22 =	sadd.s32 $0xC800, s5;
	[dreg:$0x7] =	wrdreg s21  }
0x12: {  	s17 =	simm.s32 $0x6800;
	s23 =	sadd.s32 $0xF000, s5;
	[dreg:$0x8] =	wrdreg s22  }
0x13: {  	s1 =	simm.s32 $0x5;
	s24 =	sadd.s32 $0x11800, s5;
	[dreg:$0x9] =	wrdreg s23  }
0x14: {  	s0 =	simm.s32 $0xA000;
	s25 =	sadd.s32 $0xB400, s10;
	[dreg:$0xa] =	wrdreg s24  }
0x15: {  	s8 =	simm.s32 $0x7;
	s26 =	sadd.s32 $0x3D400, s3;
	[dreg:$0xb] =	wrdreg s25  }
0x16: {  	s3 =	simm.s32 $0x9000;
	s10 =	simm.s32 $0x9;
	[dreg:$0xd] =	wrdreg s26  }
0x17: {  	s19 =	simm.s32 $0x10;
	s20 =	simm.s32 $0x7000;
	s22 =	simm.s32 $0x7800  }
0x18: {  	s24 =	simm.s32 $0x8000;
	s26 =	simm.s32 $0x8800;
	s21 =	simm.s32 $0x9800  }
0x19: {  	v0 =	vimm.f32 $0.0e+00;
	s23 =	simm.s32 $0xA800;
	s25 =	simm.s32 $0xB000;
	s7 =	simm.s32 $0x6  }
.LBB2_1:
0x1a: {  	s14 =	simm.s32 $0x0  }
0x1b: {  	s13 =	simm.s32 $0x10;
	s14 =	sand.u32 $0x3FF0, s14  }
.LBB2_2:
0x1c: {  	p0 =	sne.s32 s13, $0x27F0;
	[tilespmem:s14+$0x6800] =	vst v0;
	s14 =	smov.u32 s13;
	s13 =	sadd.s32 $0x10, s13  }
.Ltmp0:
0x1d: {  	(pc) =	sbr.rel @p0 .LBB2_2-.Ltmp0, $2  }
0x1e: {  	_ =	sdelay $0x2  }
0x1f: {  	s14 =	sand.u32 $0x3FF0, s14  }
0x20: {  	[tilespmem:s14+$0x6800] =	vst v0  }
0x21: {  	[spmem:s5] =	stream.linear.scatter [tilespmem:s17], [sflag:$0xB], $0x2800, $0x38;
	[tilespmem:$0x1F800] =	vst v63  }
0x22: {  	_ =	swait.ge [sflag:s18], $0x2800  }
0x23: {  	[sflag:s18] =	ssyncset.done $0x0  }
0x24: {  	s13 =	rddreg [dreg:$0x4];
	[sflag:s18] =	ssyncadd.s32 $0xFFFFD800  }
0x25: {  	[spmem:s13] =	stream.linear.scatter [tilespmem:s17], [sflag:$0xB], $0x2800, $0x38;
	[tilespmem:$0x1F800] =	vst v63  }
0x26: {  	_ =	swait.ge [sflag:s18], $0x2800  }
0x27: {  	[sflag:s18] =	ssyncset.done $0x0  }
0x28: {  	s16 =	rddreg [dreg:$0x5];
	[sflag:s18] =	ssyncadd.s32 $0xFFFFD800  }
0x29: {  	[spmem:s16] =	stream.linear.scatter [tilespmem:s17], [sflag:$0xB], $0x2800, $0x38;
	[tilespmem:$0x1F800] =	vst v63  }
0x2a: {  	_ =	swait.ge [sflag:s18], $0x2800  }
0x2b: {  	[sflag:s18] =	ssyncset.done $0x0  }
0x2c: {  	s14 =	rddreg [dreg:$0x6];
	[sflag:s18] =	ssyncadd.s32 $0xFFFFD800  }
0x2d: {  	[spmem:s14] =	stream.linear.scatter [tilespmem:s17], [sflag:$0xB], $0x2800, $0x38;
	[tilespmem:$0x1F800] =	vst v63  }
0x2e: {  	_ =	swait.ge [sflag:s18], $0x2800  }
0x2f: {  	[sflag:s18] =	ssyncset.done $0x0  }
0x30: {  	s15 =	rddreg [dreg:$0x7];
	[sflag:s18] =	ssyncadd.s32 $0xFFFFD800  }
0x31: {  	[spmem:s15] =	stream.linear.scatter [tilespmem:s17], [sflag:$0xB], $0x2800, $0x38;
	[tilespmem:$0x1F800] =	vst v63  }
0x32: {  	_ =	swait.ge [sflag:s18], $0x2800  }
0x33: {  	[sflag:s18] =	ssyncset.done $0x0  }
0x34: {  	s16 =	rddreg [dreg:$0x8];
	[sflag:s18] =	ssyncadd.s32 $0xFFFFD800  }
0x35: {  	[spmem:s16] =	stream.linear.scatter [tilespmem:s17], [sflag:$0xB], $0x2800, $0x38;
	[tilespmem:$0x1F800] =	vst v63  }
0x36: {  	_ =	swait.ge [sflag:s18], $0x2800  }
0x37: {  	[sflag:s18] =	ssyncset.done $0x0  }
0x38: {  	s14 =	rddreg [dreg:$0x9];
	[sflag:s18] =	ssyncadd.s32 $0xFFFFD800  }
0x39: {  	[spmem:s14] =	stream.linear.scatter [tilespmem:s17], [sflag:$0xB], $0x2800, $0x38;
	[tilespmem:$0x1F800] =	vst v63  }
0x3a: {  	_ =	swait.ge [sflag:s18], $0x2800  }
0x3b: {  	[sflag:s18] =	ssyncset.done $0x0  }
0x3c: {  	s15 =	rddreg [dreg:$0xa];
	[sflag:s18] =	ssyncadd.s32 $0xFFFFD800  }
0x3d: {  	[spmem:s15] =	stream.linear.scatter [tilespmem:s17], [sflag:$0xB], $0x2800, $0x38;
	[tilespmem:$0x1F800] =	vst v63  }
0x3e: {  	_ =	swait.ge [sflag:s18], $0x2800  }
0x3f: {  	[sflag:s18] =	ssyncset.done $0x0  }
0x40: {  	[sflag:s18] =	ssyncadd.s32 $0xFFFFD800  }
0x41: {  	[bflag:$0x0] =	sbarrier.arrive $0xFFFF  }
0x42: {  	s14 =	simm.s32 $0x0;
	s16 =	rddreg [dreg:$0xb]  }
0x43: {  	[tilespmem:s14], [sflag:$0xB] =	stream.linear.gather [hbm4b:s16+s14], $0x2800, $0x38;
	[tilespmem:$0x1F800] =	vst v63  }
0x44: {  	_ =	swait.ge [sflag:s18], $0x2800  }
0x45: {  	[sflag:s18] =	ssyncset.done $0x0  }
0x46: {  	s13 =	simm.s32 $0x2800;
	s15 =	rddreg [dreg:$0xc];
	[sflag:s18] =	ssyncadd.s32 $0xFFFFD800  }
0x47: {  	[tilespmem:s13], [sflag:$0xB] =	stream.linear.gather [hbm4b:s15+s14], $0x4000, $0x38;
	[tilespmem:$0x1F800] =	vst v63  }
0x48: {  	_ =	swait.ge [sflag:s18], $0x4000  }
0x49: {  	[sflag:s18] =	ssyncset.done $0x0  }
0x4a: {  	[sflag:s18] =	ssyncadd.s32 $0xFFFFC000  }
0x4b: {  	[tilespmem:s17], [sflag:$0x1] =	stream.indirect.gather [hbm4b:s4+s19], $0x80, s14, s19, $0xb8;
	[tilespmem:$0x1F800] =	vst v63  }
0x4c: {  	_ = 	snop  }
0x4d: {  	[tilespmem:s20], [sflag:$0x2] =	stream.indirect.gather [hbm4b:s4+s19], $0x80, s19, s19, $0xb8;
	[tilespmem:$0x1F800] =	vst v63  }
0x4e: {  	s15 =	simm.s32 $0x20  }
0x4f: {  	[tilespmem:s22], [sflag:$0x3] =	stream.indirect.gather [hbm4b:s4+s19], $0x80, s15, s19, $0xb8;
	[tilespmem:$0x1F800] =	vst v63  }
0x50: {  	s16 =	simm.s32 $0x30  }
0x51: {  	[tilespmem:s24], [sflag:$0x4] =	stream.indirect.gather [hbm4b:s4+s19], $0x80, s16, s19, $0xb8;
	[tilespmem:$0x1F800] =	vst v63  }
0x52: {  	s15 =	simm.s32 $0x40  }
0x53: {  	[tilespmem:s26], [sflag:$0x5] =	stream.indirect.gather [hbm4b:s4+s19], $0x80, s15, s19, $0xb8;
	[tilespmem:$0x1F800] =	vst v63  }
0x54: {  	_ =	swait.ge [sflag:s28], $0x800  }
0x55: {  	[sflag:s28] =	ssyncset.done $0x0  }
0x56: {  	[sflag:s28] =	ssyncadd.s32 $0xFFFFF800  }
0x57: {  	_ =	swait.ge [sflag:s29], $0x800  }
0x58: {  	[sflag:s29] =	ssyncset.done $0x0  }
0x59: {  	[sflag:s29] =	ssyncadd.s32 $0xFFFFF800  }
0x5a: {  	_ =	swait.ge [sflag:s30], $0x800  }
0x5b: {  	[sflag:s30] =	ssyncset.done $0x0  }
0x5c: {  	[sflag:s30] =	ssyncadd.s32 $0xFFFFF800  }
0x5d: {  	_ =	swait.ge [sflag:s31], $0x800  }
0x5e: {  	[sflag:s31] =	ssyncset.done $0x0  }
0x5f: {  	[sflag:s31] =	ssyncadd.s32 $0xFFFFF800  }
0x60: {  	_ =	swait.ge [sflag:s1], $0x800  }
0x61: {  	[sflag:s1] =	ssyncset.done $0x0  }
0x62: {  	s16 =	simm.s32 $0x50;
	[sflag:s1] =	ssyncadd.s32 $0xFFFFF800  }
0x63: {  	[tilespmem:s3], [sflag:$0x6] =	stream.indirect.gather [hbm4b:s4+s19], $0x80, s16, s19, $0xb8;
	[tilespmem:$0x1F800] =	vst v63  }
0x64: {  	s15 =	simm.s32 $0x60  }
0x65: {  	[tilespmem:s21], [sflag:$0x7] =	stream.indirect.gather [hbm4b:s4+s19], $0x80, s15, s19, $0xb8;
	[tilespmem:$0x1F800] =	vst v63  }
0x66: {  	s16 =	simm.s32 $0x70  }
0x67: {  	[tilespmem:s0], [sflag:$0x8] =	stream.indirect.gather [hbm4b:s4+s19], $0x80, s16, s19, $0xb8;
	[tilespmem:$0x1F800] =	vst v63  }
0x68: {  	s15 =	simm.s32 $0x80  }
0x69: {  	[tilespmem:s23], [sflag:$0x9] =	stream.indirect.gather [hbm4b:s4+s19], $0x80, s15, s19, $0xb8;
	[tilespmem:$0x1F800] =	vst v63  }
0x6a: {  	s16 =	simm.s32 $0x90  }
0x6b: {  	[tilespmem:s25], [sflag:$0xA] =	stream.indirect.gather [hbm4b:s4+s19], $0x80, s16, s19, $0xb8;
	[tilespmem:$0x1F800] =	vst v63  }
0x6c: {  	_ = 	snop  }
0x6d: {  	[spmem:s2] =	stream.indirect.scatter.add.f32 [tilespmem:s17], [sflag:$0xB], $0x80, s13, s6, $0xb8;
	[tilespmem:$0x1F800] =	vst v63  }
0x6e: {  	_ =	swait.ge [sflag:s18], $0x2800  }
0x6f: {  	[sflag:s18] =	ssyncset.done $0x0  }
0x70: {  	[sflag:s18] =	ssyncadd.s32 $0xFFFFD800  }
0x71: {  	_ =	swait.ge [sflag:s7], $0x800  }
0x72: {  	[sflag:s7] =	ssyncset.done $0x0  }
0x73: {  	[sflag:s7] =	ssyncadd.s32 $0xFFFFF800  }
0x74: {  	_ =	swait.ge [sflag:s8], $0x800  }
0x75: {  	[sflag:s8] =	ssyncset.done $0x0  }
0x76: {  	[sflag:s8] =	ssyncadd.s32 $0xFFFFF800  }
0x77: {  	_ =	swait.ge [sflag:s9], $0x800  }
0x78: {  	[sflag:s9] =	ssyncset.done $0x0  }
0x79: {  	[sflag:s9] =	ssyncadd.s32 $0xFFFFF800  }
0x7a: {  	_ =	swait.ge [sflag:s10], $0x800  }
0x7b: {  	[sflag:s10] =	ssyncset.done $0x0  }
0x7c: {  	[sflag:s10] =	ssyncadd.s32 $0xFFFFF800  }
0x7d: {  	_ =	swait.ge [sflag:s11], $0x800  }
0x7e: {  	[sflag:s11] =	ssyncset.done $0x0  }
0x7f: {  	s15 =	simm.s32 $0xA0;
	[sflag:s11] =	ssyncadd.s32 $0xFFFFF800  }
0x80: {  	[tilespmem:s17], [sflag:$0x1] =	stream.indirect.gather [hbm4b:s4+s19], $0x80, s15, s19, $0xb8;
	[tilespmem:$0x1F800] =	vst v63  }
0x81: {  	s16 =	simm.s32 $0xB0  }
0x82: {  	[tilespmem:s20], [sflag:$0x2] =	stream.indirect.gather [hbm4b:s4+s19], $0x80, s16, s19, $0xb8;
	[tilespmem:$0x1F800] =	vst v63  }
0x83: {  	s15 =	simm.s32 $0xC0  }
0x84: {  	[tilespmem:s22], [sflag:$0x3] =	stream.indirect.gather [hbm4b:s4+s19], $0x80, s15, s19, $0xb8;
	[tilespmem:$0x1F800] =	vst v63  }
0x85: {  	s16 =	simm.s32 $0xD0  }
0x86: {  	[tilespmem:s24], [sflag:$0x4] =	stream.indirect.gather [hbm4b:s4+s19], $0x80, s16, s19, $0xb8;
	[tilespmem:$0x1F800] =	vst v63  }
0x87: {  	s15 =	simm.s32 $0xE0  }
0x88: {  	[tilespmem:s26], [sflag:$0x5] =	stream.indirect.gather [hbm4b:s4+s19], $0x80, s15, s19, $0xb8;
	[tilespmem:$0x1F800] =	vst v63  }
0x89: {  	s16 =	simm.s32 $0x2880  }
0x8a: {  	[spmem:s2] =	stream.indirect.scatter.add.f32 [tilespmem:s3], [sflag:$0xB], $0x80, s16, s6, $0xb8;
	[tilespmem:$0x1F800] =	vst v63  }
0x8b: {  	_ =	swait.ge [sflag:s18], $0x2800  }
0x8c: {  	s14 =	simm.s32 $0x280;
	[sflag:s18] =	ssyncset.done $0x0  }
.LBB2_4:
0x8d: {  	p0 =	sne.s32 s14, $0x9B00;
	[sflag:s18] =	ssyncadd.s32 $0xFFFFD800;
	s13 =	sadd.s32 $0x100, s13  }
0x8e: {  	s15 =	smov.u32 s14;
	s14 =	sadd.s32 $0x280, s14  }
0x8f: {  	_ =	swait.ge [sflag:s28], $0x800  }
0x90: {  	[sflag:s28] =	ssyncset.done $0x0  }
0x91: {  	[sflag:s28] =	ssyncadd.s32 $0xFFFFF800  }
0x92: {  	_ =	swait.ge [sflag:s29], $0x800  }
0x93: {  	[sflag:s29] =	ssyncset.done $0x0  }
0x94: {  	[sflag:s29] =	ssyncadd.s32 $0xFFFFF800  }
0x95: {  	_ =	swait.ge [sflag:s30], $0x800  }
0x96: {  	[sflag:s30] =	ssyncset.done $0x0  }
0x97: {  	[sflag:s30] =	ssyncadd.s32 $0xFFFFF800  }
0x98: {  	_ =	swait.ge [sflag:s31], $0x800  }
0x99: {  	[sflag:s31] =	ssyncset.done $0x0  }
0x9a: {  	[sflag:s31] =	ssyncadd.s32 $0xFFFFF800  }
0x9b: {  	_ =	swait.ge [sflag:s1], $0x800  }
0x9c: {  	s15 =	sshra.s32 s15, $0x2;
	[sflag:s1] =	ssyncset.done $0x0  }
0x9d: {  	s16 =	sadd.s32 $0x50, s15;
	[sflag:s1] =	ssyncadd.s32 $0xFFFFF800  }
0x9e: {  	[tilespmem:s3], [sflag:$0x6] =	stream.indirect.gather [hbm4b:s4+s19], $0x80, s16, s19, $0xb8;
	[tilespmem:$0x1F800] =	vst v63  }
0x9f: {  	s16 =	sadd.s32 $0x60, s15  }
0xa0: {  	[tilespmem:s21], [sflag:$0x7] =	stream.indirect.gather [hbm4b:s4+s19], $0x80, s16, s19, $0xb8;
	[tilespmem:$0x1F800] =	vst v63  }
0xa1: {  	s16 =	sadd.s32 $0x70, s15  }
0xa2: {  	[tilespmem:s0], [sflag:$0x8] =	stream.indirect.gather [hbm4b:s4+s19], $0x80, s16, s19, $0xb8;
	[tilespmem:$0x1F800] =	vst v63  }
0xa3: {  	s16 =	sadd.s32 $0x80, s15  }
0xa4: {  	[tilespmem:s23], [sflag:$0x9] =	stream.indirect.gather [hbm4b:s4+s19], $0x80, s16, s19, $0xb8;
	[tilespmem:$0x1F800] =	vst v63  }
0xa5: {  	s16 =	sadd.s32 $0x90, s15  }
0xa6: {  	[tilespmem:s25], [sflag:$0xA] =	stream.indirect.gather [hbm4b:s4+s19], $0x80, s16, s19, $0xb8;
	[tilespmem:$0x1F800] =	vst v63  }
0xa7: {  	_ = 	snop  }
0xa8: {  	[spmem:s2] =	stream.indirect.scatter.add.f32 [tilespmem:s17], [sflag:$0xB], $0x80, s13, s6, $0xb8;
	[tilespmem:$0x1F800] =	vst v63  }
0xa9: {  	_ =	swait.ge [sflag:s18], $0x2800  }
0xaa: {  	[sflag:s18] =	ssyncset.done $0x0  }
0xab: {  	[sflag:s18] =	ssyncadd.s32 $0xFFFFD800  }
0xac: {  	_ =	swait.ge [sflag:s7], $0x800  }
0xad: {  	[sflag:s7] =	ssyncset.done $0x0  }
0xae: {  	[sflag:s7] =	ssyncadd.s32 $0xFFFFF800  }
0xaf: {  	_ =	swait.ge [sflag:s8], $0x800  }
0xb0: {  	[sflag:s8] =	ssyncset.done $0x0  }
0xb1: {  	[sflag:s8] =	ssyncadd.s32 $0xFFFFF800  }
0xb2: {  	_ =	swait.ge [sflag:s9], $0x800  }
0xb3: {  	[sflag:s9] =	ssyncset.done $0x0  }
0xb4: {  	[sflag:s9] =	ssyncadd.s32 $0xFFFFF800  }
0xb5: {  	_ =	swait.ge [sflag:s10], $0x800  }
0xb6: {  	[sflag:s10] =	ssyncset.done $0x0  }
0xb7: {  	[sflag:s10] =	ssyncadd.s32 $0xFFFFF800  }
0xb8: {  	_ =	swait.ge [sflag:s11], $0x800  }
0xb9: {  	[sflag:s11] =	ssyncset.done $0x0  }
0xba: {  	s16 =	sadd.s32 $0xA0, s15;
	[sflag:s11] =	ssyncadd.s32 $0xFFFFF800  }
0xbb: {  	[tilespmem:s17], [sflag:$0x1] =	stream.indirect.gather [hbm4b:s4+s19], $0x80, s16, s19, $0xb8;
	[tilespmem:$0x1F800] =	vst v63  }
0xbc: {  	s16 =	sadd.s32 $0xB0, s15  }
0xbd: {  	[tilespmem:s20], [sflag:$0x2] =	stream.indirect.gather [hbm4b:s4+s19], $0x80, s16, s19, $0xb8;
	[tilespmem:$0x1F800] =	vst v63  }
0xbe: {  	s16 =	sadd.s32 $0xC0, s15  }
0xbf: {  	[tilespmem:s22], [sflag:$0x3] =	stream.indirect.gather [hbm4b:s4+s19], $0x80, s16, s19, $0xb8;
	[tilespmem:$0x1F800] =	vst v63  }
0xc0: {  	s16 =	sadd.s32 $0xD0, s15  }
0xc1: {  	[tilespmem:s24], [sflag:$0x4] =	stream.indirect.gather [hbm4b:s4+s19], $0x80, s16, s19, $0xb8;
	[tilespmem:$0x1F800] =	vst v63  }
0xc2: {  	s15 =	sadd.s32 $0xE0, s15  }
0xc3: {  	[tilespmem:s26], [sflag:$0x5] =	stream.indirect.gather [hbm4b:s4+s19], $0x80, s15, s19, $0xb8;
	[tilespmem:$0x1F800] =	vst v63  }
.Ltmp1:
0xc4: {  	_ = 	snop;
	(pc) =	sbr.rel @p0 .LBB2_4-.Ltmp1, $4  }
0xc5: {  	s15 =	sadd.s32 $0x80, s13  }
0xc6: {  	[spmem:s2] =	stream.indirect.scatter.add.f32 [tilespmem:s3], [sflag:$0xB], $0x80, s15, s6, $0xb8;
	[tilespmem:$0x1F800] =	vst v63  }
0xc7: {  	_ =	swait.ge [sflag:s18], $0x2800  }
0xc8: {  	[sflag:s18] =	ssyncset.done $0x0  }
0xc9: {  	[sflag:s18] =	ssyncadd.s32 $0xFFFFD800  }
0xca: {  	_ =	swait.ge [sflag:s28], $0x800  }
0xcb: {  	[sflag:s28] =	ssyncset.done $0x0  }
0xcc: {  	[sflag:s28] =	ssyncadd.s32 $0xFFFFF800  }
0xcd: {  	_ =	swait.ge [sflag:s29], $0x800  }
0xce: {  	[sflag:s29] =	ssyncset.done $0x0  }
0xcf: {  	[sflag:s29] =	ssyncadd.s32 $0xFFFFF800  }
0xd0: {  	_ =	swait.ge [sflag:s30], $0x800  }
0xd1: {  	[sflag:s30] =	ssyncset.done $0x0  }
0xd2: {  	[sflag:s30] =	ssyncadd.s32 $0xFFFFF800  }
0xd3: {  	_ =	swait.ge [sflag:s31], $0x800  }
0xd4: {  	[sflag:s31] =	ssyncset.done $0x0  }
0xd5: {  	[sflag:s31] =	ssyncadd.s32 $0xFFFFF800  }
0xd6: {  	_ =	swait.ge [sflag:s1], $0x800  }
0xd7: {  	[sflag:s1] =	ssyncset.done $0x0  }
0xd8: {  	s13 =	simm.s32 $0x27B0;
	[sflag:s1] =	ssyncadd.s32 $0xFFFFF800  }
0xd9: {  	[tilespmem:s3], [sflag:$0x6] =	stream.indirect.gather [hbm4b:s4+s19], $0x80, s13, s19, $0xb8;
	[tilespmem:$0x1F800] =	vst v63  }
0xda: {  	s15 =	simm.s32 $0x27C0  }
0xdb: {  	[tilespmem:s21], [sflag:$0x7] =	stream.indirect.gather [hbm4b:s4+s19], $0x80, s15, s19, $0xb8;
	[tilespmem:$0x1F800] =	vst v63  }
0xdc: {  	s16 =	simm.s32 $0x27D0  }
0xdd: {  	[tilespmem:s0], [sflag:$0x8] =	stream.indirect.gather [hbm4b:s4+s19], $0x80, s16, s19, $0xb8;
	[tilespmem:$0x1F800] =	vst v63  }
0xde: {  	s14 =	simm.s32 $0x27E0  }
0xdf: {  	[tilespmem:s23], [sflag:$0x9] =	stream.indirect.gather [hbm4b:s4+s19], $0x80, s14, s19, $0xb8;
	[tilespmem:$0x1F800] =	vst v63  }
0xe0: {  	s15 =	simm.s32 $0x27F0  }
0xe1: {  	[tilespmem:s25], [sflag:$0xA] =	stream.indirect.gather [hbm4b:s4+s19], $0x80, s15, s19, $0xb8;
	[tilespmem:$0x1F800] =	vst v63  }
0xe2: {  	s16 =	simm.s32 $0x6700  }
0xe3: {  	[spmem:s2] =	stream.indirect.scatter.add.f32 [tilespmem:s17], [sflag:$0xB], $0x80, s16, s6, $0xb8;
	[tilespmem:$0x1F800] =	vst v63  }
0xe4: {  	_ =	swait.ge [sflag:s18], $0x2800  }
0xe5: {  	[sflag:s18] =	ssyncset.done $0x0  }
0xe6: {  	[sflag:s18] =	ssyncadd.s32 $0xFFFFD800  }
0xe7: {  	_ =	swait.ge [sflag:s7], $0x800  }
0xe8: {  	[sflag:s7] =	ssyncset.done $0x0  }
0xe9: {  	[sflag:s7] =	ssyncadd.s32 $0xFFFFF800  }
0xea: {  	_ =	swait.ge [sflag:s8], $0x800  }
0xeb: {  	[sflag:s8] =	ssyncset.done $0x0  }
0xec: {  	[sflag:s8] =	ssyncadd.s32 $0xFFFFF800  }
0xed: {  	_ =	swait.ge [sflag:s9], $0x800  }
0xee: {  	[sflag:s9] =	ssyncset.done $0x0  }
0xef: {  	[sflag:s9] =	ssyncadd.s32 $0xFFFFF800  }
0xf0: {  	_ =	swait.ge [sflag:s10], $0x800  }
0xf1: {  	[sflag:s10] =	ssyncset.done $0x0  }
0xf2: {  	[sflag:s10] =	ssyncadd.s32 $0xFFFFF800  }
0xf3: {  	_ =	swait.ge [sflag:s11], $0x800  }
0xf4: {  	[sflag:s11] =	ssyncset.done $0x0  }
0xf5: {  	s14 =	simm.s32 $0x6780;
	[sflag:s11] =	ssyncadd.s32 $0xFFFFF800  }
0xf6: {  	[spmem:s2] =	stream.indirect.scatter.add.f32 [tilespmem:s3], [sflag:$0xB], $0x80, s14, s6, $0xb8;
	[tilespmem:$0x1F800] =	vst v63  }
0xf7: {  	_ =	swait.ge [sflag:s18], $0x2800  }
0xf8: {  	[sflag:s18] =	ssyncset.done $0x0  }
0xf9: {  	s15 =	stileid.u32;
	[sflag:s18] =	ssyncadd.s32 $0xFFFFD800  }
0xfa: {  	s13 =	sshll.u32 s15, $0x6;
	[bflag:$0x0] =	sbarrier.arrive $0xFFFF  }
0xfb: {  	s13 =	sor.u32 $0x1C0B, s13;
	s14 =	sshrl.u32 s5, $0x3;
	s15 =	rddreg [dreg:$0xd]  }
0xfc: {  	[hbm:s15], [sflag:s13] =	dma.local [spmem:s14], $0x2800  }
0xfd: {  	_ =	swait.ge [sflag:s18], $0x2800  }
0xfe: {  	s12 =	sadd.s32 $0x1, s12;
	s16 =	rddreg [dreg:$0xe]  }
0xff: {  	p0 =	sne.s32 s12, s16  }
.Ltmp2:
0x100: {  	_ = 	snop;
	(pc) =	sbr.rel @p0 .LBB2_1-.Ltmp2, $3  }
0x101: {  	_ =	sdelay $0x1  }
0x102: {  	[sflag:s18] =	ssyncset.done $0x0  }
0x103: {  	[sflag:s18] =	ssyncadd.s32 $0xFFFFD800  }
0x104: {  	_ =	sfence.sel $0x180000  }
0x105: {  	[bflag:$0x0] =	sbarrier.arrive $0xFFFF  }
0x106: {  	_ =	strace $0x9000004A  }
0x107: {  	s0 =	stileid.u32;
	[bflag:$0x2] =	sbarrier.arrive $0xFFFF  }
0x108: {  	p0 =	sne.s32 s0, $0x0;
	s0 =	rddreg [dreg:$0x3]  }
0x109: {  	s0 =	sadd.s32 @!p0 $0x100000, s0  }
0x10a: {  	[sflag:s0] =	ssyncadd.tile.s32 @!p0 $0x1;
	_ =	shalt  }
.Lfunc_end2:
_tile_overlayer_lowered:
.L_overlay_start_2:
0x10b: {  	(tag) =	ssettag $0x2  }
0x10c: {  	s0 =	rddreg [dreg:$0x0];
	s2 =	stileid.u32  }
0x10d: {  	s1 =	rddreg [dreg:$0x1];
	p0 =	sne.s32 s2, $0x0  }
0x10e: {  	s3 =	rddreg [dreg:$0x2];
	[bflag:$0x3] =	sbarrier.arrive $0xFFFF;
	s2 =	simm.s32 @!p0 $0x1C0B  }
0x10f: {  	[timem:s3], [sflag:s2] =	dma.local @!p0 [hbm:s0], s1  }
0x110: {  	s0 =	simm.s32 @!p0 $0xB  }
0x111: {  	_ =	swait.ge @!p0 [sflag:s0], s1  }
0x112: {  	s1 =	ssub.s32 @!p0 $0x0, s1;
	[sflag:s0] =	ssyncset.done @!p0 $0x0  }
0x113: {  	[sflag:s0] =	ssyncadd.s32 @!p0 s1  }
0x114: {  	[bflag:$0x3] =	sbarrier.arrive $0xFFFF  }
0x115: {  	_ =	shalt  }

</sc_bundles>
